<compile_context>
chip_gen: v7x
topology: tpu7x:2x2x1
jax: 0.10.2.dev20260603
libtpu: 0.0.44.dev20260713+nightly
codegen_flags: <defaults>
</compile_context>

<pallas_src>
import functools

import jax
import jax.numpy as jnp
from jax import lax
from jax.experimental import pallas as pl
from jax.experimental.pallas import tpu as pltpu
from jax.experimental.pallas import tpu_sc as plsc

NC = 2
NS = 16
L = 16
TABW = 144


def _proj_body(x_ref, wl_ref, bl_ref, wr_ref, br_ref, xl_ref, xr_ref):
    x = x_ref[...]
    xl_ref[...] = jnp.dot(x, wl_ref[...], preferred_element_type=jnp.float32) + bl_ref[...]
    xr_ref[...] = jnp.dot(x, wr_ref[...], preferred_element_type=jnp.float32) + br_ref[...]


def _projections(x, Wl, bl, Wr, br):
    n, d = x.shape
    c = Wl.shape[1]
    blk = 2000
    grid = n // blk
    return pl.pallas_call(
        _proj_body,
        grid=(grid,),
        in_specs=[
            pl.BlockSpec((blk, d), lambda i: (i, 0)),
            pl.BlockSpec((d, c), lambda i: (0, 0)),
            pl.BlockSpec((1, c), lambda i: (0, 0)),
            pl.BlockSpec((d, c), lambda i: (0, 0)),
            pl.BlockSpec((1, c), lambda i: (0, 0)),
        ],
        out_specs=[
            pl.BlockSpec((blk, c), lambda i: (i, 0)),
            pl.BlockSpec((blk, c), lambda i: (i, 0)),
        ],
        out_shape=[
            jax.ShapeDtypeStruct((n, c), jnp.float32),
            jax.ShapeDtypeStruct((n, c), jnp.float32),
        ],
    )(x, Wl, bl.reshape(1, c), Wr, br.reshape(1, c))


def _make_sc_edge(n, e, c):
    nw = NC * NS
    epw = e // nw
    ch = 40
    nchunk = epw // ch
    rt = n // NS
    nj = c // L

    mesh = plsc.VectorSubcoreMesh(core_axis_name="c", subcore_axis_name="s")

    @functools.partial(
        pl.kernel,
        out_type=jax.ShapeDtypeStruct((NC, n, TABW), jnp.float32),
        mesh=mesh,
        compiler_params=pltpu.CompilerParams(use_tc_tiling_on_sc=False,
                                             needs_layout_passes=False),
        scratch_types=[
            pltpu.VMEM((2, ch), jnp.int32),
            pltpu.VMEM((2, ch), jnp.int32),
            pltpu.VMEM((2, ch, c), jnp.float32),
            pltpu.VMEM((2, ch, c), jnp.float32),
            pltpu.VMEM((2, ch, TABW), jnp.float32),
            pltpu.VMEM((c,), jnp.float32),
            pltpu.VMEM_SHARED((n, TABW), jnp.float32),
            pltpu.SemaphoreType.DMA,
            pltpu.SemaphoreType.DMA,
            pltpu.SemaphoreType.DMA,
            pltpu.SemaphoreType.DMA,
        ],
    )
    def sc_edge(xl_hbm, xr_hbm, src_hbm, dst_hbm, att_hbm, zero_hbm, tab_hbm,
                srcv, dstv, xlv, xrv, obuf, attv, sctab,
                sem1, sem2, sem3, sem4):
        cid = lax.axis_index("c")
        sid = lax.axis_index("s")
        wid = sid * NC + cid

        pltpu.sync_copy(att_hbm, attv)
        pltpu.sync_copy(zero_hbm.at[pl.ds(sid * rt, rt)],
                        sctab.at[pl.ds(sid * rt, rt)])
        plsc.subcore_barrier()

        base0 = wid * epw
        att_regs = tuple(attv[pl.ds(j * L, L)] for j in range(nj))
        sems = (sem1, sem2)
        isems = (sem3, sem4)
        last = nchunk - 1

        def idx_issue(cur, b):
            base = base0 + cur * ch
            pltpu.async_copy(src_hbm.at[pl.ds(base, ch)], srcv.at[b], isems[b])
            pltpu.async_copy(dst_hbm.at[pl.ds(base, ch)], dstv.at[b], isems[b])

        def idx_wait(b):
            pltpu.make_async_copy(src_hbm.at[pl.ds(0, ch)], srcv.at[b],
                                  isems[b]).wait()
            pltpu.make_async_copy(dst_hbm.at[pl.ds(0, ch)], dstv.at[b],
                                  isems[b]).wait()

        def gather_issue(b):
            pltpu.async_copy(xl_hbm.at[srcv.at[b]], xlv.at[b], sems[b])
            pltpu.async_copy(xr_hbm.at[dstv.at[b]], xrv.at[b], sems[b])

        def gather_wait(b):
            pltpu.make_async_copy(xl_hbm.at[srcv.at[b]], xlv.at[b],
                                  sems[b]).wait()
            pltpu.make_async_copy(xr_hbm.at[dstv.at[b]], xrv.at[b],
                                  sems[b]).wait()

        def compute(b, att_c):
            def edge_body(k, att_r):
                xs = [xlv[b, k, pl.ds(j * L, L)] for j in range(nj)]
                acc = None
                for j in range(nj):
                    v = xs[j] + xrv[b, k, pl.ds(j * L, L)]
                    v = jnp.maximum(v, 0.2 * v) * att_r[j]
                    acc = v if acc is None else acc + v
                a = jnp.sum(acc)
                w = jnp.exp(lax.broadcast_in_dim(a, (L,), ()))
                for j in range(nj):
                    obuf[b, k, pl.ds(j * L, L)] = xs[j] * w
                obuf[b, k, pl.ds(c, L)] = w
                return att_r

            att_out = plsc.parallel_loop(0, ch, unroll=4,
                                         carry=att_c)(edge_body)
            pltpu.sync_copy(obuf.at[b], sctab.at[dstv.at[b]], add=True)
            return att_out

        def step(cur, b, att_c):
            gather_wait(b)
            idx_wait(1 - b)
            gather_issue(1 - b)
            att_c = compute(b, att_c)
            idx_issue(jnp.minimum(cur + 2, last), b)
            return att_c

        idx_issue(0, 0)
        idx_issue(1, 1)
        idx_wait(0)
        gather_issue(0)

        def pair_body(i, att_c):
            att_c = step(2 * i, 0, att_c)
            att_c = step(2 * i + 1, 1, att_c)
            return att_c

        att_c = lax.fori_loop(0, nchunk // 2, pair_body, att_regs)
        idx_wait(1)
        gather_wait(0)
        plsc.subcore_barrier()
        pltpu.sync_copy(sctab.at[pl.ds(sid * rt, rt)],
                        tab_hbm.at[cid, pl.ds(sid * rt, rt)])

    return sc_edge


def _fin_body(tab_ref, xl_ref, xr_ref, att_ref, bias_ref, gamma_ref, beta_ref, out_ref):
    t = tab_ref[0] + tab_ref[1]
    num = t[:, :128]
    den = t[:, 128:129]
    xl = xl_ref[...]
    xr = xr_ref[...]
    z = xl + xr
    z = jnp.maximum(z, 0.2 * z)
    a = jnp.sum(z * att_ref[...], axis=1, keepdims=True)
    w = jnp.exp(a)
    num = num + w * xl
    den = den + w
    out = num / (den + 1e-16) + bias_ref[...]
    mean = jnp.mean(out, axis=1, keepdims=True)
    ctr = out - mean
    var = jnp.mean(ctr * ctr, axis=1, keepdims=True)
    out_ref[...] = ctr * lax.rsqrt(var + 1e-5) * gamma_ref[...] + beta_ref[...]


def _finalize(tab, xl, xr, att, bias, gamma, beta):
    n, c = xl.shape
    blk = 2000
    grid = n // blk
    return pl.pallas_call(
        _fin_body,
        grid=(grid,),
        in_specs=[
            pl.BlockSpec((NC, blk, TABW), lambda i: (0, i, 0)),
            pl.BlockSpec((blk, c), lambda i: (i, 0)),
            pl.BlockSpec((blk, c), lambda i: (i, 0)),
            pl.BlockSpec((1, c), lambda i: (0, 0)),
            pl.BlockSpec((1, c), lambda i: (0, 0)),
            pl.BlockSpec((1, c), lambda i: (0, 0)),
            pl.BlockSpec((1, c), lambda i: (0, 0)),
        ],
        out_specs=pl.BlockSpec((blk, c), lambda i: (i, 0)),
        out_shape=jax.ShapeDtypeStruct((n, c), jnp.float32),
    )(tab, xl, xr, att.reshape(1, c), bias.reshape(1, c),
      gamma.reshape(1, c), beta.reshape(1, c))


def kernel(x, edge_index, Wl, bl, Wr, br, att, bias, gamma, beta):
    n, d = x.shape
    c = Wl.shape[1]
    e = edge_index.shape[1]

    xl, xr = _projections(x, Wl, bl, Wr, br)
    zeros = jnp.zeros((n, TABW), jnp.float32)
    tab = _make_sc_edge(n, e, c)(xl, xr, edge_index[0], edge_index[1],
                                 att.reshape(c), zeros)
    return _finalize(tab, xl, xr, att, bias, gamma, beta)

# --- scband reference (transcript-rebuilt; emitter-appended) ---
"""Pipeline reference for scband-gatlayer-63204738728334 (READ-ONLY COPY).

The authoritative reference and input builder live on the scoring server;
editing this copy changes nothing except your own understanding.
"""

import jax, jax.numpy as jnp
import numpy as np

N = 10000
E = 320000
D = 128
H = 1
C = 128


def setup_inputs(seed: int = 0) -> dict:
    key = jax.random.key(seed)
    ks = jax.random.split(key, 10)
    x = jax.random.normal(ks[0], (N, D), dtype=jnp.float32)
    edge_index = jax.random.randint(ks[1], (2, E), 0, N, dtype=jnp.int32)
    s = 1.0 / np.sqrt(D)
    Wl = jax.random.normal(ks[2], (D, H * C), dtype=jnp.float32) * s
    bl = jnp.zeros((H * C,), dtype=jnp.float32)
    Wr = jax.random.normal(ks[3], (D, H * C), dtype=jnp.float32) * s
    br = jnp.zeros((H * C,), dtype=jnp.float32)
    att = jax.random.normal(ks[4], (H, C), dtype=jnp.float32) * (1.0 / np.sqrt(C))
    bias = jnp.zeros((H * C,), dtype=jnp.float32)
    gamma = jnp.ones((H * C,), dtype=jnp.float32)
    beta = jnp.zeros((H * C,), dtype=jnp.float32)
    return {"x": x, "edge_index": edge_index, "Wl": Wl, "bl": bl, "Wr": Wr, "br": br, "att": att, "bias": bias, "gamma": gamma, "beta": beta}


def reference(x, edge_index, Wl, bl, Wr, br, att, bias, gamma, beta):
    n = x.shape[0]
    # GATv2Conv adds self-loops by default
    loop = jnp.arange(n, dtype=edge_index.dtype)
    src = jnp.concatenate([edge_index[0], loop])
    dst = jnp.concatenate([edge_index[1], loop])
    xl = (x @ Wl + bl).reshape(n, H, C)
    xr = (x @ Wr + br).reshape(n, H, C)
    # GATv2 attention: e_ij = att . leaky_relu(xl[j] + xr[i])
    e = xl[src] + xr[dst]
    e = jax.nn.leaky_relu(e, negative_slope=0.2)
    alpha = jnp.sum(e * att[None, :, :], axis=-1)  # [E+N, H]
    amax = jax.ops.segment_max(alpha, dst, num_segments=n)
    alpha = jnp.exp(alpha - amax[dst])
    denom = jax.ops.segment_sum(alpha, dst, num_segments=n)
    alpha = alpha / (denom[dst] + 1e-16)
    msg = xl[src] * alpha[:, :, None]
    out = jax.ops.segment_sum(msg, dst, num_segments=n)  # [N, H, C]
    out = out.reshape(n, H * C) + bias
    # LayerNorm(out_channels * heads)
    mean = jnp.mean(out, axis=-1, keepdims=True)
    var = jnp.var(out, axis=-1, keepdims=True)
    out = (out - mean) / jnp.sqrt(var + 1e-5) * gamma + beta
    return out

if __name__ == "__main__":
    import jax
    _d = setup_inputs()
    print(jax.jit(kernel)(*tuple(_d.values())))

</pallas_src>

<mosaic_0001>
#map = affine_map<(d0, d1) -> (0, 0)>
#map1 = affine_map<(d0, d1) -> (0)>
#map2 = affine_map<(d0, d1) -> (0, 0, 0)>
module attributes {stable_mosaic.version = 14 : i64} {
  func.func @sc_edge(%arg0: i32, %arg1: i32, %arg2: memref<10000x128xf32, #tpu.memory_space<hbm>>, %arg3: memref<10000x128xf32, #tpu.memory_space<hbm>>, %arg4: memref<320000xi32, #tpu.memory_space<hbm>>, %arg5: memref<320000xi32, #tpu.memory_space<hbm>>, %arg6: memref<128xf32, #tpu.memory_space<hbm>>, %arg7: memref<10000x144xf32, #tpu.memory_space<hbm>>, %arg8: memref<2x10000x144xf32, #tpu.memory_space<hbm>>, %arg9: memref<2x40xi32, #tpu.memory_space<vmem>>, %arg10: memref<2x40xi32, #tpu.memory_space<vmem>>, %arg11: memref<2x40x128xf32, #tpu.memory_space<vmem>>, %arg12: memref<2x40x128xf32, #tpu.memory_space<vmem>>, %arg13: memref<2x40x144xf32, #tpu.memory_space<vmem>>, %arg14: memref<128xf32, #tpu.memory_space<vmem>>, %arg15: memref<10000x144xf32, #tpu.memory_space<vmem_shared>>, %arg16: memref<!tpu.dma_semaphore, #tpu.memory_space<semaphore_mem>>, %arg17: memref<!tpu.dma_semaphore, #tpu.memory_space<semaphore_mem>>, %arg18: memref<!tpu.dma_semaphore, #tpu.memory_space<semaphore_mem>>, %arg19: memref<!tpu.dma_semaphore, #tpu.memory_space<semaphore_mem>>) attributes {dimension_semantics = [#tpu.dimension_semantics<core_parallel>, #tpu.dimension_semantics<subcore_parallel>], iteration_bounds = array<i64: 2, 16>, scalar_prefetch = 0 : i64, scratch_operands = 11 : i64, tpu.core_type = #tpu.core_type<sc_vector_subcore>, window_params = [{transform_indices = #map}, {transform_indices = #map}, {transform_indices = #map1}, {transform_indices = #map1}, {transform_indices = #map1}, {transform_indices = #map}, {transform_indices = #map2}]} {
    %mul3A = arith.constant 2 : i32
    %mul3A_0 = arith.muli %arg1, %mul3A : i32
    %add3A = arith.addi %mul3A_0, %arg0 : i32
    "tpu.region"() ({
      %run_scoped3A = tpu.sem_alloc : memref<!tpu.dma_semaphore, #tpu.memory_space<semaphore_mem>>
      tpu.enqueue_dma source(%arg6 : memref<128xf32, #tpu.memory_space<hbm>>) target(%arg14 : memref<128xf32, #tpu.memory_space<vmem>>) target_semaphore(%run_scoped3A : memref<!tpu.dma_semaphore, #tpu.memory_space<semaphore_mem>>)
      tpu.wait_dma2 semaphore(%run_scoped3A : memref<!tpu.dma_semaphore, #tpu.memory_space<semaphore_mem>>) src(%arg6 : memref<128xf32, #tpu.memory_space<hbm>>) dst(%arg14 : memref<128xf32, #tpu.memory_space<vmem>>)
      tpu.yield
    }) : () -> ()
    %mul3A_1 = arith.constant 625 : i32
    %mul3A_2 = arith.muli %arg1, %mul3A_1 : i32
    %mul3A_3 = arith.constant 625 : i32
    %mul3A_4 = arith.muli %arg1, %mul3A_3 : i32
    "tpu.region"() ({
      %run_scoped3A = tpu.sem_alloc : memref<!tpu.dma_semaphore, #tpu.memory_space<semaphore_mem>>
      %dma_start3A_162 = arith.constant 0 : i32
      %dma_start3A_163 = tpu.memref_slice %arg15[%mul3A_4, %dma_start3A_162] : memref<10000x144xf32, #tpu.memory_space<vmem_shared>> -> memref<625x144xf32, #tpu.memory_space<vmem_shared>>
      %dma_start3A_164 = arith.constant 0 : i32
      %dma_start3A_165 = tpu.memref_slice %arg7[%mul3A_2, %dma_start3A_164] : memref<10000x144xf32, #tpu.memory_space<hbm>> -> memref<625x144xf32, #tpu.memory_space<hbm>>
      tpu.enqueue_dma source(%dma_start3A_165 : memref<625x144xf32, #tpu.memory_space<hbm>>) target(%dma_start3A_163 : memref<625x144xf32, #tpu.memory_space<vmem_shared>>) target_semaphore(%run_scoped3A : memref<!tpu.dma_semaphore, #tpu.memory_space<semaphore_mem>>)
      %dma_wait3A_166 = arith.constant 0 : i32
      %dma_wait3A_167 = tpu.memref_slice %arg15[%mul3A_4, %dma_wait3A_166] : memref<10000x144xf32, #tpu.memory_space<vmem_shared>> -> memref<625x144xf32, #tpu.memory_space<vmem_shared>>
      %dma_wait3A_168 = arith.constant 0 : i32
      %dma_wait3A_169 = tpu.memref_slice %arg7[%mul3A_2, %dma_wait3A_168] : memref<10000x144xf32, #tpu.memory_space<hbm>> -> memref<625x144xf32, #tpu.memory_space<hbm>>
      tpu.wait_dma2 semaphore(%run_scoped3A : memref<!tpu.dma_semaphore, #tpu.memory_space<semaphore_mem>>) src(%dma_wait3A_169 : memref<625x144xf32, #tpu.memory_space<hbm>>) dst(%dma_wait3A_167 : memref<625x144xf32, #tpu.memory_space<vmem_shared>>)
      tpu.yield
    }) : () -> ()
    %barrier3A = arith.constant 0 : index
    tpu.barrier barrier_id(%barrier3A)
    %mul3A_5 = arith.constant 10000 : i32
    %mul3A_6 = arith.muli %add3A, %mul3A_5 : i32
    %get3A = arith.constant 0 : index
    %get3A_7 = tpu.vector_load %arg14[%get3A] {strides = array<i32>} : memref<128xf32, #tpu.memory_space<vmem>>, vector<16xf32>,
    %get3A_8 = arith.constant 16 : index
    %get3A_9 = tpu.vector_load %arg14[%get3A_8] {strides = array<i32>} : memref<128xf32, #tpu.memory_space<vmem>>, vector<16xf32>,
    %get3A_10 = arith.constant 32 : index
    %get3A_11 = tpu.vector_load %arg14[%get3A_10] {strides = array<i32>} : memref<128xf32, #tpu.memory_space<vmem>>, vector<16xf32>,
    %get3A_12 = arith.constant 48 : index
    %get3A_13 = tpu.vector_load %arg14[%get3A_12] {strides = array<i32>} : memref<128xf32, #tpu.memory_space<vmem>>, vector<16xf32>,
    %get3A_14 = arith.constant 64 : index
    %get3A_15 = tpu.vector_load %arg14[%get3A_14] {strides = array<i32>} : memref<128xf32, #tpu.memory_space<vmem>>, vector<16xf32>,
    %get3A_16 = arith.constant 80 : index
    %get3A_17 = tpu.vector_load %arg14[%get3A_16] {strides = array<i32>} : memref<128xf32, #tpu.memory_space<vmem>>, vector<16xf32>,
    %get3A_18 = arith.constant 96 : index
    %get3A_19 = tpu.vector_load %arg14[%get3A_18] {strides = array<i32>} : memref<128xf32, #tpu.memory_space<vmem>>, vector<16xf32>,
    %get3A_20 = arith.constant 112 : index
    %get3A_21 = tpu.vector_load %arg14[%get3A_20] {strides = array<i32>} : memref<128xf32, #tpu.memory_space<vmem>>, vector<16xf32>,
    %add3A_22 = arith.constant 0 : i32
    %add3A_23 = arith.addi %mul3A_6, %add3A_22 : i32
    %dma_start3A = arith.constant 0 : i32
    %dma_start3A_24 = arith.constant 0 : i32
    %dma_start3A_25 = tpu.memref_slice %arg9[%dma_start3A, %dma_start3A_24] : memref<2x40xi32, #tpu.memory_space<vmem>> -> memref<1x40xi32, #tpu.memory_space<vmem>>
    %dma_start3A_26 = tpu.memref_squeeze %dma_start3A_25 : memref<1x40xi32, #tpu.memory_space<vmem>> -> memref<40xi32, #tpu.memory_space<vmem>>
    %dma_start3A_27 = tpu.memref_slice %arg4[%add3A_23] : memref<320000xi32, #tpu.memory_space<hbm>> -> memref<40xi32, #tpu.memory_space<hbm>>
    %dma_start3A_28 = arith.constant 0 : i32
    %dma_start3A_29 = tpu.memref_slice %arg9[%dma_start3A, %dma_start3A_28] : memref<2x40xi32, #tpu.memory_space<vmem>> -> memref<1x40xi32, #tpu.memory_space<vmem>>
    %dma_start3A_30 = tpu.memref_squeeze %dma_start3A_29 : memref<1x40xi32, #tpu.memory_space<vmem>> -> memref<40xi32, #tpu.memory_space<vmem>>
    %dma_start3A_31 = tpu.memref_slice %arg4[%add3A_23] : memref<320000xi32, #tpu.memory_space<hbm>> -> memref<40xi32, #tpu.memory_space<hbm>>
    tpu.enqueue_dma source(%dma_start3A_31 : memref<40xi32, #tpu.memory_space<hbm>>) target(%dma_start3A_30 : memref<40xi32, #tpu.memory_space<vmem>>) target_semaphore(%arg18 : memref<!tpu.dma_semaphore, #tpu.memory_space<semaphore_mem>>)
    %dma_start3A_32 = arith.constant 0 : i32
    %dma_start3A_33 = arith.constant 0 : i32
    %dma_start3A_34 = tpu.memref_slice %arg10[%dma_start3A_32, %dma_start3A_33] : memref<2x40xi32, #tpu.memory_space<vmem>> -> memref<1x40xi32, #tpu.memory_space<vmem>>
    %dma_start3A_35 = tpu.memref_squeeze %dma_start3A_34 : memref<1x40xi32, #tpu.memory_space<vmem>> -> memref<40xi32, #tpu.memory_space<vmem>>
    %dma_start3A_36 = tpu.memref_slice %arg5[%add3A_23] : memref<320000xi32, #tpu.memory_space<hbm>> -> memref<40xi32, #tpu.memory_space<hbm>>
    %dma_start3A_37 = arith.constant 0 : i32
    %dma_start3A_38 = tpu.memref_slice %arg10[%dma_start3A_32, %dma_start3A_37] : memref<2x40xi32, #tpu.memory_space<vmem>> -> memref<1x40xi32, #tpu.memory_space<vmem>>
    %dma_start3A_39 = tpu.memref_squeeze %dma_start3A_38 : memref<1x40xi32, #tpu.memory_space<vmem>> -> memref<40xi32, #tpu.memory_space<vmem>>
    %dma_start3A_40 = tpu.memref_slice %arg5[%add3A_23] : memref<320000xi32, #tpu.memory_space<hbm>> -> memref<40xi32, #tpu.memory_space<hbm>>
    tpu.enqueue_dma source(%dma_start3A_40 : memref<40xi32, #tpu.memory_space<hbm>>) target(%dma_start3A_39 : memref<40xi32, #tpu.memory_space<vmem>>) target_semaphore(%arg18 : memref<!tpu.dma_semaphore, #tpu.memory_space<semaphore_mem>>)
    %add3A_41 = arith.constant 40 : i32
    %add3A_42 = arith.addi %mul3A_6, %add3A_41 : i32
    %dma_start3A_43 = arith.constant 1 : i32
    %dma_start3A_44 = arith.constant 0 : i32
    %dma_start3A_45 = tpu.memref_slice %arg9[%dma_start3A_43, %dma_start3A_44] : memref<2x40xi32, #tpu.memory_space<vmem>> -> memref<1x40xi32, #tpu.memory_space<vmem>>
    %dma_start3A_46 = tpu.memref_squeeze %dma_start3A_45 : memref<1x40xi32, #tpu.memory_space<vmem>> -> memref<40xi32, #tpu.memory_space<vmem>>
    %dma_start3A_47 = tpu.memref_slice %arg4[%add3A_42] : memref<320000xi32, #tpu.memory_space<hbm>> -> memref<40xi32, #tpu.memory_space<hbm>>
    %dma_start3A_48 = arith.constant 0 : i32
    %dma_start3A_49 = tpu.memref_slice %arg9[%dma_start3A_43, %dma_start3A_48] : memref<2x40xi32, #tpu.memory_space<vmem>> -> memref<1x40xi32, #tpu.memory_space<vmem>>
    %dma_start3A_50 = tpu.memref_squeeze %dma_start3A_49 : memref<1x40xi32, #tpu.memory_space<vmem>> -> memref<40xi32, #tpu.memory_space<vmem>>
    %dma_start3A_51 = tpu.memref_slice %arg4[%add3A_42] : memref<320000xi32, #tpu.memory_space<hbm>> -> memref<40xi32, #tpu.memory_space<hbm>>
    tpu.enqueue_dma source(%dma_start3A_51 : memref<40xi32, #tpu.memory_space<hbm>>) target(%dma_start3A_50 : memref<40xi32, #tpu.memory_space<vmem>>) target_semaphore(%arg19 : memref<!tpu.dma_semaphore, #tpu.memory_space<semaphore_mem>>)
    %dma_start3A_52 = arith.constant 1 : i32
    %dma_start3A_53 = arith.constant 0 : i32
    %dma_start3A_54 = tpu.memref_slice %arg10[%dma_start3A_52, %dma_start3A_53] : memref<2x40xi32, #tpu.memory_space<vmem>> -> memref<1x40xi32, #tpu.memory_space<vmem>>
    %dma_start3A_55 = tpu.memref_squeeze %dma_start3A_54 : memref<1x40xi32, #tpu.memory_space<vmem>> -> memref<40xi32, #tpu.memory_space<vmem>>
    %dma_start3A_56 = tpu.memref_slice %arg5[%add3A_42] : memref<320000xi32, #tpu.memory_space<hbm>> -> memref<40xi32, #tpu.memory_space<hbm>>
    %dma_start3A_57 = arith.constant 0 : i32
    %dma_start3A_58 = tpu.memref_slice %arg10[%dma_start3A_52, %dma_start3A_57] : memref<2x40xi32, #tpu.memory_space<vmem>> -> memref<1x40xi32, #tpu.memory_space<vmem>>
    %dma_start3A_59 = tpu.memref_squeeze %dma_start3A_58 : memref<1x40xi32, #tpu.memory_space<vmem>> -> memref<40xi32, #tpu.memory_space<vmem>>
    %dma_start3A_60 = tpu.memref_slice %arg5[%add3A_42] : memref<320000xi32, #tpu.memory_space<hbm>> -> memref<40xi32, #tpu.memory_space<hbm>>
    tpu.enqueue_dma source(%dma_start3A_60 : memref<40xi32, #tpu.memory_space<hbm>>) target(%dma_start3A_59 : memref<40xi32, #tpu.memory_space<vmem>>) target_semaphore(%arg19 : memref<!tpu.dma_semaphore, #tpu.memory_space<semaphore_mem>>)
    %dma_wait3A = arith.constant 0 : i32
    %dma_wait3A_61 = arith.constant 0 : i32
    %dma_wait3A_62 = tpu.memref_slice %arg9[%dma_wait3A, %dma_wait3A_61] : memref<2x40xi32, #tpu.memory_space<vmem>> -> memref<1x40xi32, #tpu.memory_space<vmem>>
    %dma_wait3A_63 = tpu.memref_squeeze %dma_wait3A_62 : memref<1x40xi32, #tpu.memory_space<vmem>> -> memref<40xi32, #tpu.memory_space<vmem>>
    %dma_wait3A_64 = arith.constant 0 : i32
    %dma_wait3A_65 = tpu.memref_slice %arg4[%dma_wait3A_64] : memref<320000xi32, #tpu.memory_space<hbm>> -> memref<40xi32, #tpu.memory_space<hbm>>
    %dma_wait3A_66 = arith.constant 0 : i32
    %dma_wait3A_67 = tpu.memref_slice %arg9[%dma_wait3A, %dma_wait3A_66] : memref<2x40xi32, #tpu.memory_space<vmem>> -> memref<1x40xi32, #tpu.memory_space<vmem>>
    %dma_wait3A_68 = tpu.memref_squeeze %dma_wait3A_67 : memref<1x40xi32, #tpu.memory_space<vmem>> -> memref<40xi32, #tpu.memory_space<vmem>>
    %dma_wait3A_69 = arith.constant 0 : i32
    %dma_wait3A_70 = tpu.memref_slice %arg4[%dma_wait3A_69] : memref<320000xi32, #tpu.memory_space<hbm>> -> memref<40xi32, #tpu.memory_space<hbm>>
    tpu.wait_dma2 semaphore(%arg18 : memref<!tpu.dma_semaphore, #tpu.memory_space<semaphore_mem>>) src(%dma_wait3A_70 : memref<40xi32, #tpu.memory_space<hbm>>) dst(%dma_wait3A_68 : memref<40xi32, #tpu.memory_space<vmem>>)
    %dma_wait3A_71 = arith.constant 0 : i32
    %dma_wait3A_72 = arith.constant 0 : i32
    %dma_wait3A_73 = tpu.memref_slice %arg10[%dma_wait3A_71, %dma_wait3A_72] : memref<2x40xi32, #tpu.memory_space<vmem>> -> memref<1x40xi32, #tpu.memory_space<vmem>>
    %dma_wait3A_74 = tpu.memref_squeeze %dma_wait3A_73 : memref<1x40xi32, #tpu.memory_space<vmem>> -> memref<40xi32, #tpu.memory_space<vmem>>
    %dma_wait3A_75 = arith.constant 0 : i32
    %dma_wait3A_76 = tpu.memref_slice %arg5[%dma_wait3A_75] : memref<320000xi32, #tpu.memory_space<hbm>> -> memref<40xi32, #tpu.memory_space<hbm>>
    %dma_wait3A_77 = arith.constant 0 : i32
    %dma_wait3A_78 = tpu.memref_slice %arg10[%dma_wait3A_71, %dma_wait3A_77] : memref<2x40xi32, #tpu.memory_space<vmem>> -> memref<1x40xi32, #tpu.memory_space<vmem>>
    %dma_wait3A_79 = tpu.memref_squeeze %dma_wait3A_78 : memref<1x40xi32, #tpu.memory_space<vmem>> -> memref<40xi32, #tpu.memory_space<vmem>>
    %dma_wait3A_80 = arith.constant 0 : i32
    %dma_wait3A_81 = tpu.memref_slice %arg5[%dma_wait3A_80] : memref<320000xi32, #tpu.memory_space<hbm>> -> memref<40xi32, #tpu.memory_space<hbm>>
    tpu.wait_dma2 semaphore(%arg18 : memref<!tpu.dma_semaphore, #tpu.memory_space<semaphore_mem>>) src(%dma_wait3A_81 : memref<40xi32, #tpu.memory_space<hbm>>) dst(%dma_wait3A_79 : memref<40xi32, #tpu.memory_space<vmem>>)
    %dma_start3A_82 = arith.constant 0 : i32
    %dma_start3A_83 = arith.constant 0 : i32
    %dma_start3A_84 = arith.constant 0 : i32
    %dma_start3A_85 = arith.constant 0 : i32
    %dma_start3A_86 = tpu.memref_slice %arg11[%dma_start3A_83, %dma_start3A_84, %dma_start3A_85] : memref<2x40x128xf32, #tpu.memory_space<vmem>> -> memref<1x40x128xf32, #tpu.memory_space<vmem>>
    %dma_start3A_87 = tpu.memref_squeeze %dma_start3A_86 : memref<1x40x128xf32, #tpu.memory_space<vmem>> -> memref<40x128xf32, #tpu.memory_space<vmem>>
    %dma_start3A_88 = arith.constant 0 : i32
    %dma_start3A_89 = tpu.memref_slice %arg9[%dma_start3A_82, %dma_start3A_88] : memref<2x40xi32, #tpu.memory_space<vmem>> -> memref<1x40xi32, #tpu.memory_space<vmem>>
    %dma_start3A_90 = tpu.memref_squeeze %dma_start3A_89 : memref<1x40xi32, #tpu.memory_space<vmem>> -> memref<40xi32, #tpu.memory_space<vmem>>
    %dma_start3A_91 = arith.constant 0 : i32
    %dma_start3A_92 = arith.constant 0 : i32
    %dma_start3A_93 = tpu.memref_slice %arg2[%dma_start3A_91, %dma_start3A_92] : memref<10000x128xf32, #tpu.memory_space<hbm>> -> memref<10000x128xf32, #tpu.memory_space<hbm>>
    tpu.enqueue_indirect_dma source(%dma_start3A_93 : memref<10000x128xf32, #tpu.memory_space<hbm>>) target(%dma_start3A_87 : memref<40x128xf32, #tpu.memory_space<vmem>>) offsets(%dma_start3A_90 : memref<40xi32, #tpu.memory_space<vmem>>) semaphore(%arg16 : memref<!tpu.dma_semaphore, #tpu.memory_space<semaphore_mem>>)
    %dma_start3A_94 = arith.constant 0 : i32
    %dma_start3A_95 = arith.constant 0 : i32
    %dma_start3A_96 = arith.constant 0 : i32
    %dma_start3A_97 = arith.constant 0 : i32
    %dma_start3A_98 = tpu.memref_slice %arg12[%dma_start3A_95, %dma_start3A_96, %dma_start3A_97] : memref<2x40x128xf32, #tpu.memory_space<vmem>> -> memref<1x40x128xf32, #tpu.memory_space<vmem>>
    %dma_start3A_99 = tpu.memref_squeeze %dma_start3A_98 : memref<1x40x128xf32, #tpu.memory_space<vmem>> -> memref<40x128xf32, #tpu.memory_space<vmem>>
    %dma_start3A_100 = arith.constant 0 : i32
    %dma_start3A_101 = tpu.memref_slice %arg10[%dma_start3A_94, %dma_start3A_100] : memref<2x40xi32, #tpu.memory_space<vmem>> -> memref<1x40xi32, #tpu.memory_space<vmem>>
    %dma_start3A_102 = tpu.memref_squeeze %dma_start3A_101 : memref<1x40xi32, #tpu.memory_space<vmem>> -> memref<40xi32, #tpu.memory_space<vmem>>
    %dma_start3A_103 = arith.constant 0 : i32
    %dma_start3A_104 = arith.constant 0 : i32
    %dma_start3A_105 = tpu.memref_slice %arg3[%dma_start3A_103, %dma_start3A_104] : memref<10000x128xf32, #tpu.memory_space<hbm>> -> memref<10000x128xf32, #tpu.memory_space<hbm>>
    tpu.enqueue_indirect_dma source(%dma_start3A_105 : memref<10000x128xf32, #tpu.memory_space<hbm>>) target(%dma_start3A_99 : memref<40x128xf32, #tpu.memory_space<vmem>>) offsets(%dma_start3A_102 : memref<40xi32, #tpu.memory_space<vmem>>) semaphore(%arg16 : memref<!tpu.dma_semaphore, #tpu.memory_space<semaphore_mem>>)
    %scan3A = arith.constant 0 : i32
    %scan3A_106 = arith.constant 125 : i32
    %scan3A_107 = arith.addi %scan3A, %scan3A_106 : i32
    %scan3A_108 = arith.constant 1 : i32
    %scan3A_109:8 = scf.for %scan3A_162 = %scan3A to %scan3A_107 step %scan3A_108 iter_args(%scan3A_163 = %get3A_7, %scan3A_164 = %get3A_9, %scan3A_165 = %get3A_11, %scan3A_166 = %get3A_13, %scan3A_167 = %get3A_15, %scan3A_168 = %get3A_17, %scan3A_169 = %get3A_19, %scan3A_170 = %get3A_21) -> (vector<16xf32>, vector<16xf32>, vector<16xf32>, vector<16xf32>, vector<16xf32>, vector<16xf32>, vector<16xf32>, vector<16xf32>)  : i32 {
      %mul3A_171 = arith.constant 2 : i32
      %mul3A_172 = arith.muli %mul3A_171, %scan3A_162 : i32
      %dma_wait3A_173 = arith.constant 0 : i32
      %dma_wait3A_174 = arith.constant 0 : i32
      %dma_wait3A_175 = arith.constant 0 : i32
      %dma_wait3A_176 = arith.constant 0 : i32
      %dma_wait3A_177 = tpu.memref_slice %arg11[%dma_wait3A_174, %dma_wait3A_175, %dma_wait3A_176] : memref<2x40x128xf32, #tpu.memory_space<vmem>> -> memref<1x40x128xf32, #tpu.memory_space<vmem>>
      %dma_wait3A_178 = tpu.memref_squeeze %dma_wait3A_177 : memref<1x40x128xf32, #tpu.memory_space<vmem>> -> memref<40x128xf32, #tpu.memory_space<vmem>>
      %dma_wait3A_179 = arith.constant 0 : i32
      %dma_wait3A_180 = tpu.memref_slice %arg9[%dma_wait3A_173, %dma_wait3A_179] : memref<2x40xi32, #tpu.memory_space<vmem>> -> memref<1x40xi32, #tpu.memory_space<vmem>>
      %dma_wait3A_181 = tpu.memref_squeeze %dma_wait3A_180 : memref<1x40xi32, #tpu.memory_space<vmem>> -> memref<40xi32, #tpu.memory_space<vmem>>
      %dma_wait3A_182 = arith.constant 0 : i32
      %dma_wait3A_183 = arith.constant 0 : i32
      %dma_wait3A_184 = tpu.memref_slice %arg2[%dma_wait3A_182, %dma_wait3A_183] : memref<10000x128xf32, #tpu.memory_space<hbm>> -> memref<10000x128xf32, #tpu.memory_space<hbm>>
      tpu.wait_indirect_dma semaphore(%arg16 : memref<!tpu.dma_semaphore, #tpu.memory_space<semaphore_mem>>) src(%dma_wait3A_184 : memref<10000x128xf32, #tpu.memory_space<hbm>>) dst(%dma_wait3A_178 : memref<40x128xf32, #tpu.memory_space<vmem>>)
      %dma_wait3A_185 = arith.constant 0 : i32
      %dma_wait3A_186 = arith.constant 0 : i32
      %dma_wait3A_187 = arith.constant 0 : i32
      %dma_wait3A_188 = arith.constant 0 : i32
      %dma_wait3A_189 = tpu.memref_slice %arg12[%dma_wait3A_186, %dma_wait3A_187, %dma_wait3A_188] : memref<2x40x128xf32, #tpu.memory_space<vmem>> -> memref<1x40x128xf32, #tpu.memory_space<vmem>>
      %dma_wait3A_190 = tpu.memref_squeeze %dma_wait3A_189 : memref<1x40x128xf32, #tpu.memory_space<vmem>> -> memref<40x128xf32, #tpu.memory_space<vmem>>
      %dma_wait3A_191 = arith.constant 0 : i32
      %dma_wait3A_192 = tpu.memref_slice %arg10[%dma_wait3A_185, %dma_wait3A_191] : memref<2x40xi32, #tpu.memory_space<vmem>> -> memref<1x40xi32, #tpu.memory_space<vmem>>
      %dma_wait3A_193 = tpu.memref_squeeze %dma_wait3A_192 : memref<1x40xi32, #tpu.memory_space<vmem>> -> memref<40xi32, #tpu.memory_space<vmem>>
      %dma_wait3A_194 = arith.constant 0 : i32
      %dma_wait3A_195 = arith.constant 0 : i32
      %dma_wait3A_196 = tpu.memref_slice %arg3[%dma_wait3A_194, %dma_wait3A_195] : memref<10000x128xf32, #tpu.memory_space<hbm>> -> memref<10000x128xf32, #tpu.memory_space<hbm>>
      tpu.wait_indirect_dma semaphore(%arg16 : memref<!tpu.dma_semaphore, #tpu.memory_space<semaphore_mem>>) src(%dma_wait3A_196 : memref<10000x128xf32, #tpu.memory_space<hbm>>) dst(%dma_wait3A_190 : memref<40x128xf32, #tpu.memory_space<vmem>>)
      %dma_wait3A_197 = arith.constant 1 : i32
      %dma_wait3A_198 = arith.constant 0 : i32
      %dma_wait3A_199 = tpu.memref_slice %arg9[%dma_wait3A_197, %dma_wait3A_198] : memref<2x40xi32, #tpu.memory_space<vmem>> -> memref<1x40xi32, #tpu.memory_space<vmem>>
      %dma_wait3A_200 = tpu.memref_squeeze %dma_wait3A_199 : memref<1x40xi32, #tpu.memory_space<vmem>> -> memref<40xi32, #tpu.memory_space<vmem>>
      %dma_wait3A_201 = arith.constant 0 : i32
      %dma_wait3A_202 = tpu.memref_slice %arg4[%dma_wait3A_201] : memref<320000xi32, #tpu.memory_space<hbm>> -> memref<40xi32, #tpu.memory_space<hbm>>
      %dma_wait3A_203 = arith.constant 0 : i32
      %dma_wait3A_204 = tpu.memref_slice %arg9[%dma_wait3A_197, %dma_wait3A_203] : memref<2x40xi32, #tpu.memory_space<vmem>> -> memref<1x40xi32, #tpu.memory_space<vmem>>
      %dma_wait3A_205 = tpu.memref_squeeze %dma_wait3A_204 : memref<1x40xi32, #tpu.memory_space<vmem>> -> memref<40xi32, #tpu.memory_space<vmem>>
      %dma_wait3A_206 = arith.constant 0 : i32
      %dma_wait3A_207 = tpu.memref_slice %arg4[%dma_wait3A_206] : memref<320000xi32, #tpu.memory_space<hbm>> -> memref<40xi32, #tpu.memory_space<hbm>>
      tpu.wait_dma2 semaphore(%arg19 : memref<!tpu.dma_semaphore, #tpu.memory_space<semaphore_mem>>) src(%dma_wait3A_207 : memref<40xi32, #tpu.memory_space<hbm>>) dst(%dma_wait3A_205 : memref<40xi32, #tpu.memory_space<vmem>>)
      %dma_wait3A_208 = arith.constant 1 : i32
      %dma_wait3A_209 = arith.constant 0 : i32
      %dma_wait3A_210 = tpu.memref_slice %arg10[%dma_wait3A_208, %dma_wait3A_209] : memref<2x40xi32, #tpu.memory_space<vmem>> -> memref<1x40xi32, #tpu.memory_space<vmem>>
      %dma_wait3A_211 = tpu.memref_squeeze %dma_wait3A_210 : memref<1x40xi32, #tpu.memory_space<vmem>> -> memref<40xi32, #tpu.memory_space<vmem>>
      %dma_wait3A_212 = arith.constant 0 : i32
      %dma_wait3A_213 = tpu.memref_slice %arg5[%dma_wait3A_212] : memref<320000xi32, #tpu.memory_space<hbm>> -> memref<40xi32, #tpu.memory_space<hbm>>
      %dma_wait3A_214 = arith.constant 0 : i32
      %dma_wait3A_215 = tpu.memref_slice %arg10[%dma_wait3A_208, %dma_wait3A_214] : memref<2x40xi32, #tpu.memory_space<vmem>> -> memref<1x40xi32, #tpu.memory_space<vmem>>
      %dma_wait3A_216 = tpu.memref_squeeze %dma_wait3A_215 : memref<1x40xi32, #tpu.memory_space<vmem>> -> memref<40xi32, #tpu.memory_space<vmem>>
      %dma_wait3A_217 = arith.constant 0 : i32
      %dma_wait3A_218 = tpu.memref_slice %arg5[%dma_wait3A_217] : memref<320000xi32, #tpu.memory_space<hbm>> -> memref<40xi32, #tpu.memory_space<hbm>>
      tpu.wait_dma2 semaphore(%arg19 : memref<!tpu.dma_semaphore, #tpu.memory_space<semaphore_mem>>) src(%dma_wait3A_218 : memref<40xi32, #tpu.memory_space<hbm>>) dst(%dma_wait3A_216 : memref<40xi32, #tpu.memory_space<vmem>>)
      %dma_start3A_219 = arith.constant 1 : i32
      %dma_start3A_220 = arith.constant 1 : i32
      %dma_start3A_221 = arith.constant 0 : i32
      %dma_start3A_222 = arith.constant 0 : i32
      %dma_start3A_223 = tpu.memref_slice %arg11[%dma_start3A_220, %dma_start3A_221, %dma_start3A_222] : memref<2x40x128xf32, #tpu.memory_space<vmem>> -> memref<1x40x128xf32, #tpu.memory_space<vmem>>
      %dma_start3A_224 = tpu.memref_squeeze %dma_start3A_223 : memref<1x40x128xf32, #tpu.memory_space<vmem>> -> memref<40x128xf32, #tpu.memory_space<vmem>>
      %dma_start3A_225 = arith.constant 0 : i32
      %dma_start3A_226 = tpu.memref_slice %arg9[%dma_start3A_219, %dma_start3A_225] : memref<2x40xi32, #tpu.memory_space<vmem>> -> memref<1x40xi32, #tpu.memory_space<vmem>>
      %dma_start3A_227 = tpu.memref_squeeze %dma_start3A_226 : memref<1x40xi32, #tpu.memory_space<vmem>> -> memref<40xi32, #tpu.memory_space<vmem>>
      %dma_start3A_228 = arith.constant 0 : i32
      %dma_start3A_229 = arith.constant 0 : i32
      %dma_start3A_230 = tpu.memref_slice %arg2[%dma_start3A_228, %dma_start3A_229] : memref<10000x128xf32, #tpu.memory_space<hbm>> -> memref<10000x128xf32, #tpu.memory_space<hbm>>
      tpu.enqueue_indirect_dma source(%dma_start3A_230 : memref<10000x128xf32, #tpu.memory_space<hbm>>) target(%dma_start3A_224 : memref<40x128xf32, #tpu.memory_space<vmem>>) offsets(%dma_start3A_227 : memref<40xi32, #tpu.memory_space<vmem>>) semaphore(%arg17 : memref<!tpu.dma_semaphore, #tpu.memory_space<semaphore_mem>>)
      %dma_start3A_231 = arith.constant 1 : i32
      %dma_start3A_232 = arith.constant 1 : i32
      %dma_start3A_233 = arith.constant 0 : i32
      %dma_start3A_234 = arith.constant 0 : i32
      %dma_start3A_235 = tpu.memref_slice %arg12[%dma_start3A_232, %dma_start3A_233, %dma_start3A_234] : memref<2x40x128xf32, #tpu.memory_space<vmem>> -> memref<1x40x128xf32, #tpu.memory_space<vmem>>
      %dma_start3A_236 = tpu.memref_squeeze %dma_start3A_235 : memref<1x40x128xf32, #tpu.memory_space<vmem>> -> memref<40x128xf32, #tpu.memory_space<vmem>>
      %dma_start3A_237 = arith.constant 0 : i32
      %dma_start3A_238 = tpu.memref_slice %arg10[%dma_start3A_231, %dma_start3A_237] : memref<2x40xi32, #tpu.memory_space<vmem>> -> memref<1x40xi32, #tpu.memory_space<vmem>>
      %dma_start3A_239 = tpu.memref_squeeze %dma_start3A_238 : memref<1x40xi32, #tpu.memory_space<vmem>> -> memref<40xi32, #tpu.memory_space<vmem>>
      %dma_start3A_240 = arith.constant 0 : i32
      %dma_start3A_241 = arith.constant 0 : i32
      %dma_start3A_242 = tpu.memref_slice %arg3[%dma_start3A_240, %dma_start3A_241] : memref<10000x128xf32, #tpu.memory_space<hbm>> -> memref<10000x128xf32, #tpu.memory_space<hbm>>
      tpu.enqueue_indirect_dma source(%dma_start3A_242 : memref<10000x128xf32, #tpu.memory_space<hbm>>) target(%dma_start3A_236 : memref<40x128xf32, #tpu.memory_space<vmem>>) offsets(%dma_start3A_239 : memref<40xi32, #tpu.memory_space<vmem>>) semaphore(%arg17 : memref<!tpu.dma_semaphore, #tpu.memory_space<semaphore_mem>>)
      %parallel_loop3A = arith.constant 0 : i32
      %parallel_loop3A_243 = arith.constant 40 : i32
      %parallel_loop3A_244 = arith.constant 1 : i32
      %parallel_loop3A_245:8 = scf.for %parallel_loop3A_376 = %parallel_loop3A to %parallel_loop3A_243 step %parallel_loop3A_244 iter_args(%parallel_loop3A_377 = %scan3A_163, %parallel_loop3A_378 = %scan3A_164, %parallel_loop3A_379 = %scan3A_165, %parallel_loop3A_380 = %scan3A_166, %parallel_loop3A_381 = %scan3A_167, %parallel_loop3A_382 = %scan3A_168, %parallel_loop3A_383 = %scan3A_169, %parallel_loop3A_384 = %scan3A_170) -> (vector<16xf32>, vector<16xf32>, vector<16xf32>, vector<16xf32>, vector<16xf32>, vector<16xf32>, vector<16xf32>, vector<16xf32>)  : i32 {
        %parallel_loop3A_385 = arith.constant 0 : i32
        %parallel_loop3A_386 = arith.index_cast %parallel_loop3A_385 : i32 to index
        %parallel_loop3A_387 = arith.index_cast %parallel_loop3A_376 : i32 to index
        %parallel_loop3A_388 = arith.constant 0 : index
        %parallel_loop3A_389 = tpu.vector_load %arg11[%parallel_loop3A_386, %parallel_loop3A_387, %parallel_loop3A_388] {strides = array<i32>} : memref<2x40x128xf32, #tpu.memory_space<vmem>>, vector<16xf32>,
        %parallel_loop3A_390 = arith.constant 0 : i32
        %parallel_loop3A_391 = arith.index_cast %parallel_loop3A_390 : i32 to index
        %parallel_loop3A_392 = arith.index_cast %parallel_loop3A_376 : i32 to index
        %parallel_loop3A_393 = arith.constant 16 : index
        %parallel_loop3A_394 = tpu.vector_load %arg11[%parallel_loop3A_391, %parallel_loop3A_392, %parallel_loop3A_393] {strides = array<i32>} : memref<2x40x128xf32, #tpu.memory_space<vmem>>, vector<16xf32>,
        %parallel_loop3A_395 = arith.constant 0 : i32
        %parallel_loop3A_396 = arith.index_cast %parallel_loop3A_395 : i32 to index
        %parallel_loop3A_397 = arith.index_cast %parallel_loop3A_376 : i32 to index
        %parallel_loop3A_398 = arith.constant 32 : index
        %parallel_loop3A_399 = tpu.vector_load %arg11[%parallel_loop3A_396, %parallel_loop3A_397, %parallel_loop3A_398] {strides = array<i32>} : memref<2x40x128xf32, #tpu.memory_space<vmem>>, vector<16xf32>,
        %parallel_loop3A_400 = arith.constant 0 : i32
        %parallel_loop3A_401 = arith.index_cast %parallel_loop3A_400 : i32 to index
        %parallel_loop3A_402 = arith.index_cast %parallel_loop3A_376 : i32 to index
        %parallel_loop3A_403 = arith.constant 48 : index
        %parallel_loop3A_404 = tpu.vector_load %arg11[%parallel_loop3A_401, %parallel_loop3A_402, %parallel_loop3A_403] {strides = array<i32>} : memref<2x40x128xf32, #tpu.memory_space<vmem>>, vector<16xf32>,
        %parallel_loop3A_405 = arith.constant 0 : i32
        %parallel_loop3A_406 = arith.index_cast %parallel_loop3A_405 : i32 to index
        %parallel_loop3A_407 = arith.index_cast %parallel_loop3A_376 : i32 to index
        %parallel_loop3A_408 = arith.constant 64 : index
        %parallel_loop3A_409 = tpu.vector_load %arg11[%parallel_loop3A_406, %parallel_loop3A_407, %parallel_loop3A_408] {strides = array<i32>} : memref<2x40x128xf32, #tpu.memory_space<vmem>>, vector<16xf32>,
        %parallel_loop3A_410 = arith.constant 0 : i32
        %parallel_loop3A_411 = arith.index_cast %parallel_loop3A_410 : i32 to index
        %parallel_loop3A_412 = arith.index_cast %parallel_loop3A_376 : i32 to index
        %parallel_loop3A_413 = arith.constant 80 : index
        %parallel_loop3A_414 = tpu.vector_load %arg11[%parallel_loop3A_411, %parallel_loop3A_412, %parallel_loop3A_413] {strides = array<i32>} : memref<2x40x128xf32, #tpu.memory_space<vmem>>, vector<16xf32>,
        %parallel_loop3A_415 = arith.constant 0 : i32
        %parallel_loop3A_416 = arith.index_cast %parallel_loop3A_415 : i32 to index
        %parallel_loop3A_417 = arith.index_cast %parallel_loop3A_376 : i32 to index
        %parallel_loop3A_418 = arith.constant 96 : index
        %parallel_loop3A_419 = tpu.vector_load %arg11[%parallel_loop3A_416, %parallel_loop3A_417, %parallel_loop3A_418] {strides = array<i32>} : memref<2x40x128xf32, #tpu.memory_space<vmem>>, vector<16xf32>,
        %parallel_loop3A_420 = arith.constant 0 : i32
        %parallel_loop3A_421 = arith.index_cast %parallel_loop3A_420 : i32 to index
        %parallel_loop3A_422 = arith.index_cast %parallel_loop3A_376 : i32 to index
        %parallel_loop3A_423 = arith.constant 112 : index
        %parallel_loop3A_424 = tpu.vector_load %arg11[%parallel_loop3A_421, %parallel_loop3A_422, %parallel_loop3A_423] {strides = array<i32>} : memref<2x40x128xf32, #tpu.memory_space<vmem>>, vector<16xf32>,
        %parallel_loop3A_425 = arith.constant 0 : i32
        %parallel_loop3A_426 = arith.index_cast %parallel_loop3A_425 : i32 to index
        %parallel_loop3A_427 = arith.index_cast %parallel_loop3A_376 : i32 to index
        %parallel_loop3A_428 = arith.constant 0 : index
        %parallel_loop3A_429 = tpu.vector_load %arg12[%parallel_loop3A_426, %parallel_loop3A_427, %parallel_loop3A_428] {strides = array<i32>} : memref<2x40x128xf32, #tpu.memory_space<vmem>>, vector<16xf32>,
        %parallel_loop3A_430 = arith.addf %parallel_loop3A_389, %parallel_loop3A_429 : vector<16xf32>
        %parallel_loop3A_431 = arith.constant 2.000000e-01 : f32
        %parallel_loop3A_432 = vector.broadcast %parallel_loop3A_431 : f32 to vector<16xf32>
        %parallel_loop3A_433 = arith.mulf %parallel_loop3A_432, %parallel_loop3A_430 : vector<16xf32>
        %parallel_loop3A_434 = arith.maximumf %parallel_loop3A_430, %parallel_loop3A_433 : vector<16xf32>
        %parallel_loop3A_435 = arith.mulf %parallel_loop3A_434, %parallel_loop3A_377 : vector<16xf32>
        %parallel_loop3A_436 = arith.constant 0 : i32
        %parallel_loop3A_437 = arith.index_cast %parallel_loop3A_436 : i32 to index
        %parallel_loop3A_438 = arith.index_cast %parallel_loop3A_376 : i32 to index
        %parallel_loop3A_439 = arith.constant 16 : index
        %parallel_loop3A_440 = tpu.vector_load %arg12[%parallel_loop3A_437, %parallel_loop3A_438, %parallel_loop3A_439] {strides = array<i32>} : memref<2x40x128xf32, #tpu.memory_space<vmem>>, vector<16xf32>,
        %parallel_loop3A_441 = arith.addf %parallel_loop3A_394, %parallel_loop3A_440 : vector<16xf32>
        %parallel_loop3A_442 = arith.constant 2.000000e-01 : f32
        %parallel_loop3A_443 = vector.broadcast %parallel_loop3A_442 : f32 to vector<16xf32>
        %parallel_loop3A_444 = arith.mulf %parallel_loop3A_443, %parallel_loop3A_441 : vector<16xf32>
        %parallel_loop3A_445 = arith.maximumf %parallel_loop3A_441, %parallel_loop3A_444 : vector<16xf32>
        %parallel_loop3A_446 = arith.mulf %parallel_loop3A_445, %parallel_loop3A_378 : vector<16xf32>
        %parallel_loop3A_447 = arith.addf %parallel_loop3A_435, %parallel_loop3A_446 : vector<16xf32>
        %parallel_loop3A_448 = arith.constant 0 : i32
        %parallel_loop3A_449 = arith.index_cast %parallel_loop3A_448 : i32 to index
        %parallel_loop3A_450 = arith.index_cast %parallel_loop3A_376 : i32 to index
        %parallel_loop3A_451 = arith.constant 32 : index
        %parallel_loop3A_452 = tpu.vector_load %arg12[%parallel_loop3A_449, %parallel_loop3A_450, %parallel_loop3A_451] {strides = array<i32>} : memref<2x40x128xf32, #tpu.memory_space<vmem>>, vector<16xf32>,
        %parallel_loop3A_453 = arith.addf %parallel_loop3A_399, %parallel_loop3A_452 : vector<16xf32>
        %parallel_loop3A_454 = arith.constant 2.000000e-01 : f32
        %parallel_loop3A_455 = vector.broadcast %parallel_loop3A_454 : f32 to vector<16xf32>
        %parallel_loop3A_456 = arith.mulf %parallel_loop3A_455, %parallel_loop3A_453 : vector<16xf32>
        %parallel_loop3A_457 = arith.maximumf %parallel_loop3A_453, %parallel_loop3A_456 : vector<16xf32>
        %parallel_loop3A_458 = arith.mulf %parallel_loop3A_457, %parallel_loop3A_379 : vector<16xf32>
        %parallel_loop3A_459 = arith.addf %parallel_loop3A_447, %parallel_loop3A_458 : vector<16xf32>
        %parallel_loop3A_460 = arith.constant 0 : i32
        %parallel_loop3A_461 = arith.index_cast %parallel_loop3A_460 : i32 to index
        %parallel_loop3A_462 = arith.index_cast %parallel_loop3A_376 : i32 to index
        %parallel_loop3A_463 = arith.constant 48 : index
        %parallel_loop3A_464 = tpu.vector_load %arg12[%parallel_loop3A_461, %parallel_loop3A_462, %parallel_loop3A_463] {strides = array<i32>} : memref<2x40x128xf32, #tpu.memory_space<vmem>>, vector<16xf32>,
        %parallel_loop3A_465 = arith.addf %parallel_loop3A_404, %parallel_loop3A_464 : vector<16xf32>
        %parallel_loop3A_466 = arith.constant 2.000000e-01 : f32
        %parallel_loop3A_467 = vector.broadcast %parallel_loop3A_466 : f32 to vector<16xf32>
        %parallel_loop3A_468 = arith.mulf %parallel_loop3A_467, %parallel_loop3A_465 : vector<16xf32>
        %parallel_loop3A_469 = arith.maximumf %parallel_loop3A_465, %parallel_loop3A_468 : vector<16xf32>
        %parallel_loop3A_470 = arith.mulf %parallel_loop3A_469, %parallel_loop3A_380 : vector<16xf32>
        %parallel_loop3A_471 = arith.addf %parallel_loop3A_459, %parallel_loop3A_470 : vector<16xf32>
        %parallel_loop3A_472 = arith.constant 0 : i32
        %parallel_loop3A_473 = arith.index_cast %parallel_loop3A_472 : i32 to index
        %parallel_loop3A_474 = arith.index_cast %parallel_loop3A_376 : i32 to index
        %parallel_loop3A_475 = arith.constant 64 : index
        %parallel_loop3A_476 = tpu.vector_load %arg12[%parallel_loop3A_473, %parallel_loop3A_474, %parallel_loop3A_475] {strides = array<i32>} : memref<2x40x128xf32, #tpu.memory_space<vmem>>, vector<16xf32>,
        %parallel_loop3A_477 = arith.addf %parallel_loop3A_409, %parallel_loop3A_476 : vector<16xf32>
        %parallel_loop3A_478 = arith.constant 2.000000e-01 : f32
        %parallel_loop3A_479 = vector.broadcast %parallel_loop3A_478 : f32 to vector<16xf32>
        %parallel_loop3A_480 = arith.mulf %parallel_loop3A_479, %parallel_loop3A_477 : vector<16xf32>
        %parallel_loop3A_481 = arith.maximumf %parallel_loop3A_477, %parallel_loop3A_480 : vector<16xf32>
        %parallel_loop3A_482 = arith.mulf %parallel_loop3A_481, %parallel_loop3A_381 : vector<16xf32>
        %parallel_loop3A_483 = arith.addf %parallel_loop3A_471, %parallel_loop3A_482 : vector<16xf32>
        %parallel_loop3A_484 = arith.constant 0 : i32
        %parallel_loop3A_485 = arith.index_cast %parallel_loop3A_484 : i32 to index
        %parallel_loop3A_486 = arith.index_cast %parallel_loop3A_376 : i32 to index
        %parallel_loop3A_487 = arith.constant 80 : index
        %parallel_loop3A_488 = tpu.vector_load %arg12[%parallel_loop3A_485, %parallel_loop3A_486, %parallel_loop3A_487] {strides = array<i32>} : memref<2x40x128xf32, #tpu.memory_space<vmem>>, vector<16xf32>,
        %parallel_loop3A_489 = arith.addf %parallel_loop3A_414, %parallel_loop3A_488 : vector<16xf32>
        %parallel_loop3A_490 = arith.constant 2.000000e-01 : f32
        %parallel_loop3A_491 = vector.broadcast %parallel_loop3A_490 : f32 to vector<16xf32>
        %parallel_loop3A_492 = arith.mulf %parallel_loop3A_491, %parallel_loop3A_489 : vector<16xf32>
        %parallel_loop3A_493 = arith.maximumf %parallel_loop3A_489, %parallel_loop3A_492 : vector<16xf32>
        %parallel_loop3A_494 = arith.mulf %parallel_loop3A_493, %parallel_loop3A_382 : vector<16xf32>
        %parallel_loop3A_495 = arith.addf %parallel_loop3A_483, %parallel_loop3A_494 : vector<16xf32>
        %parallel_loop3A_496 = arith.constant 0 : i32
        %parallel_loop3A_497 = arith.index_cast %parallel_loop3A_496 : i32 to index
        %parallel_loop3A_498 = arith.index_cast %parallel_loop3A_376 : i32 to index
        %parallel_loop3A_499 = arith.constant 96 : index
        %parallel_loop3A_500 = tpu.vector_load %arg12[%parallel_loop3A_497, %parallel_loop3A_498, %parallel_loop3A_499] {strides = array<i32>} : memref<2x40x128xf32, #tpu.memory_space<vmem>>, vector<16xf32>,
        %parallel_loop3A_501 = arith.addf %parallel_loop3A_419, %parallel_loop3A_500 : vector<16xf32>
        %parallel_loop3A_502 = arith.constant 2.000000e-01 : f32
        %parallel_loop3A_503 = vector.broadcast %parallel_loop3A_502 : f32 to vector<16xf32>
        %parallel_loop3A_504 = arith.mulf %parallel_loop3A_503, %parallel_loop3A_501 : vector<16xf32>
        %parallel_loop3A_505 = arith.maximumf %parallel_loop3A_501, %parallel_loop3A_504 : vector<16xf32>
        %parallel_loop3A_506 = arith.mulf %parallel_loop3A_505, %parallel_loop3A_383 : vector<16xf32>
        %parallel_loop3A_507 = arith.addf %parallel_loop3A_495, %parallel_loop3A_506 : vector<16xf32>
        %parallel_loop3A_508 = arith.constant 0 : i32
        %parallel_loop3A_509 = arith.index_cast %parallel_loop3A_508 : i32 to index
        %parallel_loop3A_510 = arith.index_cast %parallel_loop3A_376 : i32 to index
        %parallel_loop3A_511 = arith.constant 112 : index
        %parallel_loop3A_512 = tpu.vector_load %arg12[%parallel_loop3A_509, %parallel_loop3A_510, %parallel_loop3A_511] {strides = array<i32>} : memref<2x40x128xf32, #tpu.memory_space<vmem>>, vector<16xf32>,
        %parallel_loop3A_513 = arith.addf %parallel_loop3A_424, %parallel_loop3A_512 : vector<16xf32>
        %parallel_loop3A_514 = arith.constant 2.000000e-01 : f32
        %parallel_loop3A_515 = vector.broadcast %parallel_loop3A_514 : f32 to vector<16xf32>
        %parallel_loop3A_516 = arith.mulf %parallel_loop3A_515, %parallel_loop3A_513 : vector<16xf32>
        %parallel_loop3A_517 = arith.maximumf %parallel_loop3A_513, %parallel_loop3A_516 : vector<16xf32>
        %parallel_loop3A_518 = arith.mulf %parallel_loop3A_517, %parallel_loop3A_384 : vector<16xf32>
        %parallel_loop3A_519 = arith.addf %parallel_loop3A_507, %parallel_loop3A_518 : vector<16xf32>
        %parallel_loop3A_520 = arith.constant true
        %parallel_loop3A_521 = vector.broadcast %parallel_loop3A_520 : i1 to vector<16xi1>
        %parallel_loop3A_522 = tpu.scan <sum>, %parallel_loop3A_519 masked %parallel_loop3A_521 : vector<16xf32>, vector<16xi1> -> vector<16xf32>
        %parallel_loop3A_523 = vector.extract %parallel_loop3A_522[15] : f32 from vector<16xf32>
        %parallel_loop3A_524 = vector.broadcast %parallel_loop3A_523 : f32 to vector<16xf32>
        %parallel_loop3A_525 = math.exp %parallel_loop3A_524 : vector<16xf32>
        %parallel_loop3A_526 = arith.mulf %parallel_loop3A_389, %parallel_loop3A_525 : vector<16xf32>
        %parallel_loop3A_527 = arith.constant 0 : i32
        %parallel_loop3A_528 = arith.index_cast %parallel_loop3A_527 : i32 to index
        %parallel_loop3A_529 = arith.index_cast %parallel_loop3A_376 : i32 to index
        %parallel_loop3A_530 = arith.constant 0 : index
        %parallel_loop3A_531 = tpu.vector_load %arg13[%parallel_loop3A_528, %parallel_loop3A_529, %parallel_loop3A_530] {strides = array<i32>} : memref<2x40x144xf32, #tpu.memory_space<vmem>>, vector<16xf32>,
        tpu.vector_store %arg13[%parallel_loop3A_528, %parallel_loop3A_529, %parallel_loop3A_530], %parallel_loop3A_526 {strides = array<i32>} : memref<2x40x144xf32, #tpu.memory_space<vmem>>, vector<16xf32>,
        %parallel_loop3A_532 = arith.mulf %parallel_loop3A_394, %parallel_loop3A_525 : vector<16xf32>
        %parallel_loop3A_533 = arith.constant 0 : i32
        %parallel_loop3A_534 = arith.index_cast %parallel_loop3A_533 : i32 to index
        %parallel_loop3A_535 = arith.index_cast %parallel_loop3A_376 : i32 to index
        %parallel_loop3A_536 = arith.constant 16 : index
        %parallel_loop3A_537 = tpu.vector_load %arg13[%parallel_loop3A_534, %parallel_loop3A_535, %parallel_loop3A_536] {strides = array<i32>} : memref<2x40x144xf32, #tpu.memory_space<vmem>>, vector<16xf32>,
        tpu.vector_store %arg13[%parallel_loop3A_534, %parallel_loop3A_535, %parallel_loop3A_536], %parallel_loop3A_532 {strides = array<i32>} : memref<2x40x144xf32, #tpu.memory_space<vmem>>, vector<16xf32>,
        %parallel_loop3A_538 = arith.mulf %parallel_loop3A_399, %parallel_loop3A_525 : vector<16xf32>
        %parallel_loop3A_539 = arith.constant 0 : i32
        %parallel_loop3A_540 = arith.index_cast %parallel_loop3A_539 : i32 to index
        %parallel_loop3A_541 = arith.index_cast %parallel_loop3A_376 : i32 to index
        %parallel_loop3A_542 = arith.constant 32 : index
        %parallel_loop3A_543 = tpu.vector_load %arg13[%parallel_loop3A_540, %parallel_loop3A_541, %parallel_loop3A_542] {strides = array<i32>} : memref<2x40x144xf32, #tpu.memory_space<vmem>>, vector<16xf32>,
        tpu.vector_store %arg13[%parallel_loop3A_540, %parallel_loop3A_541, %parallel_loop3A_542], %parallel_loop3A_538 {strides = array<i32>} : memref<2x40x144xf32, #tpu.memory_space<vmem>>, vector<16xf32>,
        %parallel_loop3A_544 = arith.mulf %parallel_loop3A_404, %parallel_loop3A_525 : vector<16xf32>
        %parallel_loop3A_545 = arith.constant 0 : i32
        %parallel_loop3A_546 = arith.index_cast %parallel_loop3A_545 : i32 to index
        %parallel_loop3A_547 = arith.index_cast %parallel_loop3A_376 : i32 to index
        %parallel_loop3A_548 = arith.constant 48 : index
        %parallel_loop3A_549 = tpu.vector_load %arg13[%parallel_loop3A_546, %parallel_loop3A_547, %parallel_loop3A_548] {strides = array<i32>} : memref<2x40x144xf32, #tpu.memory_space<vmem>>, vector<16xf32>,
        tpu.vector_store %arg13[%parallel_loop3A_546, %parallel_loop3A_547, %parallel_loop3A_548], %parallel_loop3A_544 {strides = array<i32>} : memref<2x40x144xf32, #tpu.memory_space<vmem>>, vector<16xf32>,
        %parallel_loop3A_550 = arith.mulf %parallel_loop3A_409, %parallel_loop3A_525 : vector<16xf32>
        %parallel_loop3A_551 = arith.constant 0 : i32
        %parallel_loop3A_552 = arith.index_cast %parallel_loop3A_551 : i32 to index
        %parallel_loop3A_553 = arith.index_cast %parallel_loop3A_376 : i32 to index
        %parallel_loop3A_554 = arith.constant 64 : index
        %parallel_loop3A_555 = tpu.vector_load %arg13[%parallel_loop3A_552, %parallel_loop3A_553, %parallel_loop3A_554] {strides = array<i32>} : memref<2x40x144xf32, #tpu.memory_space<vmem>>, vector<16xf32>,
        tpu.vector_store %arg13[%parallel_loop3A_552, %parallel_loop3A_553, %parallel_loop3A_554], %parallel_loop3A_550 {strides = array<i32>} : memref<2x40x144xf32, #tpu.memory_space<vmem>>, vector<16xf32>,
        %parallel_loop3A_556 = arith.mulf %parallel_loop3A_414, %parallel_loop3A_525 : vector<16xf32>
        %parallel_loop3A_557 = arith.constant 0 : i32
        %parallel_loop3A_558 = arith.index_cast %parallel_loop3A_557 : i32 to index
        %parallel_loop3A_559 = arith.index_cast %parallel_loop3A_376 : i32 to index
        %parallel_loop3A_560 = arith.constant 80 : index
        %parallel_loop3A_561 = tpu.vector_load %arg13[%parallel_loop3A_558, %parallel_loop3A_559, %parallel_loop3A_560] {strides = array<i32>} : memref<2x40x144xf32, #tpu.memory_space<vmem>>, vector<16xf32>,
        tpu.vector_store %arg13[%parallel_loop3A_558, %parallel_loop3A_559, %parallel_loop3A_560], %parallel_loop3A_556 {strides = array<i32>} : memref<2x40x144xf32, #tpu.memory_space<vmem>>, vector<16xf32>,
        %parallel_loop3A_562 = arith.mulf %parallel_loop3A_419, %parallel_loop3A_525 : vector<16xf32>
        %parallel_loop3A_563 = arith.constant 0 : i32
        %parallel_loop3A_564 = arith.index_cast %parallel_loop3A_563 : i32 to index
        %parallel_loop3A_565 = arith.index_cast %parallel_loop3A_376 : i32 to index
        %parallel_loop3A_566 = arith.constant 96 : index
        %parallel_loop3A_567 = tpu.vector_load %arg13[%parallel_loop3A_564, %parallel_loop3A_565, %parallel_loop3A_566] {strides = array<i32>} : memref<2x40x144xf32, #tpu.memory_space<vmem>>, vector<16xf32>,
        tpu.vector_store %arg13[%parallel_loop3A_564, %parallel_loop3A_565, %parallel_loop3A_566], %parallel_loop3A_562 {strides = array<i32>} : memref<2x40x144xf32, #tpu.memory_space<vmem>>, vector<16xf32>,
        %parallel_loop3A_568 = arith.mulf %parallel_loop3A_424, %parallel_loop3A_525 : vector<16xf32>
        %parallel_loop3A_569 = arith.constant 0 : i32
        %parallel_loop3A_570 = arith.index_cast %parallel_loop3A_569 : i32 to index
        %parallel_loop3A_571 = arith.index_cast %parallel_loop3A_376 : i32 to index
        %parallel_loop3A_572 = arith.constant 112 : index
        %parallel_loop3A_573 = tpu.vector_load %arg13[%parallel_loop3A_570, %parallel_loop3A_571, %parallel_loop3A_572] {strides = array<i32>} : memref<2x40x144xf32, #tpu.memory_space<vmem>>, vector<16xf32>,
        tpu.vector_store %arg13[%parallel_loop3A_570, %parallel_loop3A_571, %parallel_loop3A_572], %parallel_loop3A_568 {strides = array<i32>} : memref<2x40x144xf32, #tpu.memory_space<vmem>>, vector<16xf32>,
        %parallel_loop3A_574 = arith.constant 0 : i32
        %parallel_loop3A_575 = arith.index_cast %parallel_loop3A_574 : i32 to index
        %parallel_loop3A_576 = arith.index_cast %parallel_loop3A_376 : i32 to index
        %parallel_loop3A_577 = arith.constant 128 : index
        %parallel_loop3A_578 = tpu.vector_load %arg13[%parallel_loop3A_575, %parallel_loop3A_576, %parallel_loop3A_577] {strides = array<i32>} : memref<2x40x144xf32, #tpu.memory_space<vmem>>, vector<16xf32>,
        tpu.vector_store %arg13[%parallel_loop3A_575, %parallel_loop3A_576, %parallel_loop3A_577], %parallel_loop3A_525 {strides = array<i32>} : memref<2x40x144xf32, #tpu.memory_space<vmem>>, vector<16xf32>,
        scf.yield %parallel_loop3A_377, %parallel_loop3A_378, %parallel_loop3A_379, %parallel_loop3A_380, %parallel_loop3A_381, %parallel_loop3A_382, %parallel_loop3A_383, %parallel_loop3A_384 : vector<16xf32>, vector<16xf32>, vector<16xf32>, vector<16xf32>, vector<16xf32>, vector<16xf32>, vector<16xf32>, vector<16xf32>
      } {sc.loop_unroll_factor = 4 : i64, sc.parallel_access}
      %run_scoped3A = arith.constant 0 : i32
      %run_scoped3A_246 = arith.constant 0 : i32
      "tpu.region"() ({
        %run_scoped3A_376 = tpu.sem_alloc : memref<!tpu.dma_semaphore, #tpu.memory_space<semaphore_mem>>
        %dma_start3A_377 = arith.constant 0 : i32
        %dma_start3A_378 = arith.constant 0 : i32
        %dma_start3A_379 = tpu.memref_slice %arg13[%run_scoped3A, %dma_start3A_377, %dma_start3A_378] : memref<2x40x144xf32, #tpu.memory_space<vmem>> -> memref<1x40x144xf32, #tpu.memory_space<vmem>>
        %dma_start3A_380 = tpu.memref_squeeze %dma_start3A_379 : memref<1x40x144xf32, #tpu.memory_space<vmem>> -> memref<40x144xf32, #tpu.memory_space<vmem>>
        %dma_start3A_381 = arith.constant 0 : i32
        %dma_start3A_382 = tpu.memref_slice %arg10[%run_scoped3A_246, %dma_start3A_381] : memref<2x40xi32, #tpu.memory_space<vmem>> -> memref<1x40xi32, #tpu.memory_space<vmem>>
        %dma_start3A_383 = tpu.memref_squeeze %dma_start3A_382 : memref<1x40xi32, #tpu.memory_space<vmem>> -> memref<40xi32, #tpu.memory_space<vmem>>
        %dma_start3A_384 = arith.constant 0 : i32
        %dma_start3A_385 = arith.constant 0 : i32
        %dma_start3A_386 = tpu.memref_slice %arg15[%dma_start3A_384, %dma_start3A_385] : memref<10000x144xf32, #tpu.memory_space<vmem_shared>> -> memref<10000x144xf32, #tpu.memory_space<vmem_shared>>
        tpu.enqueue_indirect_dma source(%dma_start3A_380 : memref<40x144xf32, #tpu.memory_space<vmem>>) target(%dma_start3A_386 : memref<10000x144xf32, #tpu.memory_space<vmem_shared>>) offsets(%dma_start3A_383 : memref<40xi32, #tpu.memory_space<vmem>>) semaphore(%run_scoped3A_376 : memref<!tpu.dma_semaphore, #tpu.memory_space<semaphore_mem>>) {add = true}
        %dma_wait3A_387 = arith.constant 0 : i32
        %dma_wait3A_388 = arith.constant 0 : i32
        %dma_wait3A_389 = tpu.memref_slice %arg13[%run_scoped3A, %dma_wait3A_387, %dma_wait3A_388] : memref<2x40x144xf32, #tpu.memory_space<vmem>> -> memref<1x40x144xf32, #tpu.memory_space<vmem>>
        %dma_wait3A_390 = tpu.memref_squeeze %dma_wait3A_389 : memref<1x40x144xf32, #tpu.memory_space<vmem>> -> memref<40x144xf32, #tpu.memory_space<vmem>>
        %dma_wait3A_391 = arith.constant 0 : i32
        %dma_wait3A_392 = tpu.memref_slice %arg10[%run_scoped3A_246, %dma_wait3A_391] : memref<2x40xi32, #tpu.memory_space<vmem>> -> memref<1x40xi32, #tpu.memory_space<vmem>>
        %dma_wait3A_393 = tpu.memref_squeeze %dma_wait3A_392 : memref<1x40xi32, #tpu.memory_space<vmem>> -> memref<40xi32, #tpu.memory_space<vmem>>
        %dma_wait3A_394 = arith.constant 0 : i32
        %dma_wait3A_395 = arith.constant 0 : i32
        %dma_wait3A_396 = tpu.memref_slice %arg15[%dma_wait3A_394, %dma_wait3A_395] : memref<10000x144xf32, #tpu.memory_space<vmem_shared>> -> memref<10000x144xf32, #tpu.memory_space<vmem_shared>>
        tpu.wait_indirect_dma semaphore(%run_scoped3A_376 : memref<!tpu.dma_semaphore, #tpu.memory_space<semaphore_mem>>) src(%dma_wait3A_390 : memref<40x144xf32, #tpu.memory_space<vmem>>) dst(%dma_wait3A_396 : memref<10000x144xf32, #tpu.memory_space<vmem_shared>>)
        tpu.yield
      }) : () -> ()
      %add3A_247 = arith.constant 2 : i32
      %add3A_248 = arith.addi %mul3A_172, %add3A_247 : i32
      %min3A = arith.constant 249 : i32
      %min3A_249 = arith.minsi %add3A_248, %min3A : i32
      %mul3A_250 = arith.constant 40 : i32
      %mul3A_251 = arith.muli %min3A_249, %mul3A_250 : i32
      %add3A_252 = arith.addi %mul3A_6, %mul3A_251 : i32
      %dma_start3A_253 = arith.constant 0 : i32
      %dma_start3A_254 = arith.constant 0 : i32
      %dma_start3A_255 = tpu.memref_slice %arg9[%dma_start3A_253, %dma_start3A_254] : memref<2x40xi32, #tpu.memory_space<vmem>> -> memref<1x40xi32, #tpu.memory_space<vmem>>
      %dma_start3A_256 = tpu.memref_squeeze %dma_start3A_255 : memref<1x40xi32, #tpu.memory_space<vmem>> -> memref<40xi32, #tpu.memory_space<vmem>>
      %dma_start3A_257 = tpu.memref_slice %arg4[%add3A_252] : memref<320000xi32, #tpu.memory_space<hbm>> -> memref<40xi32, #tpu.memory_space<hbm>>
      %dma_start3A_258 = arith.constant 0 : i32
      %dma_start3A_259 = tpu.memref_slice %arg9[%dma_start3A_253, %dma_start3A_258] : memref<2x40xi32, #tpu.memory_space<vmem>> -> memref<1x40xi32, #tpu.memory_space<vmem>>
      %dma_start3A_260 = tpu.memref_squeeze %dma_start3A_259 : memref<1x40xi32, #tpu.memory_space<vmem>> -> memref<40xi32, #tpu.memory_space<vmem>>
      %dma_start3A_261 = tpu.memref_slice %arg4[%add3A_252] : memref<320000xi32, #tpu.memory_space<hbm>> -> memref<40xi32, #tpu.memory_space<hbm>>
      tpu.enqueue_dma source(%dma_start3A_261 : memref<40xi32, #tpu.memory_space<hbm>>) target(%dma_start3A_260 : memref<40xi32, #tpu.memory_space<vmem>>) target_semaphore(%arg18 : memref<!tpu.dma_semaphore, #tpu.memory_space<semaphore_mem>>)
      %dma_start3A_262 = arith.constant 0 : i32
      %dma_start3A_263 = arith.constant 0 : i32
      %dma_start3A_264 = tpu.memref_slice %arg10[%dma_start3A_262, %dma_start3A_263] : memref<2x40xi32, #tpu.memory_space<vmem>> -> memref<1x40xi32, #tpu.memory_space<vmem>>
      %dma_start3A_265 = tpu.memref_squeeze %dma_start3A_264 : memref<1x40xi32, #tpu.memory_space<vmem>> -> memref<40xi32, #tpu.memory_space<vmem>>
      %dma_start3A_266 = tpu.memref_slice %arg5[%add3A_252] : memref<320000xi32, #tpu.memory_space<hbm>> -> memref<40xi32, #tpu.memory_space<hbm>>
      %dma_start3A_267 = arith.constant 0 : i32
      %dma_start3A_268 = tpu.memref_slice %arg10[%dma_start3A_262, %dma_start3A_267] : memref<2x40xi32, #tpu.memory_space<vmem>> -> memref<1x40xi32, #tpu.memory_space<vmem>>
      %dma_start3A_269 = tpu.memref_squeeze %dma_start3A_268 : memref<1x40xi32, #tpu.memory_space<vmem>> -> memref<40xi32, #tpu.memory_space<vmem>>
      %dma_start3A_270 = tpu.memref_slice %arg5[%add3A_252] : memref<320000xi32, #tpu.memory_space<hbm>> -> memref<40xi32, #tpu.memory_space<hbm>>
      tpu.enqueue_dma source(%dma_start3A_270 : memref<40xi32, #tpu.memory_space<hbm>>) target(%dma_start3A_269 : memref<40xi32, #tpu.memory_space<vmem>>) target_semaphore(%arg18 : memref<!tpu.dma_semaphore, #tpu.memory_space<semaphore_mem>>)
      %mul3A_271 = arith.constant 2 : i32
      %mul3A_272 = arith.muli %mul3A_271, %scan3A_162 : i32
      %add3A_273 = arith.constant 1 : i32
      %add3A_274 = arith.addi %mul3A_272, %add3A_273 : i32
      %dma_wait3A_275 = arith.constant 1 : i32
      %dma_wait3A_276 = arith.constant 1 : i32
      %dma_wait3A_277 = arith.constant 0 : i32
      %dma_wait3A_278 = arith.constant 0 : i32
      %dma_wait3A_279 = tpu.memref_slice %arg11[%dma_wait3A_276, %dma_wait3A_277, %dma_wait3A_278] : memref<2x40x128xf32, #tpu.memory_space<vmem>> -> memref<1x40x128xf32, #tpu.memory_space<vmem>>
      %dma_wait3A_280 = tpu.memref_squeeze %dma_wait3A_279 : memref<1x40x128xf32, #tpu.memory_space<vmem>> -> memref<40x128xf32, #tpu.memory_space<vmem>>
      %dma_wait3A_281 = arith.constant 0 : i32
      %dma_wait3A_282 = tpu.memref_slice %arg9[%dma_wait3A_275, %dma_wait3A_281] : memref<2x40xi32, #tpu.memory_space<vmem>> -> memref<1x40xi32, #tpu.memory_space<vmem>>
      %dma_wait3A_283 = tpu.memref_squeeze %dma_wait3A_282 : memref<1x40xi32, #tpu.memory_space<vmem>> -> memref<40xi32, #tpu.memory_space<vmem>>
      %dma_wait3A_284 = arith.constant 0 : i32
      %dma_wait3A_285 = arith.constant 0 : i32
      %dma_wait3A_286 = tpu.memref_slice %arg2[%dma_wait3A_284, %dma_wait3A_285] : memref<10000x128xf32, #tpu.memory_space<hbm>> -> memref<10000x128xf32, #tpu.memory_space<hbm>>
      tpu.wait_indirect_dma semaphore(%arg17 : memref<!tpu.dma_semaphore, #tpu.memory_space<semaphore_mem>>) src(%dma_wait3A_286 : memref<10000x128xf32, #tpu.memory_space<hbm>>) dst(%dma_wait3A_280 : memref<40x128xf32, #tpu.memory_space<vmem>>)
      %dma_wait3A_287 = arith.constant 1 : i32
      %dma_wait3A_288 = arith.constant 1 : i32
      %dma_wait3A_289 = arith.constant 0 : i32
      %dma_wait3A_290 = arith.constant 0 : i32
      %dma_wait3A_291 = tpu.memref_slice %arg12[%dma_wait3A_288, %dma_wait3A_289, %dma_wait3A_290] : memref<2x40x128xf32, #tpu.memory_space<vmem>> -> memref<1x40x128xf32, #tpu.memory_space<vmem>>
      %dma_wait3A_292 = tpu.memref_squeeze %dma_wait3A_291 : memref<1x40x128xf32, #tpu.memory_space<vmem>> -> memref<40x128xf32, #tpu.memory_space<vmem>>
      %dma_wait3A_293 = arith.constant 0 : i32
      %dma_wait3A_294 = tpu.memref_slice %arg10[%dma_wait3A_287, %dma_wait3A_293] : memref<2x40xi32, #tpu.memory_space<vmem>> -> memref<1x40xi32, #tpu.memory_space<vmem>>
      %dma_wait3A_295 = tpu.memref_squeeze %dma_wait3A_294 : memref<1x40xi32, #tpu.memory_space<vmem>> -> memref<40xi32, #tpu.memory_space<vmem>>
      %dma_wait3A_296 = arith.constant 0 : i32
      %dma_wait3A_297 = arith.constant 0 : i32
      %dma_wait3A_298 = tpu.memref_slice %arg3[%dma_wait3A_296, %dma_wait3A_297] : memref<10000x128xf32, #tpu.memory_space<hbm>> -> memref<10000x128xf32, #tpu.memory_space<hbm>>
      tpu.wait_indirect_dma semaphore(%arg17 : memref<!tpu.dma_semaphore, #tpu.memory_space<semaphore_mem>>) src(%dma_wait3A_298 : memref<10000x128xf32, #tpu.memory_space<hbm>>) dst(%dma_wait3A_292 : memref<40x128xf32, #tpu.memory_space<vmem>>)
      %dma_wait3A_299 = arith.constant 0 : i32
      %dma_wait3A_300 = arith.constant 0 : i32
      %dma_wait3A_301 = tpu.memref_slice %arg9[%dma_wait3A_299, %dma_wait3A_300] : memref<2x40xi32, #tpu.memory_space<vmem>> -> memref<1x40xi32, #tpu.memory_space<vmem>>
      %dma_wait3A_302 = tpu.memref_squeeze %dma_wait3A_301 : memref<1x40xi32, #tpu.memory_space<vmem>> -> memref<40xi32, #tpu.memory_space<vmem>>
      %dma_wait3A_303 = arith.constant 0 : i32
      %dma_wait3A_304 = tpu.memref_slice %arg4[%dma_wait3A_303] : memref<320000xi32, #tpu.memory_space<hbm>> -> memref<40xi32, #tpu.memory_space<hbm>>
      %dma_wait3A_305 = arith.constant 0 : i32
      %dma_wait3A_306 = tpu.memref_slice %arg9[%dma_wait3A_299, %dma_wait3A_305] : memref<2x40xi32, #tpu.memory_space<vmem>> -> memref<1x40xi32, #tpu.memory_space<vmem>>
      %dma_wait3A_307 = tpu.memref_squeeze %dma_wait3A_306 : memref<1x40xi32, #tpu.memory_space<vmem>> -> memref<40xi32, #tpu.memory_space<vmem>>
      %dma_wait3A_308 = arith.constant 0 : i32
      %dma_wait3A_309 = tpu.memref_slice %arg4[%dma_wait3A_308] : memref<320000xi32, #tpu.memory_space<hbm>> -> memref<40xi32, #tpu.memory_space<hbm>>
      tpu.wait_dma2 semaphore(%arg18 : memref<!tpu.dma_semaphore, #tpu.memory_space<semaphore_mem>>) src(%dma_wait3A_309 : memref<40xi32, #tpu.memory_space<hbm>>) dst(%dma_wait3A_307 : memref<40xi32, #tpu.memory_space<vmem>>)
      %dma_wait3A_310 = arith.constant 0 : i32
      %dma_wait3A_311 = arith.constant 0 : i32
      %dma_wait3A_312 = tpu.memref_slice %arg10[%dma_wait3A_310, %dma_wait3A_311] : memref<2x40xi32, #tpu.memory_space<vmem>> -> memref<1x40xi32, #tpu.memory_space<vmem>>
      %dma_wait3A_313 = tpu.memref_squeeze %dma_wait3A_312 : memref<1x40xi32, #tpu.memory_space<vmem>> -> memref<40xi32, #tpu.memory_space<vmem>>
      %dma_wait3A_314 = arith.constant 0 : i32
      %dma_wait3A_315 = tpu.memref_slice %arg5[%dma_wait3A_314] : memref<320000xi32, #tpu.memory_space<hbm>> -> memref<40xi32, #tpu.memory_space<hbm>>
      %dma_wait3A_316 = arith.constant 0 : i32
      %dma_wait3A_317 = tpu.memref_slice %arg10[%dma_wait3A_310, %dma_wait3A_316] : memref<2x40xi32, #tpu.memory_space<vmem>> -> memref<1x40xi32, #tpu.memory_space<vmem>>
      %dma_wait3A_318 = tpu.memref_squeeze %dma_wait3A_317 : memref<1x40xi32, #tpu.memory_space<vmem>> -> memref<40xi32, #tpu.memory_space<vmem>>
      %dma_wait3A_319 = arith.constant 0 : i32
      %dma_wait3A_320 = tpu.memref_slice %arg5[%dma_wait3A_319] : memref<320000xi32, #tpu.memory_space<hbm>> -> memref<40xi32, #tpu.memory_space<hbm>>
      tpu.wait_dma2 semaphore(%arg18 : memref<!tpu.dma_semaphore, #tpu.memory_space<semaphore_mem>>) src(%dma_wait3A_320 : memref<40xi32, #tpu.memory_space<hbm>>) dst(%dma_wait3A_318 : memref<40xi32, #tpu.memory_space<vmem>>)
      %dma_start3A_321 = arith.constant 0 : i32
      %dma_start3A_322 = arith.constant 0 : i32
      %dma_start3A_323 = arith.constant 0 : i32
      %dma_start3A_324 = arith.constant 0 : i32
      %dma_start3A_325 = tpu.memref_slice %arg11[%dma_start3A_322, %dma_start3A_323, %dma_start3A_324] : memref<2x40x128xf32, #tpu.memory_space<vmem>> -> memref<1x40x128xf32, #tpu.memory_space<vmem>>
      %dma_start3A_326 = tpu.memref_squeeze %dma_start3A_325 : memref<1x40x128xf32, #tpu.memory_space<vmem>> -> memref<40x128xf32, #tpu.memory_space<vmem>>
      %dma_start3A_327 = arith.constant 0 : i32
      %dma_start3A_328 = tpu.memref_slice %arg9[%dma_start3A_321, %dma_start3A_327] : memref<2x40xi32, #tpu.memory_space<vmem>> -> memref<1x40xi32, #tpu.memory_space<vmem>>
      %dma_start3A_329 = tpu.memref_squeeze %dma_start3A_328 : memref<1x40xi32, #tpu.memory_space<vmem>> -> memref<40xi32, #tpu.memory_space<vmem>>
      %dma_start3A_330 = arith.constant 0 : i32
      %dma_start3A_331 = arith.constant 0 : i32
      %dma_start3A_332 = tpu.memref_slice %arg2[%dma_start3A_330, %dma_start3A_331] : memref<10000x128xf32, #tpu.memory_space<hbm>> -> memref<10000x128xf32, #tpu.memory_space<hbm>>
      tpu.enqueue_indirect_dma source(%dma_start3A_332 : memref<10000x128xf32, #tpu.memory_space<hbm>>) target(%dma_start3A_326 : memref<40x128xf32, #tpu.memory_space<vmem>>) offsets(%dma_start3A_329 : memref<40xi32, #tpu.memory_space<vmem>>) semaphore(%arg16 : memref<!tpu.dma_semaphore, #tpu.memory_space<semaphore_mem>>)
      %dma_start3A_333 = arith.constant 0 : i32
      %dma_start3A_334 = arith.constant 0 : i32
      %dma_start3A_335 = arith.constant 0 : i32
      %dma_start3A_336 = arith.constant 0 : i32
      %dma_start3A_337 = tpu.memref_slice %arg12[%dma_start3A_334, %dma_start3A_335, %dma_start3A_336] : memref<2x40x128xf32, #tpu.memory_space<vmem>> -> memref<1x40x128xf32, #tpu.memory_space<vmem>>
      %dma_start3A_338 = tpu.memref_squeeze %dma_start3A_337 : memref<1x40x128xf32, #tpu.memory_space<vmem>> -> memref<40x128xf32, #tpu.memory_space<vmem>>
      %dma_start3A_339 = arith.constant 0 : i32
      %dma_start3A_340 = tpu.memref_slice %arg10[%dma_start3A_333, %dma_start3A_339] : memref<2x40xi32, #tpu.memory_space<vmem>> -> memref<1x40xi32, #tpu.memory_space<vmem>>
      %dma_start3A_341 = tpu.memref_squeeze %dma_start3A_340 : memref<1x40xi32, #tpu.memory_space<vmem>> -> memref<40xi32, #tpu.memory_space<vmem>>
      %dma_start3A_342 = arith.constant 0 : i32
      %dma_start3A_343 = arith.constant 0 : i32
      %dma_start3A_344 = tpu.memref_slice %arg3[%dma_start3A_342, %dma_start3A_343] : memref<10000x128xf32, #tpu.memory_space<hbm>> -> memref<10000x128xf32, #tpu.memory_space<hbm>>
      tpu.enqueue_indirect_dma source(%dma_start3A_344 : memref<10000x128xf32, #tpu.memory_space<hbm>>) target(%dma_start3A_338 : memref<40x128xf32, #tpu.memory_space<vmem>>) offsets(%dma_start3A_341 : memref<40xi32, #tpu.memory_space<vmem>>) semaphore(%arg16 : memref<!tpu.dma_semaphore, #tpu.memory_space<semaphore_mem>>)
      %parallel_loop3A_345 = arith.constant 0 : i32
      %parallel_loop3A_346 = arith.constant 40 : i32
      %parallel_loop3A_347 = arith.constant 1 : i32
      %parallel_loop3A_348:8 = scf.for %parallel_loop3A_376 = %parallel_loop3A_345 to %parallel_loop3A_346 step %parallel_loop3A_347 iter_args(%parallel_loop3A_377 = %parallel_loop3A_245#0, %parallel_loop3A_378 = %parallel_loop3A_245#1, %parallel_loop3A_379 = %parallel_loop3A_245#2, %parallel_loop3A_380 = %parallel_loop3A_245#3, %parallel_loop3A_381 = %parallel_loop3A_245#4, %parallel_loop3A_382 = %parallel_loop3A_245#5, %parallel_loop3A_383 = %parallel_loop3A_245#6, %parallel_loop3A_384 = %parallel_loop3A_245#7) -> (vector<16xf32>, vector<16xf32>, vector<16xf32>, vector<16xf32>, vector<16xf32>, vector<16xf32>, vector<16xf32>, vector<16xf32>)  : i32 {
        %parallel_loop3A_385 = arith.constant 1 : i32
        %parallel_loop3A_386 = arith.index_cast %parallel_loop3A_385 : i32 to index
        %parallel_loop3A_387 = arith.index_cast %parallel_loop3A_376 : i32 to index
        %parallel_loop3A_388 = arith.constant 0 : index
        %parallel_loop3A_389 = tpu.vector_load %arg11[%parallel_loop3A_386, %parallel_loop3A_387, %parallel_loop3A_388] {strides = array<i32>} : memref<2x40x128xf32, #tpu.memory_space<vmem>>, vector<16xf32>,
        %parallel_loop3A_390 = arith.constant 1 : i32
        %parallel_loop3A_391 = arith.index_cast %parallel_loop3A_390 : i32 to index
        %parallel_loop3A_392 = arith.index_cast %parallel_loop3A_376 : i32 to index
        %parallel_loop3A_393 = arith.constant 16 : index
        %parallel_loop3A_394 = tpu.vector_load %arg11[%parallel_loop3A_391, %parallel_loop3A_392, %parallel_loop3A_393] {strides = array<i32>} : memref<2x40x128xf32, #tpu.memory_space<vmem>>, vector<16xf32>,
        %parallel_loop3A_395 = arith.constant 1 : i32
        %parallel_loop3A_396 = arith.index_cast %parallel_loop3A_395 : i32 to index
        %parallel_loop3A_397 = arith.index_cast %parallel_loop3A_376 : i32 to index
        %parallel_loop3A_398 = arith.constant 32 : index
        %parallel_loop3A_399 = tpu.vector_load %arg11[%parallel_loop3A_396, %parallel_loop3A_397, %parallel_loop3A_398] {strides = array<i32>} : memref<2x40x128xf32, #tpu.memory_space<vmem>>, vector<16xf32>,
        %parallel_loop3A_400 = arith.constant 1 : i32
        %parallel_loop3A_401 = arith.index_cast %parallel_loop3A_400 : i32 to index
        %parallel_loop3A_402 = arith.index_cast %parallel_loop3A_376 : i32 to index
        %parallel_loop3A_403 = arith.constant 48 : index
        %parallel_loop3A_404 = tpu.vector_load %arg11[%parallel_loop3A_401, %parallel_loop3A_402, %parallel_loop3A_403] {strides = array<i32>} : memref<2x40x128xf32, #tpu.memory_space<vmem>>, vector<16xf32>,
        %parallel_loop3A_405 = arith.constant 1 : i32
        %parallel_loop3A_406 = arith.index_cast %parallel_loop3A_405 : i32 to index
        %parallel_loop3A_407 = arith.index_cast %parallel_loop3A_376 : i32 to index
        %parallel_loop3A_408 = arith.constant 64 : index
        %parallel_loop3A_409 = tpu.vector_load %arg11[%parallel_loop3A_406, %parallel_loop3A_407, %parallel_loop3A_408] {strides = array<i32>} : memref<2x40x128xf32, #tpu.memory_space<vmem>>, vector<16xf32>,
        %parallel_loop3A_410 = arith.constant 1 : i32
        %parallel_loop3A_411 = arith.index_cast %parallel_loop3A_410 : i32 to index
        %parallel_loop3A_412 = arith.index_cast %parallel_loop3A_376 : i32 to index
        %parallel_loop3A_413 = arith.constant 80 : index
        %parallel_loop3A_414 = tpu.vector_load %arg11[%parallel_loop3A_411, %parallel_loop3A_412, %parallel_loop3A_413] {strides = array<i32>} : memref<2x40x128xf32, #tpu.memory_space<vmem>>, vector<16xf32>,
        %parallel_loop3A_415 = arith.constant 1 : i32
        %parallel_loop3A_416 = arith.index_cast %parallel_loop3A_415 : i32 to index
        %parallel_loop3A_417 = arith.index_cast %parallel_loop3A_376 : i32 to index
        %parallel_loop3A_418 = arith.constant 96 : index
        %parallel_loop3A_419 = tpu.vector_load %arg11[%parallel_loop3A_416, %parallel_loop3A_417, %parallel_loop3A_418] {strides = array<i32>} : memref<2x40x128xf32, #tpu.memory_space<vmem>>, vector<16xf32>,
        %parallel_loop3A_420 = arith.constant 1 : i32
        %parallel_loop3A_421 = arith.index_cast %parallel_loop3A_420 : i32 to index
        %parallel_loop3A_422 = arith.index_cast %parallel_loop3A_376 : i32 to index
        %parallel_loop3A_423 = arith.constant 112 : index
        %parallel_loop3A_424 = tpu.vector_load %arg11[%parallel_loop3A_421, %parallel_loop3A_422, %parallel_loop3A_423] {strides = array<i32>} : memref<2x40x128xf32, #tpu.memory_space<vmem>>, vector<16xf32>,
        %parallel_loop3A_425 = arith.constant 1 : i32
        %parallel_loop3A_426 = arith.index_cast %parallel_loop3A_425 : i32 to index
        %parallel_loop3A_427 = arith.index_cast %parallel_loop3A_376 : i32 to index
        %parallel_loop3A_428 = arith.constant 0 : index
        %parallel_loop3A_429 = tpu.vector_load %arg12[%parallel_loop3A_426, %parallel_loop3A_427, %parallel_loop3A_428] {strides = array<i32>} : memref<2x40x128xf32, #tpu.memory_space<vmem>>, vector<16xf32>,
        %parallel_loop3A_430 = arith.addf %parallel_loop3A_389, %parallel_loop3A_429 : vector<16xf32>
        %parallel_loop3A_431 = arith.constant 2.000000e-01 : f32
        %parallel_loop3A_432 = vector.broadcast %parallel_loop3A_431 : f32 to vector<16xf32>
        %parallel_loop3A_433 = arith.mulf %parallel_loop3A_432, %parallel_loop3A_430 : vector<16xf32>
        %parallel_loop3A_434 = arith.maximumf %parallel_loop3A_430, %parallel_loop3A_433 : vector<16xf32>
        %parallel_loop3A_435 = arith.mulf %parallel_loop3A_434, %parallel_loop3A_377 : vector<16xf32>
        %parallel_loop3A_436 = arith.constant 1 : i32
        %parallel_loop3A_437 = arith.index_cast %parallel_loop3A_436 : i32 to index
        %parallel_loop3A_438 = arith.index_cast %parallel_loop3A_376 : i32 to index
        %parallel_loop3A_439 = arith.constant 16 : index
        %parallel_loop3A_440 = tpu.vector_load %arg12[%parallel_loop3A_437, %parallel_loop3A_438, %parallel_loop3A_439] {strides = array<i32>} : memref<2x40x128xf32, #tpu.memory_space<vmem>>, vector<16xf32>,
        %parallel_loop3A_441 = arith.addf %parallel_loop3A_394, %parallel_loop3A_440 : vector<16xf32>
        %parallel_loop3A_442 = arith.constant 2.000000e-01 : f32
        %parallel_loop3A_443 = vector.broadcast %parallel_loop3A_442 : f32 to vector<16xf32>
        %parallel_loop3A_444 = arith.mulf %parallel_loop3A_443, %parallel_loop3A_441 : vector<16xf32>
        %parallel_loop3A_445 = arith.maximumf %parallel_loop3A_441, %parallel_loop3A_444 : vector<16xf32>
        %parallel_loop3A_446 = arith.mulf %parallel_loop3A_445, %parallel_loop3A_378 : vector<16xf32>
        %parallel_loop3A_447 = arith.addf %parallel_loop3A_435, %parallel_loop3A_446 : vector<16xf32>
        %parallel_loop3A_448 = arith.constant 1 : i32
        %parallel_loop3A_449 = arith.index_cast %parallel_loop3A_448 : i32 to index
        %parallel_loop3A_450 = arith.index_cast %parallel_loop3A_376 : i32 to index
        %parallel_loop3A_451 = arith.constant 32 : index
        %parallel_loop3A_452 = tpu.vector_load %arg12[%parallel_loop3A_449, %parallel_loop3A_450, %parallel_loop3A_451] {strides = array<i32>} : memref<2x40x128xf32, #tpu.memory_space<vmem>>, vector<16xf32>,
        %parallel_loop3A_453 = arith.addf %parallel_loop3A_399, %parallel_loop3A_452 : vector<16xf32>
        %parallel_loop3A_454 = arith.constant 2.000000e-01 : f32
        %parallel_loop3A_455 = vector.broadcast %parallel_loop3A_454 : f32 to vector<16xf32>
        %parallel_loop3A_456 = arith.mulf %parallel_loop3A_455, %parallel_loop3A_453 : vector<16xf32>
        %parallel_loop3A_457 = arith.maximumf %parallel_loop3A_453, %parallel_loop3A_456 : vector<16xf32>
        %parallel_loop3A_458 = arith.mulf %parallel_loop3A_457, %parallel_loop3A_379 : vector<16xf32>
        %parallel_loop3A_459 = arith.addf %parallel_loop3A_447, %parallel_loop3A_458 : vector<16xf32>
        %parallel_loop3A_460 = arith.constant 1 : i32
        %parallel_loop3A_461 = arith.index_cast %parallel_loop3A_460 : i32 to index
        %parallel_loop3A_462 = arith.index_cast %parallel_loop3A_376 : i32 to index
        %parallel_loop3A_463 = arith.constant 48 : index
        %parallel_loop3A_464 = tpu.vector_load %arg12[%parallel_loop3A_461, %parallel_loop3A_462, %parallel_loop3A_463] {strides = array<i32>} : memref<2x40x128xf32, #tpu.memory_space<vmem>>, vector<16xf32>,
        %parallel_loop3A_465 = arith.addf %parallel_loop3A_404, %parallel_loop3A_464 : vector<16xf32>
        %parallel_loop3A_466 = arith.constant 2.000000e-01 : f32
        %parallel_loop3A_467 = vector.broadcast %parallel_loop3A_466 : f32 to vector<16xf32>
        %parallel_loop3A_468 = arith.mulf %parallel_loop3A_467, %parallel_loop3A_465 : vector<16xf32>
        %parallel_loop3A_469 = arith.maximumf %parallel_loop3A_465, %parallel_loop3A_468 : vector<16xf32>
        %parallel_loop3A_470 = arith.mulf %parallel_loop3A_469, %parallel_loop3A_380 : vector<16xf32>
        %parallel_loop3A_471 = arith.addf %parallel_loop3A_459, %parallel_loop3A_470 : vector<16xf32>
        %parallel_loop3A_472 = arith.constant 1 : i32
        %parallel_loop3A_473 = arith.index_cast %parallel_loop3A_472 : i32 to index
        %parallel_loop3A_474 = arith.index_cast %parallel_loop3A_376 : i32 to index
        %parallel_loop3A_475 = arith.constant 64 : index
        %parallel_loop3A_476 = tpu.vector_load %arg12[%parallel_loop3A_473, %parallel_loop3A_474, %parallel_loop3A_475] {strides = array<i32>} : memref<2x40x128xf32, #tpu.memory_space<vmem>>, vector<16xf32>,
        %parallel_loop3A_477 = arith.addf %parallel_loop3A_409, %parallel_loop3A_476 : vector<16xf32>
        %parallel_loop3A_478 = arith.constant 2.000000e-01 : f32
        %parallel_loop3A_479 = vector.broadcast %parallel_loop3A_478 : f32 to vector<16xf32>
        %parallel_loop3A_480 = arith.mulf %parallel_loop3A_479, %parallel_loop3A_477 : vector<16xf32>
        %parallel_loop3A_481 = arith.maximumf %parallel_loop3A_477, %parallel_loop3A_480 : vector<16xf32>
        %parallel_loop3A_482 = arith.mulf %parallel_loop3A_481, %parallel_loop3A_381 : vector<16xf32>
        %parallel_loop3A_483 = arith.addf %parallel_loop3A_471, %parallel_loop3A_482 : vector<16xf32>
        %parallel_loop3A_484 = arith.constant 1 : i32
        %parallel_loop3A_485 = arith.index_cast %parallel_loop3A_484 : i32 to index
        %parallel_loop3A_486 = arith.index_cast %parallel_loop3A_376 : i32 to index
        %parallel_loop3A_487 = arith.constant 80 : index
        %parallel_loop3A_488 = tpu.vector_load %arg12[%parallel_loop3A_485, %parallel_loop3A_486, %parallel_loop3A_487] {strides = array<i32>} : memref<2x40x128xf32, #tpu.memory_space<vmem>>, vector<16xf32>,
        %parallel_loop3A_489 = arith.addf %parallel_loop3A_414, %parallel_loop3A_488 : vector<16xf32>
        %parallel_loop3A_490 = arith.constant 2.000000e-01 : f32
        %parallel_loop3A_491 = vector.broadcast %parallel_loop3A_490 : f32 to vector<16xf32>
        %parallel_loop3A_492 = arith.mulf %parallel_loop3A_491, %parallel_loop3A_489 : vector<16xf32>
        %parallel_loop3A_493 = arith.maximumf %parallel_loop3A_489, %parallel_loop3A_492 : vector<16xf32>
        %parallel_loop3A_494 = arith.mulf %parallel_loop3A_493, %parallel_loop3A_382 : vector<16xf32>
        %parallel_loop3A_495 = arith.addf %parallel_loop3A_483, %parallel_loop3A_494 : vector<16xf32>
        %parallel_loop3A_496 = arith.constant 1 : i32
        %parallel_loop3A_497 = arith.index_cast %parallel_loop3A_496 : i32 to index
        %parallel_loop3A_498 = arith.index_cast %parallel_loop3A_376 : i32 to index
        %parallel_loop3A_499 = arith.constant 96 : index
        %parallel_loop3A_500 = tpu.vector_load %arg12[%parallel_loop3A_497, %parallel_loop3A_498, %parallel_loop3A_499] {strides = array<i32>} : memref<2x40x128xf32, #tpu.memory_space<vmem>>, vector<16xf32>,
        %parallel_loop3A_501 = arith.addf %parallel_loop3A_419, %parallel_loop3A_500 : vector<16xf32>
        %parallel_loop3A_502 = arith.constant 2.000000e-01 : f32
        %parallel_loop3A_503 = vector.broadcast %parallel_loop3A_502 : f32 to vector<16xf32>
        %parallel_loop3A_504 = arith.mulf %parallel_loop3A_503, %parallel_loop3A_501 : vector<16xf32>
        %parallel_loop3A_505 = arith.maximumf %parallel_loop3A_501, %parallel_loop3A_504 : vector<16xf32>
        %parallel_loop3A_506 = arith.mulf %parallel_loop3A_505, %parallel_loop3A_383 : vector<16xf32>
        %parallel_loop3A_507 = arith.addf %parallel_loop3A_495, %parallel_loop3A_506 : vector<16xf32>
        %parallel_loop3A_508 = arith.constant 1 : i32
        %parallel_loop3A_509 = arith.index_cast %parallel_loop3A_508 : i32 to index
        %parallel_loop3A_510 = arith.index_cast %parallel_loop3A_376 : i32 to index
        %parallel_loop3A_511 = arith.constant 112 : index
        %parallel_loop3A_512 = tpu.vector_load %arg12[%parallel_loop3A_509, %parallel_loop3A_510, %parallel_loop3A_511] {strides = array<i32>} : memref<2x40x128xf32, #tpu.memory_space<vmem>>, vector<16xf32>,
        %parallel_loop3A_513 = arith.addf %parallel_loop3A_424, %parallel_loop3A_512 : vector<16xf32>
        %parallel_loop3A_514 = arith.constant 2.000000e-01 : f32
        %parallel_loop3A_515 = vector.broadcast %parallel_loop3A_514 : f32 to vector<16xf32>
        %parallel_loop3A_516 = arith.mulf %parallel_loop3A_515, %parallel_loop3A_513 : vector<16xf32>
        %parallel_loop3A_517 = arith.maximumf %parallel_loop3A_513, %parallel_loop3A_516 : vector<16xf32>
        %parallel_loop3A_518 = arith.mulf %parallel_loop3A_517, %parallel_loop3A_384 : vector<16xf32>
        %parallel_loop3A_519 = arith.addf %parallel_loop3A_507, %parallel_loop3A_518 : vector<16xf32>
        %parallel_loop3A_520 = arith.constant true
        %parallel_loop3A_521 = vector.broadcast %parallel_loop3A_520 : i1 to vector<16xi1>
        %parallel_loop3A_522 = tpu.scan <sum>, %parallel_loop3A_519 masked %parallel_loop3A_521 : vector<16xf32>, vector<16xi1> -> vector<16xf32>
        %parallel_loop3A_523 = vector.extract %parallel_loop3A_522[15] : f32 from vector<16xf32>
        %parallel_loop3A_524 = vector.broadcast %parallel_loop3A_523 : f32 to vector<16xf32>
        %parallel_loop3A_525 = math.exp %parallel_loop3A_524 : vector<16xf32>
        %parallel_loop3A_526 = arith.mulf %parallel_loop3A_389, %parallel_loop3A_525 : vector<16xf32>
        %parallel_loop3A_527 = arith.constant 1 : i32
        %parallel_loop3A_528 = arith.index_cast %parallel_loop3A_527 : i32 to index
        %parallel_loop3A_529 = arith.index_cast %parallel_loop3A_376 : i32 to index
        %parallel_loop3A_530 = arith.constant 0 : index
        %parallel_loop3A_531 = tpu.vector_load %arg13[%parallel_loop3A_528, %parallel_loop3A_529, %parallel_loop3A_530] {strides = array<i32>} : memref<2x40x144xf32, #tpu.memory_space<vmem>>, vector<16xf32>,
        tpu.vector_store %arg13[%parallel_loop3A_528, %parallel_loop3A_529, %parallel_loop3A_530], %parallel_loop3A_526 {strides = array<i32>} : memref<2x40x144xf32, #tpu.memory_space<vmem>>, vector<16xf32>,
        %parallel_loop3A_532 = arith.mulf %parallel_loop3A_394, %parallel_loop3A_525 : vector<16xf32>
        %parallel_loop3A_533 = arith.constant 1 : i32
        %parallel_loop3A_534 = arith.index_cast %parallel_loop3A_533 : i32 to index
        %parallel_loop3A_535 = arith.index_cast %parallel_loop3A_376 : i32 to index
        %parallel_loop3A_536 = arith.constant 16 : index
        %parallel_loop3A_537 = tpu.vector_load %arg13[%parallel_loop3A_534, %parallel_loop3A_535, %parallel_loop3A_536] {strides = array<i32>} : memref<2x40x144xf32, #tpu.memory_space<vmem>>, vector<16xf32>,
        tpu.vector_store %arg13[%parallel_loop3A_534, %parallel_loop3A_535, %parallel_loop3A_536], %parallel_loop3A_532 {strides = array<i32>} : memref<2x40x144xf32, #tpu.memory_space<vmem>>, vector<16xf32>,
        %parallel_loop3A_538 = arith.mulf %parallel_loop3A_399, %parallel_loop3A_525 : vector<16xf32>
        %parallel_loop3A_539 = arith.constant 1 : i32
        %parallel_loop3A_540 = arith.index_cast %parallel_loop3A_539 : i32 to index
        %parallel_loop3A_541 = arith.index_cast %parallel_loop3A_376 : i32 to index
        %parallel_loop3A_542 = arith.constant 32 : index
        %parallel_loop3A_543 = tpu.vector_load %arg13[%parallel_loop3A_540, %parallel_loop3A_541, %parallel_loop3A_542] {strides = array<i32>} : memref<2x40x144xf32, #tpu.memory_space<vmem>>, vector<16xf32>,
        tpu.vector_store %arg13[%parallel_loop3A_540, %parallel_loop3A_541, %parallel_loop3A_542], %parallel_loop3A_538 {strides = array<i32>} : memref<2x40x144xf32, #tpu.memory_space<vmem>>, vector<16xf32>,
        %parallel_loop3A_544 = arith.mulf %parallel_loop3A_404, %parallel_loop3A_525 : vector<16xf32>
        %parallel_loop3A_545 = arith.constant 1 : i32
        %parallel_loop3A_546 = arith.index_cast %parallel_loop3A_545 : i32 to index
        %parallel_loop3A_547 = arith.index_cast %parallel_loop3A_376 : i32 to index
        %parallel_loop3A_548 = arith.constant 48 : index
        %parallel_loop3A_549 = tpu.vector_load %arg13[%parallel_loop3A_546, %parallel_loop3A_547, %parallel_loop3A_548] {strides = array<i32>} : memref<2x40x144xf32, #tpu.memory_space<vmem>>, vector<16xf32>,
        tpu.vector_store %arg13[%parallel_loop3A_546, %parallel_loop3A_547, %parallel_loop3A_548], %parallel_loop3A_544 {strides = array<i32>} : memref<2x40x144xf32, #tpu.memory_space<vmem>>, vector<16xf32>,
        %parallel_loop3A_550 = arith.mulf %parallel_loop3A_409, %parallel_loop3A_525 : vector<16xf32>
        %parallel_loop3A_551 = arith.constant 1 : i32
        %parallel_loop3A_552 = arith.index_cast %parallel_loop3A_551 : i32 to index
        %parallel_loop3A_553 = arith.index_cast %parallel_loop3A_376 : i32 to index
        %parallel_loop3A_554 = arith.constant 64 : index
        %parallel_loop3A_555 = tpu.vector_load %arg13[%parallel_loop3A_552, %parallel_loop3A_553, %parallel_loop3A_554] {strides = array<i32>} : memref<2x40x144xf32, #tpu.memory_space<vmem>>, vector<16xf32>,
        tpu.vector_store %arg13[%parallel_loop3A_552, %parallel_loop3A_553, %parallel_loop3A_554], %parallel_loop3A_550 {strides = array<i32>} : memref<2x40x144xf32, #tpu.memory_space<vmem>>, vector<16xf32>,
        %parallel_loop3A_556 = arith.mulf %parallel_loop3A_414, %parallel_loop3A_525 : vector<16xf32>
        %parallel_loop3A_557 = arith.constant 1 : i32
        %parallel_loop3A_558 = arith.index_cast %parallel_loop3A_557 : i32 to index
        %parallel_loop3A_559 = arith.index_cast %parallel_loop3A_376 : i32 to index
        %parallel_loop3A_560 = arith.constant 80 : index
        %parallel_loop3A_561 = tpu.vector_load %arg13[%parallel_loop3A_558, %parallel_loop3A_559, %parallel_loop3A_560] {strides = array<i32>} : memref<2x40x144xf32, #tpu.memory_space<vmem>>, vector<16xf32>,
        tpu.vector_store %arg13[%parallel_loop3A_558, %parallel_loop3A_559, %parallel_loop3A_560], %parallel_loop3A_556 {strides = array<i32>} : memref<2x40x144xf32, #tpu.memory_space<vmem>>, vector<16xf32>,
        %parallel_loop3A_562 = arith.mulf %parallel_loop3A_419, %parallel_loop3A_525 : vector<16xf32>
        %parallel_loop3A_563 = arith.constant 1 : i32
        %parallel_loop3A_564 = arith.index_cast %parallel_loop3A_563 : i32 to index
        %parallel_loop3A_565 = arith.index_cast %parallel_loop3A_376 : i32 to index
        %parallel_loop3A_566 = arith.constant 96 : index
        %parallel_loop3A_567 = tpu.vector_load %arg13[%parallel_loop3A_564, %parallel_loop3A_565, %parallel_loop3A_566] {strides = array<i32>} : memref<2x40x144xf32, #tpu.memory_space<vmem>>, vector<16xf32>,
        tpu.vector_store %arg13[%parallel_loop3A_564, %parallel_loop3A_565, %parallel_loop3A_566], %parallel_loop3A_562 {strides = array<i32>} : memref<2x40x144xf32, #tpu.memory_space<vmem>>, vector<16xf32>,
        %parallel_loop3A_568 = arith.mulf %parallel_loop3A_424, %parallel_loop3A_525 : vector<16xf32>
        %parallel_loop3A_569 = arith.constant 1 : i32
        %parallel_loop3A_570 = arith.index_cast %parallel_loop3A_569 : i32 to index
        %parallel_loop3A_571 = arith.index_cast %parallel_loop3A_376 : i32 to index
        %parallel_loop3A_572 = arith.constant 112 : index
        %parallel_loop3A_573 = tpu.vector_load %arg13[%parallel_loop3A_570, %parallel_loop3A_571, %parallel_loop3A_572] {strides = array<i32>} : memref<2x40x144xf32, #tpu.memory_space<vmem>>, vector<16xf32>,
        tpu.vector_store %arg13[%parallel_loop3A_570, %parallel_loop3A_571, %parallel_loop3A_572], %parallel_loop3A_568 {strides = array<i32>} : memref<2x40x144xf32, #tpu.memory_space<vmem>>, vector<16xf32>,
        %parallel_loop3A_574 = arith.constant 1 : i32
        %parallel_loop3A_575 = arith.index_cast %parallel_loop3A_574 : i32 to index
        %parallel_loop3A_576 = arith.index_cast %parallel_loop3A_376 : i32 to index
        %parallel_loop3A_577 = arith.constant 128 : index
        %parallel_loop3A_578 = tpu.vector_load %arg13[%parallel_loop3A_575, %parallel_loop3A_576, %parallel_loop3A_577] {strides = array<i32>} : memref<2x40x144xf32, #tpu.memory_space<vmem>>, vector<16xf32>,
        tpu.vector_store %arg13[%parallel_loop3A_575, %parallel_loop3A_576, %parallel_loop3A_577], %parallel_loop3A_525 {strides = array<i32>} : memref<2x40x144xf32, #tpu.memory_space<vmem>>, vector<16xf32>,
        scf.yield %parallel_loop3A_377, %parallel_loop3A_378, %parallel_loop3A_379, %parallel_loop3A_380, %parallel_loop3A_381, %parallel_loop3A_382, %parallel_loop3A_383, %parallel_loop3A_384 : vector<16xf32>, vector<16xf32>, vector<16xf32>, vector<16xf32>, vector<16xf32>, vector<16xf32>, vector<16xf32>, vector<16xf32>
      } {sc.loop_unroll_factor = 4 : i64, sc.parallel_access}
      %run_scoped3A_349 = arith.constant 1 : i32
      %run_scoped3A_350 = arith.constant 1 : i32
      "tpu.region"() ({
        %run_scoped3A_376 = tpu.sem_alloc : memref<!tpu.dma_semaphore, #tpu.memory_space<semaphore_mem>>
        %dma_start3A_377 = arith.constant 0 : i32
        %dma_start3A_378 = arith.constant 0 : i32
        %dma_start3A_379 = tpu.memref_slice %arg13[%run_scoped3A_349, %dma_start3A_377, %dma_start3A_378] : memref<2x40x144xf32, #tpu.memory_space<vmem>> -> memref<1x40x144xf32, #tpu.memory_space<vmem>>
        %dma_start3A_380 = tpu.memref_squeeze %dma_start3A_379 : memref<1x40x144xf32, #tpu.memory_space<vmem>> -> memref<40x144xf32, #tpu.memory_space<vmem>>
        %dma_start3A_381 = arith.constant 0 : i32
        %dma_start3A_382 = tpu.memref_slice %arg10[%run_scoped3A_350, %dma_start3A_381] : memref<2x40xi32, #tpu.memory_space<vmem>> -> memref<1x40xi32, #tpu.memory_space<vmem>>
        %dma_start3A_383 = tpu.memref_squeeze %dma_start3A_382 : memref<1x40xi32, #tpu.memory_space<vmem>> -> memref<40xi32, #tpu.memory_space<vmem>>
        %dma_start3A_384 = arith.constant 0 : i32
        %dma_start3A_385 = arith.constant 0 : i32
        %dma_start3A_386 = tpu.memref_slice %arg15[%dma_start3A_384, %dma_start3A_385] : memref<10000x144xf32, #tpu.memory_space<vmem_shared>> -> memref<10000x144xf32, #tpu.memory_space<vmem_shared>>
        tpu.enqueue_indirect_dma source(%dma_start3A_380 : memref<40x144xf32, #tpu.memory_space<vmem>>) target(%dma_start3A_386 : memref<10000x144xf32, #tpu.memory_space<vmem_shared>>) offsets(%dma_start3A_383 : memref<40xi32, #tpu.memory_space<vmem>>) semaphore(%run_scoped3A_376 : memref<!tpu.dma_semaphore, #tpu.memory_space<semaphore_mem>>) {add = true}
        %dma_wait3A_387 = arith.constant 0 : i32
        %dma_wait3A_388 = arith.constant 0 : i32
        %dma_wait3A_389 = tpu.memref_slice %arg13[%run_scoped3A_349, %dma_wait3A_387, %dma_wait3A_388] : memref<2x40x144xf32, #tpu.memory_space<vmem>> -> memref<1x40x144xf32, #tpu.memory_space<vmem>>
        %dma_wait3A_390 = tpu.memref_squeeze %dma_wait3A_389 : memref<1x40x144xf32, #tpu.memory_space<vmem>> -> memref<40x144xf32, #tpu.memory_space<vmem>>
        %dma_wait3A_391 = arith.constant 0 : i32
        %dma_wait3A_392 = tpu.memref_slice %arg10[%run_scoped3A_350, %dma_wait3A_391] : memref<2x40xi32, #tpu.memory_space<vmem>> -> memref<1x40xi32, #tpu.memory_space<vmem>>
        %dma_wait3A_393 = tpu.memref_squeeze %dma_wait3A_392 : memref<1x40xi32, #tpu.memory_space<vmem>> -> memref<40xi32, #tpu.memory_space<vmem>>
        %dma_wait3A_394 = arith.constant 0 : i32
        %dma_wait3A_395 = arith.constant 0 : i32
        %dma_wait3A_396 = tpu.memref_slice %arg15[%dma_wait3A_394, %dma_wait3A_395] : memref<10000x144xf32, #tpu.memory_space<vmem_shared>> -> memref<10000x144xf32, #tpu.memory_space<vmem_shared>>
        tpu.wait_indirect_dma semaphore(%run_scoped3A_376 : memref<!tpu.dma_semaphore, #tpu.memory_space<semaphore_mem>>) src(%dma_wait3A_390 : memref<40x144xf32, #tpu.memory_space<vmem>>) dst(%dma_wait3A_396 : memref<10000x144xf32, #tpu.memory_space<vmem_shared>>)
        tpu.yield
      }) : () -> ()
      %add3A_351 = arith.constant 2 : i32
      %add3A_352 = arith.addi %add3A_274, %add3A_351 : i32
      %min3A_353 = arith.constant 249 : i32
      %min3A_354 = arith.minsi %add3A_352, %min3A_353 : i32
      %mul3A_355 = arith.constant 40 : i32
      %mul3A_356 = arith.muli %min3A_354, %mul3A_355 : i32
      %add3A_357 = arith.addi %mul3A_6, %mul3A_356 : i32
      %dma_start3A_358 = arith.constant 1 : i32
      %dma_start3A_359 = arith.constant 0 : i32
      %dma_start3A_360 = tpu.memref_slice %arg9[%dma_start3A_358, %dma_start3A_359] : memref<2x40xi32, #tpu.memory_space<vmem>> -> memref<1x40xi32, #tpu.memory_space<vmem>>
      %dma_start3A_361 = tpu.memref_squeeze %dma_start3A_360 : memref<1x40xi32, #tpu.memory_space<vmem>> -> memref<40xi32, #tpu.memory_space<vmem>>
      %dma_start3A_362 = tpu.memref_slice %arg4[%add3A_357] : memref<320000xi32, #tpu.memory_space<hbm>> -> memref<40xi32, #tpu.memory_space<hbm>>
      %dma_start3A_363 = arith.constant 0 : i32
      %dma_start3A_364 = tpu.memref_slice %arg9[%dma_start3A_358, %dma_start3A_363] : memref<2x40xi32, #tpu.memory_space<vmem>> -> memref<1x40xi32, #tpu.memory_space<vmem>>
      %dma_start3A_365 = tpu.memref_squeeze %dma_start3A_364 : memref<1x40xi32, #tpu.memory_space<vmem>> -> memref<40xi32, #tpu.memory_space<vmem>>
      %dma_start3A_366 = tpu.memref_slice %arg4[%add3A_357] : memref<320000xi32, #tpu.memory_space<hbm>> -> memref<40xi32, #tpu.memory_space<hbm>>
      tpu.enqueue_dma source(%dma_start3A_366 : memref<40xi32, #tpu.memory_space<hbm>>) target(%dma_start3A_365 : memref<40xi32, #tpu.memory_space<vmem>>) target_semaphore(%arg19 : memref<!tpu.dma_semaphore, #tpu.memory_space<semaphore_mem>>)
      %dma_start3A_367 = arith.constant 1 : i32
      %dma_start3A_368 = arith.constant 0 : i32
      %dma_start3A_369 = tpu.memref_slice %arg10[%dma_start3A_367, %dma_start3A_368] : memref<2x40xi32, #tpu.memory_space<vmem>> -> memref<1x40xi32, #tpu.memory_space<vmem>>
      %dma_start3A_370 = tpu.memref_squeeze %dma_start3A_369 : memref<1x40xi32, #tpu.memory_space<vmem>> -> memref<40xi32, #tpu.memory_space<vmem>>
      %dma_start3A_371 = tpu.memref_slice %arg5[%add3A_357] : memref<320000xi32, #tpu.memory_space<hbm>> -> memref<40xi32, #tpu.memory_space<hbm>>
      %dma_start3A_372 = arith.constant 0 : i32
      %dma_start3A_373 = tpu.memref_slice %arg10[%dma_start3A_367, %dma_start3A_372] : memref<2x40xi32, #tpu.memory_space<vmem>> -> memref<1x40xi32, #tpu.memory_space<vmem>>
      %dma_start3A_374 = tpu.memref_squeeze %dma_start3A_373 : memref<1x40xi32, #tpu.memory_space<vmem>> -> memref<40xi32, #tpu.memory_space<vmem>>
      %dma_start3A_375 = tpu.memref_slice %arg5[%add3A_357] : memref<320000xi32, #tpu.memory_space<hbm>> -> memref<40xi32, #tpu.memory_space<hbm>>
      tpu.enqueue_dma source(%dma_start3A_375 : memref<40xi32, #tpu.memory_space<hbm>>) target(%dma_start3A_374 : memref<40xi32, #tpu.memory_space<vmem>>) target_semaphore(%arg19 : memref<!tpu.dma_semaphore, #tpu.memory_space<semaphore_mem>>)
      scf.yield %parallel_loop3A_348#0, %parallel_loop3A_348#1, %parallel_loop3A_348#2, %parallel_loop3A_348#3, %parallel_loop3A_348#4, %parallel_loop3A_348#5, %parallel_loop3A_348#6, %parallel_loop3A_348#7 : vector<16xf32>, vector<16xf32>, vector<16xf32>, vector<16xf32>, vector<16xf32>, vector<16xf32>, vector<16xf32>, vector<16xf32>
    }
    %scan3A_110 = arith.constant 125 : i32
    %dma_wait3A_111 = arith.constant 1 : i32
    %dma_wait3A_112 = arith.constant 0 : i32
    %dma_wait3A_113 = tpu.memref_slice %arg9[%dma_wait3A_111, %dma_wait3A_112] : memref<2x40xi32, #tpu.memory_space<vmem>> -> memref<1x40xi32, #tpu.memory_space<vmem>>
    %dma_wait3A_114 = tpu.memref_squeeze %dma_wait3A_113 : memref<1x40xi32, #tpu.memory_space<vmem>> -> memref<40xi32, #tpu.memory_space<vmem>>
    %dma_wait3A_115 = arith.constant 0 : i32
    %dma_wait3A_116 = tpu.memref_slice %arg4[%dma_wait3A_115] : memref<320000xi32, #tpu.memory_space<hbm>> -> memref<40xi32, #tpu.memory_space<hbm>>
    %dma_wait3A_117 = arith.constant 0 : i32
    %dma_wait3A_118 = tpu.memref_slice %arg9[%dma_wait3A_111, %dma_wait3A_117] : memref<2x40xi32, #tpu.memory_space<vmem>> -> memref<1x40xi32, #tpu.memory_space<vmem>>
    %dma_wait3A_119 = tpu.memref_squeeze %dma_wait3A_118 : memref<1x40xi32, #tpu.memory_space<vmem>> -> memref<40xi32, #tpu.memory_space<vmem>>
    %dma_wait3A_120 = arith.constant 0 : i32
    %dma_wait3A_121 = tpu.memref_slice %arg4[%dma_wait3A_120] : memref<320000xi32, #tpu.memory_space<hbm>> -> memref<40xi32, #tpu.memory_space<hbm>>
    tpu.wait_dma2 semaphore(%arg19 : memref<!tpu.dma_semaphore, #tpu.memory_space<semaphore_mem>>) src(%dma_wait3A_121 : memref<40xi32, #tpu.memory_space<hbm>>) dst(%dma_wait3A_119 : memref<40xi32, #tpu.memory_space<vmem>>)
    %dma_wait3A_122 = arith.constant 1 : i32
    %dma_wait3A_123 = arith.constant 0 : i32
    %dma_wait3A_124 = tpu.memref_slice %arg10[%dma_wait3A_122, %dma_wait3A_123] : memref<2x40xi32, #tpu.memory_space<vmem>> -> memref<1x40xi32, #tpu.memory_space<vmem>>
    %dma_wait3A_125 = tpu.memref_squeeze %dma_wait3A_124 : memref<1x40xi32, #tpu.memory_space<vmem>> -> memref<40xi32, #tpu.memory_space<vmem>>
    %dma_wait3A_126 = arith.constant 0 : i32
    %dma_wait3A_127 = tpu.memref_slice %arg5[%dma_wait3A_126] : memref<320000xi32, #tpu.memory_space<hbm>> -> memref<40xi32, #tpu.memory_space<hbm>>
    %dma_wait3A_128 = arith.constant 0 : i32
    %dma_wait3A_129 = tpu.memref_slice %arg10[%dma_wait3A_122, %dma_wait3A_128] : memref<2x40xi32, #tpu.memory_space<vmem>> -> memref<1x40xi32, #tpu.memory_space<vmem>>
    %dma_wait3A_130 = tpu.memref_squeeze %dma_wait3A_129 : memref<1x40xi32, #tpu.memory_space<vmem>> -> memref<40xi32, #tpu.memory_space<vmem>>
    %dma_wait3A_131 = arith.constant 0 : i32
    %dma_wait3A_132 = tpu.memref_slice %arg5[%dma_wait3A_131] : memref<320000xi32, #tpu.memory_space<hbm>> -> memref<40xi32, #tpu.memory_space<hbm>>
    tpu.wait_dma2 semaphore(%arg19 : memref<!tpu.dma_semaphore, #tpu.memory_space<semaphore_mem>>) src(%dma_wait3A_132 : memref<40xi32, #tpu.memory_space<hbm>>) dst(%dma_wait3A_130 : memref<40xi32, #tpu.memory_space<vmem>>)
    %dma_wait3A_133 = arith.constant 0 : i32
    %dma_wait3A_134 = arith.constant 0 : i32
    %dma_wait3A_135 = arith.constant 0 : i32
    %dma_wait3A_136 = arith.constant 0 : i32
    %dma_wait3A_137 = tpu.memref_slice %arg11[%dma_wait3A_134, %dma_wait3A_135, %dma_wait3A_136] : memref<2x40x128xf32, #tpu.memory_space<vmem>> -> memref<1x40x128xf32, #tpu.memory_space<vmem>>
    %dma_wait3A_138 = tpu.memref_squeeze %dma_wait3A_137 : memref<1x40x128xf32, #tpu.memory_space<vmem>> -> memref<40x128xf32, #tpu.memory_space<vmem>>
    %dma_wait3A_139 = arith.constant 0 : i32
    %dma_wait3A_140 = tpu.memref_slice %arg9[%dma_wait3A_133, %dma_wait3A_139] : memref<2x40xi32, #tpu.memory_space<vmem>> -> memref<1x40xi32, #tpu.memory_space<vmem>>
    %dma_wait3A_141 = tpu.memref_squeeze %dma_wait3A_140 : memref<1x40xi32, #tpu.memory_space<vmem>> -> memref<40xi32, #tpu.memory_space<vmem>>
    %dma_wait3A_142 = arith.constant 0 : i32
    %dma_wait3A_143 = arith.constant 0 : i32
    %dma_wait3A_144 = tpu.memref_slice %arg2[%dma_wait3A_142, %dma_wait3A_143] : memref<10000x128xf32, #tpu.memory_space<hbm>> -> memref<10000x128xf32, #tpu.memory_space<hbm>>
    tpu.wait_indirect_dma semaphore(%arg16 : memref<!tpu.dma_semaphore, #tpu.memory_space<semaphore_mem>>) src(%dma_wait3A_144 : memref<10000x128xf32, #tpu.memory_space<hbm>>) dst(%dma_wait3A_138 : memref<40x128xf32, #tpu.memory_space<vmem>>)
    %dma_wait3A_145 = arith.constant 0 : i32
    %dma_wait3A_146 = arith.constant 0 : i32
    %dma_wait3A_147 = arith.constant 0 : i32
    %dma_wait3A_148 = arith.constant 0 : i32
    %dma_wait3A_149 = tpu.memref_slice %arg12[%dma_wait3A_146, %dma_wait3A_147, %dma_wait3A_148] : memref<2x40x128xf32, #tpu.memory_space<vmem>> -> memref<1x40x128xf32, #tpu.memory_space<vmem>>
    %dma_wait3A_150 = tpu.memref_squeeze %dma_wait3A_149 : memref<1x40x128xf32, #tpu.memory_space<vmem>> -> memref<40x128xf32, #tpu.memory_space<vmem>>
    %dma_wait3A_151 = arith.constant 0 : i32
    %dma_wait3A_152 = tpu.memref_slice %arg10[%dma_wait3A_145, %dma_wait3A_151] : memref<2x40xi32, #tpu.memory_space<vmem>> -> memref<1x40xi32, #tpu.memory_space<vmem>>
    %dma_wait3A_153 = tpu.memref_squeeze %dma_wait3A_152 : memref<1x40xi32, #tpu.memory_space<vmem>> -> memref<40xi32, #tpu.memory_space<vmem>>
    %dma_wait3A_154 = arith.constant 0 : i32
    %dma_wait3A_155 = arith.constant 0 : i32
    %dma_wait3A_156 = tpu.memref_slice %arg3[%dma_wait3A_154, %dma_wait3A_155] : memref<10000x128xf32, #tpu.memory_space<hbm>> -> memref<10000x128xf32, #tpu.memory_space<hbm>>
    tpu.wait_indirect_dma semaphore(%arg16 : memref<!tpu.dma_semaphore, #tpu.memory_space<semaphore_mem>>) src(%dma_wait3A_156 : memref<10000x128xf32, #tpu.memory_space<hbm>>) dst(%dma_wait3A_150 : memref<40x128xf32, #tpu.memory_space<vmem>>)
    %barrier3A_157 = arith.constant 0 : index
    tpu.barrier barrier_id(%barrier3A_157)
    %mul3A_158 = arith.constant 625 : i32
    %mul3A_159 = arith.muli %arg1, %mul3A_158 : i32
    %mul3A_160 = arith.constant 625 : i32
    %mul3A_161 = arith.muli %arg1, %mul3A_160 : i32
    "tpu.region"() ({
      %run_scoped3A = tpu.sem_alloc : memref<!tpu.dma_semaphore, #tpu.memory_space<semaphore_mem>>
      %dma_start3A_162 = arith.constant 0 : i32
      %dma_start3A_163 = tpu.memref_slice %arg8[%arg0, %mul3A_161, %dma_start3A_162] : memref<2x10000x144xf32, #tpu.memory_space<hbm>> -> memref<1x625x144xf32, #tpu.memory_space<hbm>>
      %dma_start3A_164 = tpu.memref_squeeze %dma_start3A_163 : memref<1x625x144xf32, #tpu.memory_space<hbm>> -> memref<625x144xf32, #tpu.memory_space<hbm>>
      %dma_start3A_165 = arith.constant 0 : i32
      %dma_start3A_166 = tpu.memref_slice %arg15[%mul3A_159, %dma_start3A_165] : memref<10000x144xf32, #tpu.memory_space<vmem_shared>> -> memref<625x144xf32, #tpu.memory_space<vmem_shared>>
      tpu.enqueue_dma source(%dma_start3A_166 : memref<625x144xf32, #tpu.memory_space<vmem_shared>>) target(%dma_start3A_164 : memref<625x144xf32, #tpu.memory_space<hbm>>) target_semaphore(%run_scoped3A : memref<!tpu.dma_semaphore, #tpu.memory_space<semaphore_mem>>)
      %dma_wait3A_167 = arith.constant 0 : i32
      %dma_wait3A_168 = tpu.memref_slice %arg8[%arg0, %mul3A_161, %dma_wait3A_167] : memref<2x10000x144xf32, #tpu.memory_space<hbm>> -> memref<1x625x144xf32, #tpu.memory_space<hbm>>
      %dma_wait3A_169 = tpu.memref_squeeze %dma_wait3A_168 : memref<1x625x144xf32, #tpu.memory_space<hbm>> -> memref<625x144xf32, #tpu.memory_space<hbm>>
      %dma_wait3A_170 = arith.constant 0 : i32
      %dma_wait3A_171 = tpu.memref_slice %arg15[%mul3A_159, %dma_wait3A_170] : memref<10000x144xf32, #tpu.memory_space<vmem_shared>> -> memref<625x144xf32, #tpu.memory_space<vmem_shared>>
      tpu.wait_dma2 semaphore(%run_scoped3A : memref<!tpu.dma_semaphore, #tpu.memory_space<semaphore_mem>>) src(%dma_wait3A_171 : memref<625x144xf32, #tpu.memory_space<vmem_shared>>) dst(%dma_wait3A_169 : memref<625x144xf32, #tpu.memory_space<hbm>>)
      tpu.yield
    }) : () -> ()
    return
  }
}

module attributes {stable_mosaic.version = 14 : i64} {
  func.func @_proj_body(%arg0: i32, %arg1: memref<2000x128xf32, #tpu.memory_space<vmem>>, %arg2: memref<128x128xf32, #tpu.memory_space<vmem>>, %arg3: memref<1x128xf32, #tpu.memory_space<vmem>>, %arg4: memref<128x128xf32, #tpu.memory_space<vmem>>, %arg5: memref<1x128xf32, #tpu.memory_space<vmem>>, %arg6: memref<2000x128xf32, #tpu.memory_space<vmem>>, %arg7: memref<2000x128xf32, #tpu.memory_space<vmem>>) attributes {dimension_semantics = [#tpu.dimension_semantics<arbitrary>], iteration_bounds = array<i64: 5>, scalar_prefetch = 0 : i64, scratch_operands = 0 : i64, tpu.core_type = #tpu.core_type<tc>, window_params = [{transform_indices = @transform_0, window_bounds = array<i64: 2000, 128>}, {pipeline_mode = #tpu.pipeline_mode<synchronous>, transform_indices = @transform_1, window_bounds = array<i64: 128, 128>}, {pipeline_mode = #tpu.pipeline_mode<synchronous>, transform_indices = @transform_2, window_bounds = array<i64: 1, 128>}, {pipeline_mode = #tpu.pipeline_mode<synchronous>, transform_indices = @transform_3, window_bounds = array<i64: 128, 128>}, {pipeline_mode = #tpu.pipeline_mode<synchronous>, transform_indices = @transform_4, window_bounds = array<i64: 1, 128>}, {transform_indices = @transform_5, window_bounds = array<i64: 2000, 128>}, {transform_indices = @transform_6, window_bounds = array<i64: 2000, 128>}]} {
    %get3A = arith.constant 0 : index
    %get3A_0 = arith.constant 0 : index
    %get3A_1 = vector.load %arg1[%get3A, %get3A_0] : memref<2000x128xf32, #tpu.memory_space<vmem>>, vector<2000x128xf32>
    %get3A_2 = arith.constant 0 : index
    %get3A_3 = arith.constant 0 : index
    %get3A_4 = vector.load %arg2[%get3A_2, %get3A_3] : memref<128x128xf32, #tpu.memory_space<vmem>>, vector<128x128xf32>
    %dot_general3A = arith.constant dense<0.000000e+00> : vector<2000x128xf32>
    %dot_general3A_5 = tpu.matmul %get3A_1, %get3A_4, %dot_general3A {dimension_numbers = #tpu.dot_dimension_numbers<[1], [0], [0], [1], [0, 0, 1, 1], [], []>, transpose_lhs_hint = false} : vector<2000x128xf32>, vector<128x128xf32>, vector<2000x128xf32> -> vector<2000x128xf32>
    %get3A_6 = arith.constant 0 : index
    %get3A_7 = arith.constant 0 : index
    %get3A_8 = vector.load %arg3[%get3A_6, %get3A_7] : memref<1x128xf32, #tpu.memory_space<vmem>>, vector<1x128xf32>
    %add3A = vector.broadcast %get3A_8 : vector<1x128xf32> to vector<2000x128xf32>
    %add3A_9 = arith.addf %dot_general3A_5, %add3A : vector<2000x128xf32>
    %swap3A = arith.constant 0 : index
    %swap3A_10 = arith.constant 0 : index
    %swap3A_11 = vector.load %arg6[%swap3A, %swap3A_10] : memref<2000x128xf32, #tpu.memory_space<vmem>>, vector<2000x128xf32>
    tpu.vector_store %arg6[%swap3A, %swap3A_10], %add3A_9 {strides = array<i32>} : memref<2000x128xf32, #tpu.memory_space<vmem>>, vector<2000x128xf32>,
    %get3A_12 = arith.constant 0 : index
    %get3A_13 = arith.constant 0 : index
    %get3A_14 = vector.load %arg4[%get3A_12, %get3A_13] : memref<128x128xf32, #tpu.memory_space<vmem>>, vector<128x128xf32>
    %dot_general3A_15 = arith.constant dense<0.000000e+00> : vector<2000x128xf32>
    %dot_general3A_16 = tpu.matmul %get3A_1, %get3A_14, %dot_general3A_15 {dimension_numbers = #tpu.dot_dimension_numbers<[1], [0], [0], [1], [0, 0, 1, 1], [], []>, transpose_lhs_hint = false} : vector<2000x128xf32>, vector<128x128xf32>, vector<2000x128xf32> -> vector<2000x128xf32>
    %get3A_17 = arith.constant 0 : index
    %get3A_18 = arith.constant 0 : index
    %get3A_19 = vector.load %arg5[%get3A_17, %get3A_18] : memref<1x128xf32, #tpu.memory_space<vmem>>, vector<1x128xf32>
    %add3A_20 = vector.broadcast %get3A_19 : vector<1x128xf32> to vector<2000x128xf32>
    %add3A_21 = arith.addf %dot_general3A_16, %add3A_20 : vector<2000x128xf32>
    %swap3A_22 = arith.constant 0 : index
    %swap3A_23 = arith.constant 0 : index
    %swap3A_24 = vector.load %arg7[%swap3A_22, %swap3A_23] : memref<2000x128xf32, #tpu.memory_space<vmem>>, vector<2000x128xf32>
    tpu.vector_store %arg7[%swap3A_22, %swap3A_23], %add3A_21 {strides = array<i32>} : memref<2000x128xf32, #tpu.memory_space<vmem>>, vector<2000x128xf32>,
    return
  }
  func.func @transform_0(%arg0: i32) -> (i32, i32) {
    %c0_i32 = arith.constant 0 : i32
    %c0_i32_0 = arith.constant 0 : i32
    return %arg0, %c0_i32 : i32, i32
  }
  func.func @transform_1(%arg0: i32) -> (i32, i32) {
    %c0_i32 = arith.constant 0 : i32
    %c0_i32_0 = arith.constant 0 : i32
    %c0_i32_1 = arith.constant 0 : i32
    return %c0_i32, %c0_i32_0 : i32, i32
  }
  func.func @transform_2(%arg0: i32) -> (i32, i32) {
    %c0_i32 = arith.constant 0 : i32
    %c0_i32_0 = arith.constant 0 : i32
    %c0_i32_1 = arith.constant 0 : i32
    return %c0_i32, %c0_i32_0 : i32, i32
  }
  func.func @transform_3(%arg0: i32) -> (i32, i32) {
    %c0_i32 = arith.constant 0 : i32
    %c0_i32_0 = arith.constant 0 : i32
    %c0_i32_1 = arith.constant 0 : i32
    return %c0_i32, %c0_i32_0 : i32, i32
  }
  func.func @transform_4(%arg0: i32) -> (i32, i32) {
    %c0_i32 = arith.constant 0 : i32
    %c0_i32_0 = arith.constant 0 : i32
    %c0_i32_1 = arith.constant 0 : i32
    return %c0_i32, %c0_i32_0 : i32, i32
  }
  func.func @transform_5(%arg0: i32) -> (i32, i32) {
    %c0_i32 = arith.constant 0 : i32
    %c0_i32_0 = arith.constant 0 : i32
    return %arg0, %c0_i32 : i32, i32
  }
  func.func @transform_6(%arg0: i32) -> (i32, i32) {
    %c0_i32 = arith.constant 0 : i32
    %c0_i32_0 = arith.constant 0 : i32
    return %arg0, %c0_i32 : i32, i32
  }
}

module attributes {stable_mosaic.version = 14 : i64} {
  func.func @_fin_body(%arg0: i32, %arg1: memref<2x2000x144xf32, #tpu.memory_space<vmem>>, %arg2: memref<2000x128xf32, #tpu.memory_space<vmem>>, %arg3: memref<2000x128xf32, #tpu.memory_space<vmem>>, %arg4: memref<1x128xf32, #tpu.memory_space<vmem>>, %arg5: memref<1x128xf32, #tpu.memory_space<vmem>>, %arg6: memref<1x128xf32, #tpu.memory_space<vmem>>, %arg7: memref<1x128xf32, #tpu.memory_space<vmem>>, %arg8: memref<2000x128xf32, #tpu.memory_space<vmem>>) attributes {dimension_semantics = [#tpu.dimension_semantics<arbitrary>], iteration_bounds = array<i64: 5>, scalar_prefetch = 0 : i64, scratch_operands = 0 : i64, tpu.core_type = #tpu.core_type<tc>, window_params = [{transform_indices = @transform_0, window_bounds = array<i64: 2, 2000, 144>}, {transform_indices = @transform_1, window_bounds = array<i64: 2000, 128>}, {transform_indices = @transform_2, window_bounds = array<i64: 2000, 128>}, {pipeline_mode = #tpu.pipeline_mode<synchronous>, transform_indices = @transform_3, window_bounds = array<i64: 1, 128>}, {pipeline_mode = #tpu.pipeline_mode<synchronous>, transform_indices = @transform_4, window_bounds = array<i64: 1, 128>}, {pipeline_mode = #tpu.pipeline_mode<synchronous>, transform_indices = @transform_5, window_bounds = array<i64: 1, 128>}, {pipeline_mode = #tpu.pipeline_mode<synchronous>, transform_indices = @transform_6, window_bounds = array<i64: 1, 128>}, {transform_indices = @transform_7, window_bounds = array<i64: 2000, 128>}]} {
    %get3A = arith.constant 0 : index
    %get3A_0 = arith.constant 0 : index
    %get3A_1 = arith.constant 0 : index
    %get3A_2 = vector.load %arg1[%get3A, %get3A_0, %get3A_1] : memref<2x2000x144xf32, #tpu.memory_space<vmem>>, vector<1x2000x144xf32>
    %get3A_3 = vector.shape_cast %get3A_2 : vector<1x2000x144xf32> to vector<2000x144xf32>
    %get3A_4 = arith.constant 1 : index
    %get3A_5 = arith.constant 0 : index
    %get3A_6 = arith.constant 0 : index
    %get3A_7 = vector.load %arg1[%get3A_4, %get3A_5, %get3A_6] : memref<2x2000x144xf32, #tpu.memory_space<vmem>>, vector<1x2000x144xf32>
    %get3A_8 = vector.shape_cast %get3A_7 : vector<1x2000x144xf32> to vector<2000x144xf32>
    %add3A = arith.addf %get3A_3, %get3A_8 : vector<2000x144xf32>
    %slice3A = vector.extract_strided_slice %add3A {offsets = [0, 0], sizes = [2000, 128], strides = [1, 1]} : vector<2000x144xf32> to vector<2000x128xf32>
    %slice3A_9 = vector.extract_strided_slice %add3A {offsets = [0, 128], sizes = [2000, 1], strides = [1, 1]} : vector<2000x144xf32> to vector<2000x1xf32>
    %get3A_10 = arith.constant 0 : index
    %get3A_11 = arith.constant 0 : index
    %get3A_12 = vector.load %arg2[%get3A_10, %get3A_11] : memref<2000x128xf32, #tpu.memory_space<vmem>>, vector<2000x128xf32>
    %get3A_13 = arith.constant 0 : index
    %get3A_14 = arith.constant 0 : index
    %get3A_15 = vector.load %arg3[%get3A_13, %get3A_14] : memref<2000x128xf32, #tpu.memory_space<vmem>>, vector<2000x128xf32>
    %add3A_16 = arith.addf %get3A_12, %get3A_15 : vector<2000x128xf32>
    %mul3A = arith.constant 2.000000e-01 : f32
    %mul3A_17 = vector.broadcast %mul3A : f32 to vector<2000x128xf32>
    %mul3A_18 = arith.mulf %mul3A_17, %add3A_16 : vector<2000x128xf32>
    %max3A = arith.maximumf %add3A_16, %mul3A_18 : vector<2000x128xf32>
    %get3A_19 = arith.constant 0 : index
    %get3A_20 = arith.constant 0 : index
    %get3A_21 = vector.load %arg4[%get3A_19, %get3A_20] : memref<1x128xf32, #tpu.memory_space<vmem>>, vector<1x128xf32>
    %mul3A_22 = vector.broadcast %get3A_21 : vector<1x128xf32> to vector<2000x128xf32>
    %mul3A_23 = arith.mulf %max3A, %mul3A_22 : vector<2000x128xf32>
    %reduce_sum3A = arith.constant dense<0.000000e+00> : vector<2000xf32>
    %reduce_sum3A_24 = vector.multi_reduction <add>, %mul3A_23, %reduce_sum3A [1] : vector<2000x128xf32> to vector<2000xf32>
    %broadcast_in_dim3A = vector.shape_cast %reduce_sum3A_24 : vector<2000xf32> to vector<2000x1xf32>
    %exp3A = math.exp %broadcast_in_dim3A : vector<2000x1xf32>
    %mul3A_25 = vector.broadcast %exp3A : vector<2000x1xf32> to vector<2000x128xf32>
    %mul3A_26 = arith.mulf %mul3A_25, %get3A_12 : vector<2000x128xf32>
    %add3A_27 = arith.addf %slice3A, %mul3A_26 : vector<2000x128xf32>
    %add3A_28 = arith.addf %slice3A_9, %exp3A : vector<2000x1xf32>
    %add3A_29 = arith.constant 1.000000e-16 : f32
    %add3A_30 = vector.broadcast %add3A_29 : f32 to vector<2000x1xf32>
    %add3A_31 = arith.addf %add3A_28, %add3A_30 : vector<2000x1xf32>
    %div3A = vector.broadcast %add3A_31 : vector<2000x1xf32> to vector<2000x128xf32>
    %div3A_32 = arith.divf %add3A_27, %div3A : vector<2000x128xf32>
    %get3A_33 = arith.constant 0 : index
    %get3A_34 = arith.constant 0 : index
    %get3A_35 = vector.load %arg5[%get3A_33, %get3A_34] : memref<1x128xf32, #tpu.memory_space<vmem>>, vector<1x128xf32>
    %add3A_36 = vector.broadcast %get3A_35 : vector<1x128xf32> to vector<2000x128xf32>
    %add3A_37 = arith.addf %div3A_32, %add3A_36 : vector<2000x128xf32>
    %reduce_sum3A_38 = arith.constant dense<0.000000e+00> : vector<2000xf32>
    %reduce_sum3A_39 = vector.multi_reduction <add>, %add3A_37, %reduce_sum3A_38 [1] : vector<2000x128xf32> to vector<2000xf32>
    %broadcast_in_dim3A_40 = vector.shape_cast %reduce_sum3A_39 : vector<2000xf32> to vector<2000x1xf32>
    %div3A_41 = arith.constant 1.280000e+02 : f32
    %div3A_42 = vector.broadcast %div3A_41 : f32 to vector<2000x1xf32>
    %div3A_43 = arith.divf %broadcast_in_dim3A_40, %div3A_42 : vector<2000x1xf32>
    %sub3A = vector.broadcast %div3A_43 : vector<2000x1xf32> to vector<2000x128xf32>
    %sub3A_44 = arith.subf %add3A_37, %sub3A : vector<2000x128xf32>
    %mul3A_45 = arith.mulf %sub3A_44, %sub3A_44 : vector<2000x128xf32>
    %reduce_sum3A_46 = arith.constant dense<0.000000e+00> : vector<2000xf32>
    %reduce_sum3A_47 = vector.multi_reduction <add>, %mul3A_45, %reduce_sum3A_46 [1] : vector<2000x128xf32> to vector<2000xf32>
    %broadcast_in_dim3A_48 = vector.shape_cast %reduce_sum3A_47 : vector<2000xf32> to vector<2000x1xf32>
    %div3A_49 = arith.constant 1.280000e+02 : f32
    %div3A_50 = vector.broadcast %div3A_49 : f32 to vector<2000x1xf32>
    %div3A_51 = arith.divf %broadcast_in_dim3A_48, %div3A_50 : vector<2000x1xf32>
    %add3A_52 = arith.constant 9.99999974E-6 : f32
    %add3A_53 = vector.broadcast %add3A_52 : f32 to vector<2000x1xf32>
    %add3A_54 = arith.addf %div3A_51, %add3A_53 : vector<2000x1xf32>
    %rsqrt3A = math.rsqrt %add3A_54 : vector<2000x1xf32>
    %mul3A_55 = vector.broadcast %rsqrt3A : vector<2000x1xf32> to vector<2000x128xf32>
    %mul3A_56 = arith.mulf %sub3A_44, %mul3A_55 : vector<2000x128xf32>
    %get3A_57 = arith.constant 0 : index
    %get3A_58 = arith.constant 0 : index
    %get3A_59 = vector.load %arg6[%get3A_57, %get3A_58] : memref<1x128xf32, #tpu.memory_space<vmem>>, vector<1x128xf32>
    %mul3A_60 = vector.broadcast %get3A_59 : vector<1x128xf32> to vector<2000x128xf32>
    %mul3A_61 = arith.mulf %mul3A_56, %mul3A_60 : vector<2000x128xf32>
    %get3A_62 = arith.constant 0 : index
    %get3A_63 = arith.constant 0 : index
    %get3A_64 = vector.load %arg7[%get3A_62, %get3A_63] : memref<1x128xf32, #tpu.memory_space<vmem>>, vector<1x128xf32>
    %add3A_65 = vector.broadcast %get3A_64 : vector<1x128xf32> to vector<2000x128xf32>
    %add3A_66 = arith.addf %mul3A_61, %add3A_65 : vector<2000x128xf32>
    %swap3A = arith.constant 0 : index
    %swap3A_67 = arith.constant 0 : index
    %swap3A_68 = vector.load %arg8[%swap3A, %swap3A_67] : memref<2000x128xf32, #tpu.memory_space<vmem>>, vector<2000x128xf32>
    tpu.vector_store %arg8[%swap3A, %swap3A_67], %add3A_66 {strides = array<i32>} : memref<2000x128xf32, #tpu.memory_space<vmem>>, vector<2000x128xf32>,
    return
  }
  func.func @transform_0(%arg0: i32) -> (i32, i32, i32) {
    %c0_i32 = arith.constant 0 : i32
    %c0_i32_0 = arith.constant 0 : i32
    %c0_i32_1 = arith.constant 0 : i32
    return %c0_i32, %arg0, %c0_i32_0 : i32, i32, i32
  }
  func.func @transform_1(%arg0: i32) -> (i32, i32) {
    %c0_i32 = arith.constant 0 : i32
    %c0_i32_0 = arith.constant 0 : i32
    return %arg0, %c0_i32 : i32, i32
  }
  func.func @transform_2(%arg0: i32) -> (i32, i32) {
    %c0_i32 = arith.constant 0 : i32
    %c0_i32_0 = arith.constant 0 : i32
    return %arg0, %c0_i32 : i32, i32
  }
  func.func @transform_3(%arg0: i32) -> (i32, i32) {
    %c0_i32 = arith.constant 0 : i32
    %c0_i32_0 = arith.constant 0 : i32
    %c0_i32_1 = arith.constant 0 : i32
    return %c0_i32, %c0_i32_0 : i32, i32
  }
  func.func @transform_4(%arg0: i32) -> (i32, i32) {
    %c0_i32 = arith.constant 0 : i32
    %c0_i32_0 = arith.constant 0 : i32
    %c0_i32_1 = arith.constant 0 : i32
    return %c0_i32, %c0_i32_0 : i32, i32
  }
  func.func @transform_5(%arg0: i32) -> (i32, i32) {
    %c0_i32 = arith.constant 0 : i32
    %c0_i32_0 = arith.constant 0 : i32
    %c0_i32_1 = arith.constant 0 : i32
    return %c0_i32, %c0_i32_0 : i32, i32
  }
  func.func @transform_6(%arg0: i32) -> (i32, i32) {
    %c0_i32 = arith.constant 0 : i32
    %c0_i32_0 = arith.constant 0 : i32
    %c0_i32_1 = arith.constant 0 : i32
    return %c0_i32, %c0_i32_0 : i32, i32
  }
  func.func @transform_7(%arg0: i32) -> (i32, i32) {
    %c0_i32 = arith.constant 0 : i32
    %c0_i32_0 = arith.constant 0 : i32
    return %arg0, %c0_i32 : i32, i32
  }
}

</mosaic_0001>

<sc_bundles>
// kernel: kernel.5.cloned.1.call-start
scs
__scs_entry_jumppad:
0x0: {  	(pc) =	sbr.rel $0x88, $3  }
0x1: {  	(tag) =	ssettag $0x0;
	lr =	simm.s32 $0x1  }
0x2: {  	[smem:$0x3F97] =	sst lr;
	_ =	strace $0xD0000000  }
0x3: {  	_ = 	snop  }
0x4: {  	_ = 	snop  }
0x5: {  	_ = 	snop  }
0x6: {  	_ = 	snop  }
0x7: {  	_ = 	snop  }
__scs_overlays_trampoline_lowered:
0x8: {  	[smem:$0x3FA6] =	sst s0  }
0x9: {  	[smem:$0x3FA7] =	sst s1  }
0xa: {  	[smem:$0x3FA8] =	sst s2  }
0xb: {  	[smem:$0x3FA9] =	sst s3  }
0xc: {  	[smem:$0x3FAA] =	sst s4  }
0xd: {  	[smem:$0x3FAB] =	sst s5  }
0xe: {  	[smem:$0x3FAC] =	sst s6  }
0xf: {  	[smem:$0x3FAD] =	sst s7  }
0x10: {  	[smem:$0x3FAE] =	sst s8  }
0x11: {  	[smem:$0x3FAF] =	sst s9;
	s0 =	simm.s32 @!p0 $0x0  }
0x12: {  	s1 =	sld [smem:$0x3F95];
	s0 =	simm.s32 @p0 $0x1  }
0x13: {  	[smem:$0x3FB0] =	sst s0;
	s0 =	simm.s32 @!p1 $0x0  }
0x14: {  	s2 =	sld [smem:$0x3F94];
	s0 =	simm.s32 @p1 $0x1  }
0x15: {  	[smem:$0x3FB1] =	sst s0;
	s0 =	simm.s32 @!p2 $0x0  }
0x16: {  	s3 =	sld [smem:$0x3FDB];
	s0 =	simm.s32 @p2 $0x1  }
0x17: {  	s4 =	simm.s32 $0x1BF5;
	[smem:$0x3FB3] =	sst s0  }
0x18: {  	s0 =	sld [smem:$0x3F96];
	_ =	swait.ge [sflag:s4], $0x0  }
0x19: {  	s7 =	sld [smem:$0x3F97]  }
0x1a: {  	s8 =	sadd.s32 $0xFFFFE003, lr  }
0x1b: {  	s9 =	sadd.s32 $0xFFFFFEF7, lr;
	s5 =	simm.s32 $0xFFFFFFFF;
	p2 =	slt.u32 s8, $0xFFFFF086  }
0x1c: {  	p1 =	slt.u32 s9, $0xF7A;
	s5 =	simm.s32 @!p2 $0x0  }
0x1d: {  	s5 =	simm.s32 @p1 $0x1;
	p0 =	seq.s32 s7, s2  }
0x1e: {  	s7 =	smul.u32 @!p0 $0xF7A, s2;
	p2 =	seq.s32 @!p0 s5, $0x0  }
0x1f: {  	s9 =	smul.u32 $0xF7A, s1;
	s8 =	simm.s32 @!p0 $0x1BF5;
	p2 =	por !p2, p0  }
0x20: {  	[sflag:s8] =	ssyncset.s32 @!p0 $0xFFFFF086;
	s6 =	sadd.s32 @!p0 s3, s7;
	s7 =	simm.s32 @!p0 $0x108  }
0x21: {  	s3 =	sadd.s32 s3, s9;
	s6 =	sadd.s32 @!p0 $0x88, s6;
	s7 =	simm.s32 @p2 $0x1082  }
0x22: {  	[simem:s7], [sflag:s8] =	dma.local @!p0 [hbm:s6], $0xF7A  }
0x23: {  	s9 =	sor.u32 $0xD0000000, s2;
	s6 =	simm.s32 $0x108;
	_ =	swait.ge @!p0 [sflag:s8], $0x0  }
0x24: {  	s3 =	sadd.s32 $0x88, s3;
	s6 =	simm.s32 @!p1 $0x1082;
	[sflag:s4] =	ssyncset.s32 $0xFFFFF086  }
0x25: {  	[simem:s6], [sflag:s4] =	dma.local [hbm:s3], $0xF7A  }
0x26: {  	[smem:$0x3F97] =	sst s1;
	(tag) =	ssettag s2;
	_ =	strace s9  }
0x27: {  	s1 =	sld [smem:$0x3FA7]  }
0x28: {  	s2 =	sld [smem:$0x3FA8]  }
0x29: {  	s4 =	sld [smem:$0x3FAA]  }
0x2a: {  	p0 =	seq.s32 s5, $0x0;
	s5 =	sld [smem:$0x3FAB]  }
0x2b: {  	s6 =	sld [smem:$0x3FAC]  }
0x2c: {  	s7 =	sld [smem:$0x3FAD]  }
0x2d: {  	s3 =	simm.s32 $0x108;
	s8 =	sld [smem:$0x3FAE]  }
0x2e: {  	s3 =	simm.s32 @!p0 $0x1082;
	s9 =	sld [smem:$0x3FAF]  }
0x2f: {  	lr =	sadd.s32 s0, s3;
	s0 =	sld [smem:$0x3FA6]  }
0x30: {  	s3 =	sld [smem:$0x3FA9]  }
0x31: {  	[smem:$0x3FB2] =	sst s10  }
0x32: {  	s10 =	sld [smem:$0x3FB0];
	_ =	sdelay $0x3  }
0x33: {  	p0 =	seq.s32 s10, $0x1;
	s10 =	sld [smem:$0x3FB2];
	_ =	sdelay $0x3  }
0x34: {  	[smem:$0x3FB2] =	sst s10  }
0x35: {  	s10 =	sld [smem:$0x3FB1];
	_ =	sdelay $0x3  }
0x36: {  	p1 =	seq.s32 s10, $0x1;
	s10 =	sld [smem:$0x3FB2];
	_ =	sdelay $0x3  }
0x37: {  	[smem:$0x3FB2] =	sst s10  }
0x38: {  	s10 =	sld [smem:$0x3FB3]  }
0x39: {  	_ = 	snop;
	(pc) =	sbr.ind lr, $3  }
0x3a: {  	_ = 	snop  }
0x3b: {  	_ = 	snop  }
0x3c: {  	p2 =	seq.s32 s10, $0x1;
	s10 =	sld [smem:$0x3FB2]  }
0x3d: {  	_ =	shalt  }
0x3e: {  	_ =	shalt  }
0x3f: {  	_ =	shalt  }
0x40: {  	_ =	shalt  }
0x41: {  	_ =	shalt  }
0x42: {  	_ =	shalt  }
0x43: {  	_ =	shalt  }
0x44: {  	_ =	shalt  }
0x45: {  	_ =	shalt  }
0x46: {  	_ =	shalt  }
0x47: {  	_ =	shalt  }
0x48: {  	_ =	shalt  }
0x49: {  	_ =	shalt  }
0x4a: {  	_ =	shalt  }
0x4b: {  	_ =	shalt  }
0x4c: {  	_ =	shalt  }
0x4d: {  	_ =	shalt  }
0x4e: {  	_ =	shalt  }
0x4f: {  	_ =	shalt  }
0x50: {  	_ =	shalt  }
0x51: {  	_ =	shalt  }
0x52: {  	_ =	shalt  }
0x53: {  	_ =	shalt  }
0x54: {  	_ =	shalt  }
0x55: {  	_ =	shalt  }
0x56: {  	_ =	shalt  }
0x57: {  	_ =	shalt  }
0x58: {  	_ =	shalt  }
0x59: {  	_ =	shalt  }
0x5a: {  	_ =	shalt  }
0x5b: {  	_ =	shalt  }
0x5c: {  	_ =	shalt  }
0x5d: {  	_ =	shalt  }
0x5e: {  	_ =	shalt  }
0x5f: {  	_ =	shalt  }
0x60: {  	_ =	shalt  }
0x61: {  	_ =	shalt  }
0x62: {  	_ =	shalt  }
0x63: {  	_ =	shalt  }
0x64: {  	_ =	shalt  }
0x65: {  	_ =	shalt  }
0x66: {  	_ =	shalt  }
0x67: {  	_ =	shalt  }
0x68: {  	_ =	shalt  }
0x69: {  	_ =	shalt  }
0x6a: {  	_ =	shalt  }
0x6b: {  	_ =	shalt  }
0x6c: {  	_ =	shalt  }
0x6d: {  	_ =	shalt  }
0x6e: {  	_ =	shalt  }
0x6f: {  	_ =	shalt  }
0x70: {  	_ =	shalt  }
0x71: {  	_ =	shalt  }
0x72: {  	_ =	shalt  }
0x73: {  	_ =	shalt  }
0x74: {  	_ =	shalt  }
0x75: {  	_ =	shalt  }
0x76: {  	_ =	shalt  }
0x77: {  	_ =	shalt  }
0x78: {  	_ =	shalt  }
0x79: {  	_ =	shalt  }
0x7a: {  	_ =	shalt  }
0x7b: {  	_ =	shalt  }
0x7c: {  	_ =	shalt  }
0x7d: {  	_ =	shalt  }
0x7e: {  	_ =	shalt  }
0x7f: {  	_ =	shalt  }
0x80: {  	_ =	shalt  }
0x81: {  	_ =	shalt  }
0x82: {  	_ =	shalt  }
0x83: {  	_ =	shalt  }
0x84: {  	_ =	shalt  }
0x85: {  	_ =	shalt  }
0x86: {  	_ =	shalt  }
0x87: {  	_ =	shalt  }
.Lfunc_end0:
.L_simem_size_0:
called_computation_lowered:
.L_overlay_start_0:
0x88: {  	s2 =	sld [smem:$0x3FD9]  }
0x89: {  	s3 =	sld [smem:$0x3FFE];
	_ =	sdelay $0x1  }
0x8a: {  	s1 =	srdreg.scid  }
0x8b: {  	s0 =	sand.u32 $0x1, s1  }
0x8c: {  	s17 =	sshll.u32 s0, $0xA;
	s2 =	sadd.s32 s3, s2  }
0x8d: {  	s2 =	sadd.s32 s2, s17  }
0x8e: {  	[smem:$0x3FBE] =	sst s2  }
0x8f: {  	_ = 	snop  }
0x90: {  	s2 =	sld [smem:$0x3FC3]  }
0x91: {  	s18 =	sld [smem:$0x3FD0];
	(tm) =	ssettm $0x1  }
0x92: {  	s4 =	sld [smem:$0x3FFB];
	_ =	sdelay $0x3  }
0x93: {  	_ =	strace s4  }
0x94: {  	s4 =	sld [smem:$0x3FFC];
	_ =	sdelay $0x3  }
0x95: {  	_ =	strace s4  }
0x96: {  	s4 =	sld [smem:$0x3FFD];
	_ =	sdelay $0x3  }
0x97: {  	_ =	strace s4  }
0x98: {  	_ =	strace $0x8FFFFFFF  }
0x99: {  	s19 =	sld [smem:$0x3FDB];
	_ =	sdelay $0x1  }
0x9a: {  	s5 =	simm.s32 $_scs_section_size  }
0x9b: {  	s6 =	simm.s32 $_size__tile_overlayer_lowered;
	s7 =	simm.s32 $_tile_overlayer_lowered  }
0x9c: {  	s22 =	simm.s32 $0x1BFF;
	s21 =	sshll.u32 s7, $0x1;
	s4 =	sadd.s32 s5, s19  }
0x9d: {  	s8 =	simm.s32 $0x0;
	s20 =	sshll.u32 s6, $0x1;
	s6 =	sadd.s32 s21, s4  }
0x9e: {  	[timem:s8], [sflag:s22] =	dma.local [hbm:s6], s20  }
0x9f: {  	_ =	swait.ge [sflag:s22], s20  }
0xa0: {  	s5 =	ssub.s32 $0x0, s20;
	[sflag:s22] =	ssyncset.done $0x0  }
0xa1: {  	[sflag:s22] =	ssyncadd.s32 s5;
	_ =	sdelay $0x1  }
0xa2: {  	s23 =	simm.s32 $0x1B8B  }
0xa3: {  	_ =	swait.ge [sflag:s23], $0x1  }
0xa4: {  	[sflag:s23] =	ssyncset.done $0x0  }
0xa5: {  	s25 =	simm.s32 $0x1B8E;
	s24 =	sld [smem:$0x3FFE];
	[sflag:s23] =	ssyncadd.s32 $0xFFFFFFFF  }
0xa6: {  	s26 =	simm.s32 $execute0_lowered;
	[smem:$0x3FD2] =	sst s25  }
0xa7: {  	s6 =	sshll.u32 s26, $0x1;
	_ =	strace $0x80000046;
	[dreg:$0x1] =	wrdreg $0xFFFFFFFF  }
0xa8: {  	s28 =	simm.s32 $_size_execute0_lowered;
	s4 =	sadd.s32 s4, s6;
	[dreg:$0x0] =	wrdreg $0x0  }
0xa9: {  	s6 =	sshll.u32 s28, $0x1;
	[dreg:$0x2] =	wrdreg s4  }
0xaa: {  	[dreg:$0x3] =	wrdreg s6  }
0xab: {  	[dreg:$0x4] =	wrdreg $0xC0  }
0xac: {  	_ =	task [dreg:s8], $0x5FFFF  }
0xad: {  	[dreg:$0x1] =	wrdreg $0xFFFFFFFF  }
0xae: {  	[dreg:$0x0] =	wrdreg $0x60  }
0xaf: {  	[dreg:$0x2] =	wrdreg s18  }
0xb0: {  	[dreg:$0x3] =	wrdreg s24  }
0xb1: {  	[dreg:$0x4] =	wrdreg s2  }
0xb2: {  	[dreg:$0x5] =	wrdreg $0x7E200  }
0xb3: {  	[dreg:$0x6] =	wrdreg $0x9  }
0xb4: {  	_ =	task.clear_ibuf [dreg:s8], $0x7FFFF;
	_ =	strace $0x90000046  }
0xb5: {  	s29 =	simm.s32 $0x9;
	_ =	strace $0x80000048  }
0xb6: {  	_ =	swait.ge [sflag:s29], $0x1  }
0xb7: {  	[sflag:s29] =	ssyncadd.s32 $0xFFFFFFFF  }
0xb8: {  	_ =	strace $0x90000048  }
0xb9: {  	_ =	sfence  }
0xba: {  	s30 =	sld [smem:$0x0];
	_ =	sdelay $0x2  }
0xbb: {  	s31 =	sshll.u32 s1, $0xD;
	s1 =	sshrl.u32 s1, $0x2  }
0xbc: {  	s3 =	sand.u32 $0x4000, s31;
	s1 =	sadd.s32 s1, s30  }
0xbd: {  	s0 =	sor.u32 s3, s0;
	s1 =	sshll.u32 s1, $0x11  }
0xbe: {  	s0 =	sor.u32 s1, s0  }
0xbf: {  	s0 =	sadd.s32 $0x8F2B, s0  }
0xc0: {  	[sflag:s0] =	ssyncadd.remote.s32 $0x1  }
0xc1: {  	_ =	sfence.sel $0xFFFF  }
0xc2: {  	[dreg:$0x0] =	wrdreg $0xFFFFFFFF;
	(pc) =	sbr.abs _section_cstart, $3  }
0xc3: {  	[dreg:$0x1] =	wrdreg $0xFFFFFFFF  }
0xc4: {  	_ =	task.clear_ibuf [dreg:s8], $0x2FFFF;
	_ =	strace $0x9FFFFFFF  }
0xc5: {  	(tm) =	ssettm $0x7FFFFFFF  }
tec
execute0_lowered:
.L_overlay_start_1:
0x0: {  	(tag) =	ssettag $0x1  }
0x1: {  	s1 =	rddreg [dreg:$0x0]  }
0x2: {  	s0 =	rddreg [dreg:$0x1]  }
0x3: {  	s4 =	rddreg [dreg:$0x3];
	s5 =	simm.s32 $0x0  }
0x4: {  	s12 =	stileid.u32;
	s2 =	srdreg.scid;
	s19 =	simm.s32 $0x5  }
0x5: {  	s28 =	simm.s32 $0x28A0;
	s29 =	simm.s32 $0x1;
	s30 =	simm.s32 $0x4  }
0x6: {  	s31 =	simm.s32 $0x14A0;
	s18 =	simm.s32 $0x6720;
	[smem:$0x7FF] =	sst s5  }
0x7: {  	s3 =	smul.u32 $0x15F90, s12;
	s2 =	sand.u32 $0x1, s2;
	s6 =	sadd.s32 $0x16000, s0  }
0x8: {  	s7 =	sadd.s32 $0xC200, s0;
	s8 =	sadd.s32 $0x2400, s0;
	s10 =	sshll.u32 s12, $0x1  }
0x9: {  	s26 =	sshll.u32 s12, $0x6;
	_ =	strace $0x80000047;
	s9 =	smul.u32 $0x15F900, s2  }
0xa: {  	s10 =	sor.u32 s2, s10;
	s2 =	ssub.s32 $0x2, s2;
	s12 =	sor.u32 $0x1C05, s26  }
0xb: {  	s26 =	simm.s32 $0xA0;
	s11 =	sshrl.u32 s3, $0x3;
	s10 =	smul.u32 $0x2710, s10  }
0xc: {  	s21 =	sshrl.u32 s2, $0x1;
	s9 =	sadd.s32 s3, s9;
	s11 =	sadd.s32 s11, s0  }
0xd: {  	s2 =	ssub.s32 s2, s21;
	s3 =	sadd.s32 s3, s4;
	s9 =	sshrl.u32 s9, $0x3  }
0xe: {  	s22 =	sadd.s32 $0x28, s10;
	s11 =	sadd.s32 $0x3D200, s11;
	s23 =	sshrl.u32 s10, $0x3  }
0xf: {  	s14 =	sadd.s32 $0x50, s10;
	s15 =	sadd.s32 $0x78, s10;
	s25 =	smax.u32 s2, $0x1  }
0x10: {  	s2 =	simm.s32 $0x2;
	s0 =	sadd.s32 s9, s0;
	[dreg:$0x5] =	wrdreg s11  }
0x11: {  	s9 =	sshrl.u32 s22, $0x3;
	s13 =	sadd.s32 s7, s23;
	[dreg:$0xb] =	wrdreg s25  }
0x12: {  	s11 =	sadd.s32 s8, s23;
	s22 =	simm.s32 $0x50;
	[dreg:$0x6] =	wrdreg s13  }
0x13: {  	s23 =	simm.s32 $0x28;
	[dreg:$0x7] =	wrdreg s11;
	s24 =	sadd.s32 s7, s9  }
0x14: {  	s25 =	simm.s32 $0x3;
	s9 =	sadd.s32 s8, s9;
	[dreg:$0x8] =	wrdreg s24  }
0x15: {  	s0 =	sadd.s32 $0x69200, s0;
	s13 =	sshrl.u32 s3, $0x3;
	[dreg:$0x9] =	wrdreg s9  }
0x16: {  	s3 =	simm.s32 $0x50A0;
	[dreg:$0xa] =	wrdreg s0;
	s24 =	simm.s32 $0x78  }
0x17: {  	s0 =	simm.s32 $0x3CA0;
	s9 =	simm.s32 $0x0;
	[dreg:$0xc] =	wrdreg s13  }
.LBB2_1:
0x18: {  	s10 =	rddreg [dreg:$0x2];
	s11 =	simm.s32 $0x7DA0  }
0x19: {  	[tilespmem:s11], [sflag:$0x5] =	stream.linear.gather [hbm4b:s10+s5], $0x80, $0x38;
	[tilespmem:$0x1DDB0] =	vst v63  }
0x1a: {  	_ =	swait.ge [sflag:s19], $0x80  }
0x1b: {  	[sflag:s19] =	ssyncset.done $0x0  }
0x1c: {  	s11 =	rddreg [dreg:$0x5];
	[sflag:s19] =	ssyncadd.s32 $0xFFFFFF80  }
0x1d: {  	[spmem:s13], [sflag:s12] =	dma.local [hbm:s11], $0x2BF2  }
0x1e: {  	_ =	swait.ge [sflag:s19], $0x2BF2  }
0x1f: {  	[sflag:s19] =	ssyncset.done $0x0  }
0x20: {  	[sflag:s19] =	ssyncadd.s32 $0xFFFFD40E  }
0x21: {  	[bflag:$0x0] =	sbarrier.arrive $0xFFFF  }
0x22: {  	v0 =	vld [tilespmem:$0x7DA0]  }
0x23: {  	v1 =	vld [tilespmem:$0x7DC0]  }
0x24: {  	v2 =	vld [tilespmem:$0x7DD0]  }
0x25: {  	v3 =	vld [tilespmem:$0x7DE0]  }
0x26: {  	v4 =	vld [tilespmem:$0x7DF0]  }
0x27: {  	v5 =	vld [tilespmem:$0x7E00]  }
0x28: {  	v6 =	vld [tilespmem:$0x7E10];
	s13 =	rddreg [dreg:$0x6]  }
0x29: {  	[tilespmem:$0x1FF80] =	vst v0;
	v0 =	vld [tilespmem:$0x7DB0];
	[tilespmem:s5], [sflag:$0x3] =	stream.linear.gather [hbm4b:s13+s5], $0x28, $0x38  }
0x2a: {  	s16 =	rddreg [dreg:$0x7]  }
0x2b: {  	[tilespmem:s22], [sflag:$0x3] =	stream.linear.gather [hbm4b:s16+s5], $0x28, $0x38;
	[tilespmem:$0x1DDB0] =	vst v63  }
0x2c: {  	s17 =	rddreg [dreg:$0x8]  }
0x2d: {  	[tilespmem:s23], [sflag:$0x4] =	stream.linear.gather [hbm4b:s17+s5], $0x28, $0x38;
	[tilespmem:$0x1DDB0] =	vst v63  }
0x2e: {  	s20 =	rddreg [dreg:$0x9];
	[tilespmem:$0x1FF90] =	vst v6  }
0x2f: {  	[tilespmem:s24], [sflag:$0x4] =	stream.linear.gather [hbm4b:s20+s5], $0x28, $0x38;
	[tilespmem:$0x1DDB0] =	vst v63  }
0x30: {  	_ =	swait.ge [sflag:s25], $0x28  }
0x31: {  	[sflag:s25] =	ssyncset.done $0x0  }
0x32: {  	[sflag:s25] =	ssyncadd.s32 $0xFFFFFFD8  }
0x33: {  	_ =	swait.ge [sflag:s25], $0x28  }
0x34: {  	[tilespmem:$0x1FFA0] =	vst v3  }
0x35: {  	[tilespmem:$0x1FFB0] =	vst v4  }
0x36: {  	[tilespmem:$0x1FFC0] =	vst v5  }
0x37: {  	[sflag:s25] =	ssyncset.done $0x0;
	[tilespmem:$0x1FFD0] =	vst v0  }
0x38: {  	[tilespmem:$0x1FFE0] =	vst v1;
	[sflag:s25] =	ssyncadd.s32 $0xFFFFFFD8  }
0x39: {  	[tilespmem:s26], [sflag:$0x1] =	stream.indirect.gather [hbm4b:s1+s23], $0x80, s5, s23, $0xb8;
	[tilespmem:$0x1DDB0] =	vst v63  }
0x3a: {  	s21 =	smov.u32 s12;
	s10 =	simm.s32 $0x0;
	[tilespmem:$0x1FFF0] =	vst v2  }
0x3b: {  	[tilespmem:s28], [sflag:$0x1] =	stream.indirect.gather [hbm4b:s6+s23], $0x80, s22, s23, $0xb8;
	[tilespmem:$0x1DDB0] =	vst v63  }
.LBB2_2:
0x3c: {  	_ =	swait.ge [sflag:s29], $0x1400  }
0x3d: {  	[sflag:s29] =	ssyncset.done $0x0  }
0x3e: {  	[sflag:s29] =	ssyncadd.s32 $0xFFFFEC00  }
0x3f: {  	_ =	swait.ge [sflag:s29], $0x1400  }
0x40: {  	[sflag:s29] =	ssyncset.done $0x0  }
0x41: {  	[sflag:s29] =	ssyncadd.s32 $0xFFFFEC00  }
0x42: {  	_ =	swait.ge [sflag:s30], $0x28  }
0x43: {  	[sflag:s30] =	ssyncset.done $0x0  }
0x44: {  	[sflag:s30] =	ssyncadd.s32 $0xFFFFFFD8  }
0x45: {  	_ =	swait.ge [sflag:s30], $0x28  }
0x46: {  	[sflag:s30] =	ssyncset.done $0x0  }
0x47: {  	[sflag:s30] =	ssyncadd.s32 $0xFFFFFFD8  }
0x48: {  	[tilespmem:s31], [sflag:$0x2] =	stream.indirect.gather [hbm4b:s1+s23], $0x80, s23, s23, $0xb8;
	[tilespmem:$0x1DDB0] =	vst v63  }
0x49: {  	s12 =	simm.s32 $0x1A0  }
0x4a: {  	[tilespmem:s0], [sflag:$0x2] =	stream.indirect.gather [hbm4b:s6+s23], $0x80, s24, s23, $0xb8;
	[tilespmem:$0x1DDB0] =	vst v63  }
0x4b: {  	v51 =	vld [tilespmem:s12+$0xB0]  }
0x4c: {  	v53 =	vld [tilespmem:s12+$0x80]  }
0x4d: {  	v52 =	vld [tilespmem:s12+$0x90]  }
0x4e: {  	s11 =	simm.s32 $0x29A0;
	v28 =	vld [tilespmem:s12+$0xFFFFFF10]  }
0x4f: {  	v8 =	vld [tilespmem:s11+$0x80]  }
0x50: {  	v9 =	vld [tilespmem:s11+$0x90]  }
0x51: {  	v49 =	vld [tilespmem:s12+$0xA0]  }
0x52: {  	v10 =	vld [tilespmem:s11+$0xA0]  }
0x53: {  	v11 =	vld [tilespmem:s11+$0xB0];
	[tilespmem:$0x1FEB0] =	vst v28  }
0x54: {  	v25 =	vld [tilespmem:s12+$0xD0];
	_ =	sdelay $0x3  }
0x55: {  	v58 =	vld [tilespmem:s12+$0xC0]  }
0x56: {  	v12 =	vld [tilespmem:s11+$0xC0];
	[tilespmem:$0x1FE80] =	vst v25  }
0x57: {  	v13 =	vld [tilespmem:s11+$0xD0]  }
0x58: {  	v62 =	vld [tilespmem:s12+$0xE0]  }
0x59: {  	v26 =	vld [tilespmem:s12+$0xFFFFFF80]  }
0x5a: {  	v14 =	vld [tilespmem:s11+$0xE0]  }
0x5b: {  	v50 =	vld [tilespmem:s12+$0xF0]  }
0x5c: {  	v15 =	vld [tilespmem:s11+$0xF0]  }
0x5d: {  	v16 =	vld [tilespmem:s11+$0xFFFFFF00]  }
0x5e: {  	v17 =	vld [tilespmem:s11+$0xFFFFFF10];
	[tilespmem:$0x1FF40] =	vst v26  }
0x5f: {  	v27 =	vld [tilespmem:s12+$0xFFFFFF90];
	_ =	sdelay $0x4  }
0x60: {  	[tilespmem:$0x1FF50] =	vst v27  }
0x61: {  	v19 =	vld [tilespmem:s11+$0xFFFFFF80]  }
0x62: {  	v29 =	vld [tilespmem:s12+$0xFFFFFF00]  }
0x63: {  	v22 =	vld [tilespmem:s11+$0xFFFFFF90]  }
0x64: {  	v7 =	vld [tilespmem:s12+$0x0]  }
0x65: {  	v18 =	vadd.f32 v8, v53;
	v9 =	vadd.f32 v9, v52;
	v6 =	vld [tilespmem:s12+$0x10]  }
0x66: {  	v23 =	vld [tilespmem:s11+$0x0]  }
0x67: {  	v20 =	vmul.f32 $2.000000030e-01, v18;
	v21 =	vmul.f32 $2.000000030e-01, v9;
	v24 =	vld [tilespmem:s11+$0x10];
	[tilespmem:$0x1FE90] =	vst v29  }
0x68: {  	v32 =	vld [tilespmem:s12+$0xFFFFFF20]  }
0x69: {  	v18 =	vmax.f32 v18, v20;
	v20 =	vmax.f32 v9, v21;
	v9 =	vld [tilespmem:$0x1FF80];
	_ =	sdelay $0x1  }
0x6a: {  	v10 =	vadd.f32 v10, v49;
	_ =	sdelay $0x1  }
0x6b: {  	v11 =	vadd.f32 v11, v51;
	v21 =	vmul.f32 $2.000000030e-01, v10;
	[tilespmem:$0x1FEC0] =	vst v32  }
0x6c: {  	v20 =	vmul.f32 v20, v0;
	v18 =	vmul.f32 v18, v9;
	v31 =	vld [tilespmem:s12+$0xFFFFFFA0]  }
0x6d: {  	v10 =	vmax.f32 v10, v21;
	v21 =	vmul.f32 $2.000000030e-01, v11  }
0x6e: {  	v12 =	vadd.f32 v12, v58;
	v10 =	vmul.f32 v10, v1;
	v18 =	vadd.f32 v20, v18  }
0x6f: {  	v11 =	vmax.f32 v11, v21  }
0x70: {  	v20 =	vmul.f32 $2.000000030e-01, v12;
	v13 =	vadd.f32 v13, v25;
	v10 =	vadd.f32 v10, v18  }
0x71: {  	v11 =	vmul.f32 v11, v2;
	v18 =	vld [tilespmem:s11+$0xFFFFFF20];
	[tilespmem:$0x1FF70] =	vst v31  }
0x72: {  	v14 =	vadd.f32 v14, v62;
	v12 =	vmax.f32 v12, v20;
	v20 =	vmul.f32 $2.000000030e-01, v13;
	v33 =	vld [tilespmem:s12+$0xFFFFFF30]  }
0x73: {  	v12 =	vmul.f32 v12, v3;
	v11 =	vadd.f32 v11, v10  }
0x74: {  	v15 =	vadd.f32 v15, v50;
	v13 =	vmax.f32 v13, v20;
	v20 =	vmul.f32 $2.000000030e-01, v14;
	v10 =	vmovc v6;
	v6 =	vmovc v3;
	v3 =	vld [tilespmem:$0x1FF90]  }
0x75: {  	v11 =	vadd.f32 v12, v11;
	v12 =	vmul.f32 v13, v4;
	v25 =	vld [tilespmem:s11+$0xFFFFFFA0]  }
0x76: {  	v13 =	vadd.f32 v17, v28;
	v14 =	vmax.f32 v14, v20;
	v20 =	vmul.f32 $2.000000030e-01, v15;
	v8 =	vld [tilespmem:s12+$0x20]  }
0x77: {  	v12 =	vadd.f32 v12, v11;
	v14 =	vmul.f32 v14, v5;
	v19 =	vadd.f32 v19, v26;
	v17 =	vld [tilespmem:s11+$0x20];
	[tilespmem:$0x1FED0] =	vst v33  }
0x78: {  	v21 =	vmul.f32 $2.000000030e-01, v13;
	v15 =	vmax.f32 v15, v20;
	v20 =	vadd.f32 v22, v27;
	v34 =	vld [tilespmem:s12+$0xFFFFFF40]  }
0x79: {  	v24 =	vadd.f32 v24, v10;
	v22 =	vmul.f32 $2.000000030e-01, v19;
	v26 =	vld [tilespmem:s11+$0xFFFFFF30]  }
0x7a: {  	v14 =	vadd.f32 v14, v12;
	v13 =	vmax.f32 v13, v21;
	v21 =	vmul.f32 $2.000000030e-01, v20;
	v11 =	vld [tilespmem:s12+$0xFFFFFFB0]  }
0x7b: {  	v30 =	vmul.f32 $2.000000030e-01, v24;
	v19 =	vmax.f32 v19, v22;
	v22 =	vadd.f32 v23, v7;
	v27 =	vld [tilespmem:s11+$0xFFFFFFB0]  }
0x7c: {  	v16 =	vadd.f32 v16, v29;
	v23 =	vmul.f32 v13, v0;
	v15 =	vmul.f32 v15, v3;
	v12 =	vld [tilespmem:s12+$0x30]  }
0x7d: {  	v20 =	vmax.f32 v20, v21;
	v13 =	vmul.f32 v19, v9;
	v28 =	vmul.f32 $2.000000030e-01, v22;
	v19 =	vld [tilespmem:s11+$0x30];
	[tilespmem:$0x1FEF0] =	vst v34  }
0x7e: {  	v21 =	vadd.f32 v15, v14;
	v15 =	vmul.f32 v20, v0;
	v20 =	vmul.f32 $2.000000030e-01, v16;
	v35 =	vld [tilespmem:s12+$0xFFFFFF50]  }
0x7f: {  	v24 =	vmax.f32 v24, v30;
	v18 =	vadd.f32 v18, v32;
	v29 =	vld [tilespmem:s11+$0xFFFFFF40]  }
0x80: {  	v22 =	vmax.f32 v22, v28;
	v16 =	vmax.f32 v16, v20;
	v20 =	vadd.f32 v25, v31;
	v14 =	vld [tilespmem:s12+$0xFFFFFFC0]  }
0x81: {  	v15 =	vadd.f32 v15, v13;
	v16 =	vmul.f32 v16, v9;
	v28 =	vmul.f32 $2.000000030e-01, v18;
	v13 =	vmovc v8;
	v25 =	vld [tilespmem:s11+$0xFFFFFFC0]  }
0x82: {  	v24 =	vmul.f32 v24, v0;
	v17 =	vadd.f32 v17, v13;
	v30 =	vmul.f32 $2.000000030e-01, v20;
	v8 =	vmovc v12;
	v12 =	vld [tilespmem:s12+$0x40]  }
0x83: {  	v22 =	vmul.f32 v22, v9;
	v16 =	vadd.f32 v23, v16;
	v18 =	vmax.f32 v18, v28;
	v31 =	vld [tilespmem:s11+$0x40];
	[tilespmem:$0x1FF00] =	vst v35  }
0x84: {  	v20 =	vmax.f32 v20, v30;
	v23 =	vadd.f32 v26, v33;
	v26 =	vmul.f32 $2.000000030e-01, v17;
	v37 =	vld [tilespmem:s12+$0xFFFFFF60]  }
0x85: {  	v22 =	vadd.f32 v24, v22;
	v18 =	vmul.f32 v18, v1;
	v24 =	vmul.f32 v20, v1;
	v30 =	vld [tilespmem:s11+$0xFFFFFF50]  }
0x86: {  	v27 =	vadd.f32 v27, v11;
	v28 =	vmul.f32 $2.000000030e-01, v23;
	v17 =	vmax.f32 v17, v26;
	v20 =	vld [tilespmem:s12+$0xFFFFFFD0]  }
0x87: {  	v16 =	vadd.f32 v18, v16;
	v15 =	vadd.f32 v24, v15;
	v17 =	vmul.f32 v17, v1;
	v40 =	vld [tilespmem:s11+$0xFFFFFFD0]  }
0x88: {  	v19 =	vadd.f32 v19, v8;
	v24 =	vmul.f32 $2.000000030e-01, v27;
	v23 =	vmax.f32 v23, v28;
	v18 =	vld [tilespmem:s12+$0x50]  }
0x89: {  	v23 =	vmul.f32 v23, v2;
	v17 =	vadd.f32 v17, v22;
	v22 =	vadd.f32 v29, v34;
	v41 =	vld [tilespmem:s11+$0x50];
	[tilespmem:$0x1FF10] =	vst v37  }
0x8a: {  	v26 =	vmul.f32 $2.000000030e-01, v19;
	v24 =	vmax.f32 v27, v24;
	v25 =	vadd.f32 v25, v14;
	v43 =	vld [tilespmem:s12+$0xFFFFFF70]  }
0x8b: {  	v16 =	vadd.f32 v23, v16;
	v23 =	vmul.f32 v24, v2;
	v24 =	vmul.f32 $2.000000030e-01, v22;
	v27 =	vld [tilespmem:s11+$0xFFFFFF60]  }
0x8c: {  	v19 =	vmax.f32 v19, v26;
	v31 =	vadd.f32 v31, v12;
	v29 =	vmul.f32 $2.000000030e-01, v25;
	v28 =	vld [tilespmem:s12+$0xFFFFFFE0]  }
0x8d: {  	v19 =	vmul.f32 v19, v2;
	v15 =	vadd.f32 v23, v15;
	v22 =	vmax.f32 v22, v24;
	v42 =	vld [tilespmem:s11+$0xFFFFFFE0]  }
0x8e: {  	v24 =	vmax.f32 v25, v29;
	v25 =	vmul.f32 $2.000000030e-01, v31;
	v23 =	vadd.f32 v30, v35;
	v26 =	vld [tilespmem:s12+$0x60]  }
0x8f: {  	v17 =	vadd.f32 v19, v17;
	v22 =	vmul.f32 v22, v6;
	v19 =	vmul.f32 v24, v6;
	v29 =	vld [tilespmem:s11+$0x60];
	[tilespmem:$0x1FF30] =	vst v43  }
0x90: {  	v36 =	vadd.f32 v40, v20;
	v25 =	vmax.f32 v31, v25;
	v24 =	vmul.f32 $2.000000030e-01, v23;
	v31 =	vld [tilespmem:s11+$0xFFFFFF70]  }
0x91: {  	v16 =	vadd.f32 v22, v16;
	v19 =	vadd.f32 v19, v15;
	v15 =	vmul.f32 v25, v6;
	v32 =	vld [tilespmem:s12+$0xFFFFFFF0]  }
0x92: {  	v22 =	vmax.f32 v23, v24;
	v23 =	vmul.f32 $2.000000030e-01, v36;
	v24 =	vadd.f32 v41, v18;
	v25 =	vld [tilespmem:s11+$0xFFFFFFF0]  }
0x93: {  	v44 =	vadd.f32 v15, v17;
	v22 =	vmul.f32 v22, v4;
	v17 =	vadd.f32 v27, v37;
	v30 =	vld [tilespmem:s12+$0x70]  }
0x94: {  	s16 =	simm.s32 $0x3A0;
	v15 =	vmax.f32 v36, v23;
	v23 =	vmul.f32 $2.000000030e-01, v24;
	v27 =	vadd.f32 v42, v28;
	v45 =	vld [tilespmem:s11+$0x70]  }
0x95: {  	v29 =	vadd.f32 v29, v26;
	v36 =	vmul.f32 v15, v4;
	v15 =	vld [tilespmem:s16+$0xB0];
	v37 =	vmul.f32 $2.000000030e-01, v17  }
0x96: {  	v22 =	vadd.f32 v22, v16;
	v16 =	vld [tilespmem:s16+$0x80];
	s11 =	simm.s32 $0x2BA0;
	v23 =	vmax.f32 v24, v23;
	v24 =	vmul.f32 $2.000000030e-01, v27  }
0x97: {  	v46 =	vld [tilespmem:s11+$0x80];
	v36 =	vadd.f32 v36, v19;
	v19 =	vmul.f32 v23, v4;
	v23 =	vmax.f32 v17, v37  }
0x98: {  	v40 =	vld [tilespmem:s11+$0x90];
	v24 =	vmax.f32 v27, v24;
	v27 =	vmul.f32 $2.000000030e-01, v29;
	v31 =	vadd.f32 v31, v43  }
0x99: {  	v17 =	vld [tilespmem:s16+$0x90];
	v23 =	vmul.f32 v23, v5;
	v33 =	vadd.f32 v19, v44;
	v24 =	vmul.f32 v24, v5  }
0x9a: {  	v19 =	vld [tilespmem:s16+$0xA0];
	v25 =	vadd.f32 v25, v32;
	v27 =	vmax.f32 v29, v27;
	v41 =	vmul.f32 $2.000000030e-01, v31  }
0x9b: {  	v29 =	vld [tilespmem:s11+$0xA0];
	v22 =	vadd.f32 v23, v22;
	v23 =	vmul.f32 v27, v5;
	v27 =	vadd.f32 v45, v30  }
0x9c: {  	v48 =	vld [tilespmem:s11+$0xB0];
	v24 =	vadd.f32 v24, v36;
	v47 =	vmul.f32 $2.000000030e-01, v25;
	v31 =	vmax.f32 v31, v41  }
0x9d: {  	v38 =	vld [tilespmem:s16+$0xF0];
	v37 =	vadd.f32 v46, v16;
	v23 =	vadd.f32 v23, v33;
	v31 =	vmul.f32 v31, v3  }
0x9e: {  	v55 =	vld [tilespmem:s11+$0xC0];
	v54 =	vmul.f32 $2.000000030e-01, v27;
	v40 =	vadd.f32 v40, v17;
	v34 =	vmax.f32 v25, v47  }
0x9f: {  	v56 =	vmul.f32 $2.000000030e-01, v37;
	v25 =	vld [tilespmem:s16+$0xC0];
	v22 =	vadd.f32 v31, v22;
	v31 =	vmul.f32 v34, v3  }
0xa0: {  	v59 =	vld [tilespmem:s11+$0xD0];
	v33 =	vmax.f32 v27, v54;
	v42 =	vmul.f32 $2.000000030e-01, v40;
	v29 =	vadd.f32 v29, v19  }
0xa1: {  	(xrf2) =	vadd.scan.msk.f32 $0xffff, v21;
	v57 =	vadd.f32 v48, v15;
	v27 =	vld [tilespmem:s16+$0xD0];
	v24 =	vadd.f32 v31, v24;
	v31 =	vmul.f32 v33, v3  }
0xa2: {  	v21 =	vld [tilespmem:s16+$0xE0];
	v37 =	vmax.f32 v37, v56;
	v40 =	vmax.f32 v40, v42;
	v60 =	vmul.f32 $2.000000030e-01, v29  }
0xa3: {  	v63 =	vld [tilespmem:s11+$0xE0];
	v61 =	vmul.f32 v40, v0;
	(xrf2) =	vadd.scan.msk.f32 $0xffff, v22;
	v23 =	vadd.f32 v31, v23;
	v31 =	vmul.f32 v37, v9  }
0xa4: {  	[tilespmem:$0x1FEE0] =	vst v38;
	v22 =	vmax.f32 v29, v60;
	v29 =	vmul.f32 $2.000000030e-01, v57;
	v34 =	vadd.f32 v55, v25  }
0xa5: {  	v45 =	vld [tilespmem:s11+$0xF0];
	v22 =	vmul.f32 v22, v1;
	(xrf2) =	vadd.scan.msk.f32 $0xffff, v24;
	v31 =	vadd.f32 v61, v31  }
0xa6: {  	v35 =	vld [tilespmem:s16+$0xFFFFFF10];
	v46 =	vadd.f32 v59, v27;
	(xrf2) =	vadd.scan.msk.f32 $0xffff, v23;
	v23 =	vmax.f32 v57, v29;
	v29 =	vmul.f32 $2.000000030e-01, v34  }
0xa7: {  	v43 =	vld [tilespmem:s11+$0xFFFFFF00];
	v23 =	vmul.f32 v23, v2;
	v22 =	vadd.f32 v22, v31  }
0xa8: {  	v47 =	vadd.f32 v63, v21;
	v40 =	vld [tilespmem:s11+$0xFFFFFF10];
	v29 =	vmax.f32 v34, v29;
	v31 =	vmul.f32 $2.000000030e-01, v46  }
0xa9: {  	v36 =	vld [tilespmem:s16+$0x0];
	v29 =	vmul.f32 v29, v6;
	v48 =	vadd.f32 v23, v22  }
0xaa: {  	v54 =	vmul.f32 $2.000000030e-01, v47;
	v63 =	vld [tilespmem:s11+$0x10];
	v37 =	vadd.f32 v45, v38;
	v31 =	vmax.f32 v46, v31  }
0xab: {  	v42 =	vld [tilespmem:s16+$0xFFFFFF90];
	v55, _, _ =	vpop (xrf2);
	v31 =	vmul.f32 v31, v4;
	v29 =	vadd.f32 v29, v48  }
0xac: {  	v33 =	vmax.f32 v47, v54;
	v56 =	vmul.f32 $1.442695020e+00, v55;
	v59 =	vmul.f32 $2.000000030e-01, v37;
	v22 =	vld [tilespmem:s16+$0xFFFFFF80]  }
0xad: {  	v57 =	vld [tilespmem:s11+$0xFFFFFF80];
	v40 =	vadd.f32 v40, v35;
	v60, _, _ =	vpop (xrf2);
	v29 =	vadd.f32 v31, v29;
	v31 =	vmul.f32 v33, v5  }
0xae: {  	v45 =	vbroadcast v56, $0xF;
	v34 =	vmax.f32 v37, v59;
	v46 =	vld [tilespmem:s11+$0xFFFFFF90];
	v47 =	vmul.f32 $1.442695020e+00, v60  }
0xaf: {  	v24 =	vmovc v35;
	v37 =	vld [tilespmem:s16+$0x10];
	v35 =	vmul.f32 $2.000000030e-01, v40;
	v29 =	vadd.f32 v31, v29;
	v31 =	vmul.f32 v34, v3  }
0xb0: {  	(erf) = vpow2.f32 v45;
	v60 =	vld [tilespmem:s11+$0x0];
	v61, _, _ =	vpop (xrf2);
	v39 =	vbroadcast v47, $0xF  }
0xb1: {  	v35 =	vmax.f32 v40, v35;
	v61 =	vmul.f32 $1.442695020e+00, v61;
	v23 =	vmovc v22;
	v54 =	vadd.f32 v31, v29;
	v29 =	vld [tilespmem:s16+$0xFFFFFF00]  }
0xb2: {  	v55 =	vadd.f32 v57, v22;
	v22 =	vmov v42;
	v48, _, _ =	vpop (xrf2);
	(erf) = vpow2.f32 v39;
	v39 =	vld [tilespmem:s11+$0xFFFFFF20]  }
0xb3: {  	v46 =	vadd.f32 v46, v22;
	v34 =	vmul.f32 $1.442695020e+00, v48;
	v61 =	vbroadcast v61, $0xF;
	v31 =	vld [tilespmem:s16+$0xFFFFFF20];
	(xrf2) =	vadd.scan.msk.f32 $0xffff, v54  }
0xb4: {  	v41 =	vld [tilespmem:s16+$0xFFFFFFA0];
	v57 =	vmul.f32 $2.000000030e-01, v55;
	v48 =	vmul.f32 v35, v0  }
0xb5: {  	v44 =	vld [tilespmem:s11+$0xFFFFFFA0];
	v59 =	vmul.f32 $2.000000030e-01, v46;
	v60 =	vadd.f32 v60, v36;
	v56 =	vbroadcast v34, $0xF  }
0xb6: {  	v38 =	vld [tilespmem:s11+$0x20];
	(erf) = vpow2.f32 v61;
	v33 =	vmax.f32 v55, v57;
	v42 =	vadd.f32 v43, v29  }
0xb7: {  	v40 =	vld [tilespmem:s16+$0x20];
	v61 =	vadd.f32 v63, v37;
	v54 =	vmul.f32 $2.000000030e-01, v60;
	v55 =	vmax.f32 v46, v59  }
0xb8: {  	v47 =	vld [tilespmem:s11+$0xFFFFFFB0];
	(erf) = vpow2.f32 v56;
	v39 =	vadd.f32 v39, v31;
	v57 =	vmul.f32 $2.000000030e-01, v42  }
0xb9: {  	v34 =	vld [tilespmem:s16+$0xFFFFFF40];
	v56 =	vmul.f32 $2.000000030e-01, v61;
	v59 =	vmul.f32 v55, v0  }
0xba: {  	v63 =	vmul.f32 v33, v9;
	v33 =	vld [tilespmem:s16+$0xFFFFFF30];
	v55 =	vmul.f32 $2.000000030e-01, v39;
	v42 =	vmax.f32 v42, v57  }
0xbb: {  	v46 =	vld [tilespmem:s16+$0xFFFFFFB0];
	v43 =	vmax.f32 v60, v54;
	v54 =	vmax.f32 v61, v56;
	v56 =	vmul.f32 v42, v9  }
0xbc: {  	v44 =	vadd.f32 v44, v41;
	v61 =	vld [tilespmem:s11+$0xFFFFFF30];
	v57 =	vmul.f32 v54, v0;
	v54 =	vmax.f32 v39, v55;
	v39 =	vpop (erf)  }
0xbd: {  	v60 =	vadd.f32 v59, v63;
	v59, _, _ =	vpop (xrf2);
	v48 =	vadd.f32 v48, v56;
	v56 =	vmul.f32 v39, v51;
	v51 =	vld [tilespmem:$0x1FE80]  }
0xbe: {  	v63 =	vld [tilespmem:s11+$0xFFFFFFC0];
	v55 =	vmul.f32 $2.000000030e-01, v44;
	v0 =	vmul.f32 $1.442695020e+00, v59  }
0xbf: {  	v45 =	vmul.f32 v43, v9;
	v43 =	vld [tilespmem:s11+$0x30]  }
0xc0: {  	v42 =	vld [tilespmem:s16+$0x30];
	v35 =	vmul.f32 v54, v1;
	v54 =	vmax.f32 v44, v55;
	v0 =	vbroadcast v0, $0xF  }
0xc1: {  	v57 =	vadd.f32 v57, v45;
	v44 =	vld [tilespmem:s11+$0xFFFFFF40];
	v45 =	vmul.f32 v54, v1;
	v54 =	vmul.f32 v39, v52  }
0xc2: {  	v38 =	vadd.f32 v38, v40;
	v52 =	vld [tilespmem:s11+$0x40];
	(erf) = vpow2.f32 v0;
	v0 =	vmul.f32 v39, v51  }
0xc3: {  	v50 =	vmul.f32 v39, v50;
	v59 =	vadd.f32 v35, v48;
	v48 =	vld [tilespmem:s16+$0xFFFFFFC0]  }
0xc4: {  	s12 =	simm.s32 $0x51C0;
	v47 =	vadd.f32 v47, v46;
	v55 =	vmul.f32 $2.000000030e-01, v38;
	v60 =	vadd.f32 v45, v60;
	v45 =	vld [tilespmem:s16+$0x40];
	[tilespmem:$0x1FEA0] =	vst v0  }
0xc5: {  	v53 =	vmul.f32 v39, v53;
	[tilespmem:s12+$0x100] =	vst v50  }
0xc6: {  	v38 =	vmax.f32 v38, v55;
	v55 =	vmul.f32 v39, v49;
	v49 =	vmul.f32 $2.000000030e-01, v47;
	[tilespmem:s12+$0x110] =	vst v39  }
0xc7: {  	v35 =	vadd.f32 v61, v33;
	[tilespmem:s12+$0x90] =	vst v53  }
0xc8: {  	v58 =	vmul.f32 v39, v58;
	v49 =	vmax.f32 v47, v49;
	v47 =	vmul.f32 v38, v1;
	[tilespmem:s12+$0xA0] =	vst v54  }
0xc9: {  	v61 =	vmul.f32 $2.000000030e-01, v35;
	v49 =	vmul.f32 v49, v2;
	[tilespmem:s12+$0xB0] =	vst v55  }
0xca: {  	v43 =	vadd.f32 v43, v42;
	[tilespmem:s12+$0xC0] =	vst v56  }
0xcb: {  	v47 =	vadd.f32 v47, v57;
	v61 =	vmax.f32 v35, v61;
	v57 =	vadd.f32 v49, v60;
	v60 =	vld [tilespmem:$0x1FE90];
	[tilespmem:s12+$0xD0] =	vst v58  }
0xcc: {  	v1 =	vmul.f32 v39, v62;
	v62 =	vmul.f32 v61, v2;
	v61 =	vld [tilespmem:$0x1FEA0]  }
0xcd: {  	v44 =	vadd.f32 v44, v34;
	v0 =	vmul.f32 $2.000000030e-01, v43  }
0xce: {  	v35 =	vld [tilespmem:s16+$0xFFFFFF50]  }
0xcf: {  	v51 =	vld [tilespmem:s11+$0xFFFFFF50];
	v39 =	vadd.f32 v63, v48;
	v38 =	vmax.f32 v43, v0;
	v0 =	vmul.f32 $2.000000030e-01, v44  }
0xd0: {  	v50 =	vld [tilespmem:s16+$0xFFFFFFD0]  }
0xd1: {  	v52 =	vadd.f32 v52, v45;
	v49 =	vld [tilespmem:s16+$0x50];
	v43 =	vmax.f32 v44, v0;
	v44 =	vmul.f32 $2.000000030e-01, v39;
	[tilespmem:s12+$0xE0] =	vst v61  }
0xd2: {  	v0 =	vld [tilespmem:$0x1FEB0]  }
0xd3: {  	v63 =	vpop (erf);
	v55 =	vld [tilespmem:s11+$0x50];
	v39 =	vmax.f32 v39, v44;
	v44 =	vmul.f32 $2.000000030e-01, v52  }
0xd4: {  	v54 =	vld [tilespmem:s16+$0xFFFFFFE0];
	v56 =	vmul.f32 v63, v60;
	v39 =	vmul.f32 v39, v6;
	[tilespmem:s12+$0xF0] =	vst v1  }
0xd5: {  	v53 =	vadd.f32 v62, v59;
	v59 =	vld [tilespmem:s11+$0xFFFFFFD0];
	v38 =	vmul.f32 v38, v2;
	[tilespmem:s12+$0xFFFFFF60] =	vst v63  }
0xd6: {  	v44 =	vmax.f32 v52, v44;
	v57 =	vadd.f32 v39, v57;
	[tilespmem:s12+$0xFFFFFEE0] =	vst v56;
	v39 =	vld [tilespmem:s11+$0x60]  }
0xd7: {  	v62 =	vadd.f32 v38, v47;
	v56 =	vld [tilespmem:$0x1FEC0];
	v61 =	vmul.f32 v63, v0;
	v0 =	vmul.f32 v44, v6  }
0xd8: {  	v2 =	vld [tilespmem:s11+$0xFFFFFFE0];
	v51 =	vadd.f32 v51, v35  }
0xd9: {  	v43 =	vmul.f32 v43, v6;
	v6 =	vadd.f32 v0, v62;
	v62 =	vld [tilespmem:$0x1FED0]  }
0xda: {  	v38 =	vld [tilespmem:s16+$0xFFFFFF60];
	v58 =	vmul.f32 $2.000000030e-01, v51  }
0xdb: {  	v47 =	vld [tilespmem:s11+$0xFFFFFF60]  }
0xdc: {  	v52 =	vld [tilespmem:s16+$0x60];
	v1 =	vmax.f32 v51, v58;
	[tilespmem:$0x1FF20] =	vst v39;
	v56 =	vmul.f32 v63, v56  }
0xdd: {  	v53 =	vadd.f32 v43, v53;
	v58 =	vadd.f32 v55, v49;
	v44 =	vmul.f32 v1, v4;
	[tilespmem:s12+$0xFFFFFEF0] =	vst v61  }
0xde: {  	v59 =	vadd.f32 v59, v50;
	[tilespmem:s12+$0xFFFFFF00] =	vst v56;
	v43 =	vmul.f32 v63, v62  }
0xdf: {  	v1 =	vadd.f32 v44, v53;
	v44 =	vmul.f32 $2.000000030e-01, v58;
	v56 =	vld [tilespmem:$0x1FEE0]  }
0xe0: {  	v51 =	vmul.f32 $2.000000030e-01, v59;
	[tilespmem:s12+$0xFFFFFF10] =	vst v43  }
0xe1: {  	v60 =	vpop (erf);
	v43 =	vmax.f32 v58, v44;
	v58 =	vld [tilespmem:$0x1FEF0]  }
0xe2: {  	v55 =	vpop (erf);
	v51 =	vmax.f32 v59, v51  }
0xe3: {  	v59 =	vadd.f32 v47, v38;
	v51 =	vmul.f32 v51, v4;
	v61 =	vpop (erf);
	v47 =	vld [tilespmem:$0x1FF00]  }
0xe4: {  	v56 =	vmul.f32 v61, v56  }
0xe5: {  	s13 =	simm.s32 $0x5400;
	v57 =	vadd.f32 v51, v57  }
0xe6: {  	v39 =	vld [tilespmem:s16+$0xFFFFFF70];
	[tilespmem:s13+$0x100] =	vst v56;
	v44 =	vmul.f32 v63, v58  }
0xe7: {  	v62 =	vld [tilespmem:s11+$0xFFFFFF70];
	[tilespmem:$0x1FF60] =	vst v57  }
0xe8: {  	v58 =	vmul.f32 v63, v47;
	[tilespmem:s12+$0xFFFFFF20] =	vst v44  }
0xe9: {  	v56 =	vmul.f32 $2.000000030e-01, v59;
	v44 =	vld [tilespmem:$0x1FF10]  }
0xea: {  	v47 =	vld [tilespmem:$0x1FF20];
	[tilespmem:s12+$0xFFFFFF30] =	vst v58  }
0xeb: {  	v56 =	vmax.f32 v59, v56;
	v59 =	vld [tilespmem:$0x1FF30];
	_ =	sdelay $0x3  }
0xec: {  	v44 =	vmul.f32 v63, v44  }
0xed: {  	v58 =	vmul.f32 v63, v59  }
0xee: {  	[tilespmem:s12+$0xFFFFFF40] =	vst v44  }
0xef: {  	[tilespmem:s12+$0xFFFFFF50] =	vst v58  }
0xf0: {  	v58 =	vld [tilespmem:$0x1FF40];
	_ =	sdelay $0x2  }
0xf1: {  	v57 =	vadd.f32 v2, v54  }
0xf2: {  	v53 =	vmul.f32 v43, v4  }
0xf3: {  	v0 =	vmul.f32 $2.000000030e-01, v57;
	v43 =	vadd.f32 v47, v52;
	v47 =	vmul.f32 v60, v58  }
0xf4: {  	[tilespmem:s12+$0xFFFFFFF0] =	vst v60  }
0xf5: {  	v57 =	vmax.f32 v57, v0;
	[tilespmem:s12+$0xFFFFFF70] =	vst v47  }
0xf6: {  	v59 =	vmul.f32 v56, v5;
	v56 =	vmul.f32 v57, v5;
	v57 =	vld [tilespmem:$0x1FF50];
	_ =	sdelay $0x2  }
0xf7: {  	v51 =	vld [tilespmem:s16+$0xFFFFFFF0]  }
0xf8: {  	v2 =	vld [tilespmem:s11+$0xFFFFFFF0]  }
0xf9: {  	v47 =	vmul.f32 v60, v57;
	v57 =	vadd.f32 v59, v1;
	v59 =	vld [tilespmem:$0x1FF60];
	[tilespmem:s12+$0x80] =	vst v55  }
0xfa: {  	v63 =	vadd.f32 v53, v6;
	v53 =	vld [tilespmem:s16+$0x70];
	[tilespmem:s13+$0x110] =	vst v61  }
0xfb: {  	v6 =	vld [tilespmem:s11+$0x70];
	v44 =	vadd.f32 v62, v39;
	v62 =	vmul.f32 $2.000000030e-01, v43;
	[tilespmem:s12+$0xFFFFFF80] =	vst v47  }
0xfc: {  	v47 =	vld [tilespmem:$0x1FF70]  }
0xfd: {  	v43 =	vmax.f32 v43, v62;
	v62 =	vmul.f32 $2.000000030e-01, v44  }
0xfe: {  	v43 =	vmul.f32 v43, v5;
	v58 =	vadd.f32 v2, v51  }
0xff: {  	v62 =	vmax.f32 v44, v62  }
0x100: {  	v44 =	vadd.f32 v43, v63;
	v62 =	vmul.f32 v62, v3;
	v63 =	vmul.f32 $2.000000030e-01, v58  }
0x101: {  	s17 =	simm.s32 $0x5A0;
	v4 =	vmovc v9;
	s16 =	simm.s32 $0x4;
	v56 =	vadd.f32 v56, v59;
	v59 =	vadd.f32 v6, v53;
	v47 =	vmul.f32 v60, v47  }
.LBB2_3:
0x102: {  	v0 =	vld [tilespmem:s17+$0xB0]  }
0x103: {  	v9 =	vld [tilespmem:$0x1FF90]  }
0x104: {  	v2 =	vmov v41;
	v41 =	vmov v46;
	v3 =	vmov v36;
	v36 =	vld [tilespmem:s17+$0xA0]  }
0x105: {  	[tilespmem:$0x1FE60] =	vst v41;
	v41 =	vld [tilespmem:s17+$0x80]  }
0x106: {  	s11 =	sadd.s32 $0x200, s11;
	[tilespmem:s12+$0xFFFFFF90] =	vst v47;
	v47 =	vld [tilespmem:s17+$0x90]  }
0x107: {  	v14 =	vmul.f32 v60, v14;
	v46 =	vadd.f32 v62, v57;
	v57 =	vld [tilespmem:s11+$0xA0]  }
0x108: {  	v18 =	vmul.f32 v55, v18;
	v58 =	vmax.f32 v58, v63;
	v63 =	vmul.f32 $2.000000030e-01, v59;
	[tilespmem:$0x1FE70] =	vst v2;
	v2 =	vld [tilespmem:$0x1FFD0]  }
0x109: {  	v26 =	vmul.f32 v55, v26;
	[tilespmem:s12+$0xFFFFFFB0] =	vst v14;
	v14 =	vld [tilespmem:$0x1FFB0]  }
0x10a: {  	v62 =	vmax.f32 v59, v63;
	v63 =	vmul.f32 v60, v20;
	v20 =	vmul.f32 v60, v28;
	v28 =	vld [tilespmem:s11+$0x80]  }
0x10b: {  	v32 =	vmul.f32 v60, v32;
	[tilespmem:$0x1FE50] =	vst v3;
	(xrf2) =	vadd.scan.msk.f32 $0xffff, v46;
	v46 =	vld [tilespmem:s11+$0x90]  }
0x10c: {  	[tilespmem:s12+$0x50] =	vst v18;
	v18 =	vmov v49;
	v49 =	vld [tilespmem:s11+$0xF0]  }
0x10d: {  	[tilespmem:s12+$0xFFFFFFE0] =	vst v32;
	v59 =	vmul.f32 v55, v10;
	v10 =	vld [tilespmem:$0x1FFC0]  }
0x10e: {  	[tilespmem:s12+$0x60] =	vst v26;
	v26 =	vmov v52;
	v52 =	vld [tilespmem:s11+$0xFFFFFF20]  }
0x10f: {  	v1 =	vmul.f32 v60, v11;
	v43 =	vmul.f32 v58, v9;
	[tilespmem:s12+$0xFFFFFFC0] =	vst v63;
	v63 =	vld [tilespmem:s11+$0xB0]  }
0x110: {  	v30 =	vmul.f32 v55, v30;
	v32 =	vmul.f32 v61, v16;
	v11 =	vmovc v48;
	[tilespmem:s12+$0xFFFFFFD0] =	vst v20;
	v16 =	vmov v41;
	v41 =	vld [tilespmem:s17+$0xC0]  }
0x111: {  	v48 =	vmul.f32 v61, v19;
	[tilespmem:s12+$0xFFFFFFA0] =	vst v1;
	v1 =	vmul.f32 v55, v13;
	v13 =	vld [tilespmem:$0x1FFA0];
	v56 =	vadd.f32 v43, v56  }
0x112: {  	v19 =	vmovc v36;
	v43 =	vmul.f32 v62, v9;
	v62 =	vmovc v37;
	v20 =	vmov v50;
	v50 =	vmul.f32 v61, v21;
	v21 =	vld [tilespmem:s17+$0xE0]  }
0x113: {  	v60 =	vmul.f32 v55, v12;
	v58 =	vmul.f32 v55, v7;
	[tilespmem:$0x1FE40] =	vst v62;
	v62 =	vadd.f32 v57, v19;
	v57 =	vld [tilespmem:s17+$0xF0]  }
0x114: {  	v37 =	vadd.f32 v43, v44;
	v44 =	vmul.f32 v55, v8;
	v55 =	vmul.f32 v61, v15;
	v15 =	vmovc v0;
	v0 =	vld [tilespmem:s17+$0xD0]  }
0x115: {  	[tilespmem:s12+$0x10] =	vst v59;
	v28 =	vadd.f32 v28, v16;
	(xrf2) =	vadd.scan.msk.f32 $0xffff, v56;
	v8 =	vmov v40;
	v40 =	vld [tilespmem:s11+$0xD0]  }
0x116: {  	v5 =	vmul.f32 $2.000000030e-01, v62;
	v43 =	vmovc v42;
	v42 =	vmul.f32 v61, v17;
	v17 =	vmov v47;
	(xrf2) =	vadd.scan.msk.f32 $0xffff, v37;
	v37 =	vld [tilespmem:s11+$0xC0]  }
0x117: {  	v12 =	vmov v45;
	[tilespmem:s12+$0x40] =	vst v60;
	v56 =	vld [tilespmem:s17+$0xFFFFFF10];
	v7 =	vmul.f32 $2.000000030e-01, v28;
	v46 =	vadd.f32 v46, v17  }
0x118: {  	v45 =	vmul.f32 v61, v27;
	[tilespmem:s12+$0x20] =	vst v1;
	v1 =	vadd.f32 v63, v15;
	v60 =	vmax.f32 v62, v5;
	v5 =	vld [tilespmem:$0x1FFE0]  }
0x119: {  	[tilespmem:s12+$0x0] =	vst v58;
	v58 =	vmul.f32 v61, v25;
	v3 =	vmax.f32 v28, v7;
	v7 =	vld [tilespmem:$0x1FFF0];
	v59 =	vmul.f32 $2.000000030e-01, v46  }
0x11a: {  	v25 =	vmov v41;
	v47 =	vld [tilespmem:s17+$0xFFFFFF80];
	v61 =	vmul.f32 $2.000000030e-01, v1;
	v3 =	vmul.f32 v3, v4  }
0x11b: {  	[tilespmem:s12+$0x30] =	vst v44;
	v44 =	vld [tilespmem:s17+$0xFFFFFF90];
	v63, _, _ =	vpop (xrf2);
	v40 =	vadd.f32 v40, v0;
	v27 =	vmax.f32 v46, v59;
	v37 =	vadd.f32 v37, v25  }
0x11c: {  	[tilespmem:s12+$0x70] =	vst v30;
	v49 =	vadd.f32 v49, v57;
	v36 =	vmul.f32 $1.442695020e+00, v63;
	v46 =	vld [tilespmem:s11+$0xE0];
	v6 =	vmul.f32 v27, v2  }
0x11d: {  	v28 =	vmovc v54;
	v54 =	vld [tilespmem:s11+$0xFFFFFF00];
	v1 =	vmax.f32 v1, v61;
	[tilespmem:s13+$0x90] =	vst v32;
	v63 =	vmul.f32 $2.000000030e-01, v40;
	v30 =	vmul.f32 $2.000000030e-01, v37  }
0x11e: {  	v32 =	vmovc v51;
	v51 =	vld [tilespmem:s17+$0xFFFFFF20];
	v41 =	vmul.f32 v60, v5;
	v1 =	vmul.f32 v1, v7;
	v3 =	vadd.f32 v6, v3  }
0x11f: {  	[tilespmem:s13+$0xA0] =	vst v42;
	v62, _, _ =	vpop (xrf2);
	v27 =	vmov v0;
	v0 =	vld [tilespmem:s11+$0xFFFFFF10];
	v6 =	vmax.f32 v37, v30;
	v37 =	vmax.f32 v40, v63  }
0x120: {  	v61 =	vld [tilespmem:s11+$0xFFFFFF80];
	[tilespmem:s13+$0xB0] =	vst v48;
	v3 =	vadd.f32 v41, v3;
	v41 =	vmul.f32 $1.442695020e+00, v62;
	v59, _, _ =	vpop (xrf2);
	v60 =	vmul.f32 v6, v13  }
0x121: {  	[tilespmem:s13+$0xD0] =	vst v58;
	v48 =	vld [tilespmem:s11+$0x0];
	v42 =	vadd.f32 v46, v21;
	v58 =	vmul.f32 v37, v14;
	v46 =	vmul.f32 $1.442695020e+00, v59  }
0x122: {  	v63 =	vld [tilespmem:s11+$0xFFFFFF90];
	v30 =	vmovc v53;
	v53 =	vbroadcast v36, $0xF;
	v59 =	vmul.f32 $2.000000030e-01, v49;
	v1 =	vadd.f32 v1, v3  }
0x123: {  	v37 =	vld [tilespmem:s17+$0x10];
	v52 =	vadd.f32 v52, v51;
	v62 =	vmul.f32 $2.000000030e-01, v42;
	v41 =	vbroadcast v41, $0xF  }
0x124: {  	v36 =	vld [tilespmem:s17+$0x0];
	v0 =	vadd.f32 v0, v56;
	v46 =	vbroadcast v46, $0xF;
	v1 =	vadd.f32 v60, v1  }
0x125: {  	v40 =	vmax.f32 v42, v62;
	v42 =	vmax.f32 v49, v59;
	v49 =	vadd.f32 v61, v47;
	v61 =	vld [tilespmem:s11+$0x10]  }
0x126: {  	(erf) = vpow2.f32 v53;
	v59 =	vld [tilespmem:s17+$0xFFFFFF00];
	v40 =	vmul.f32 v40, v10;
	v1 =	vadd.f32 v58, v1  }
0x127: {  	v63 =	vadd.f32 v63, v44;
	(erf) = vpow2.f32 v41;
	v60 =	vmul.f32 $2.000000030e-01, v0  }
0x128: {  	v62 =	vmul.f32 v42, v9;
	(erf) = vpow2.f32 v46;
	v1 =	vadd.f32 v40, v1  }
0x129: {  	[tilespmem:s13+$0xC0] =	vst v55;
	v41 =	vld [tilespmem:s17+$0xFFFFFFA0];
	v58 =	vmul.f32 $2.000000030e-01, v49;
	v0 =	vmax.f32 v0, v60;
	v60 =	vmul.f32 $2.000000030e-01, v63  }
0x12a: {  	[tilespmem:s13+$0xE0] =	vst v45;
	v42 =	vld [tilespmem:s11+$0xFFFFFFA0];
	v48 =	vadd.f32 v48, v36;
	v0 =	vmul.f32 v0, v2;
	v1 =	vadd.f32 v62, v1  }
0x12b: {  	[tilespmem:s13+$0xF0] =	vst v50;
	v55 =	vld [tilespmem:s11+$0x20];
	v40 =	vmax.f32 v63, v60;
	v61 =	vadd.f32 v61, v37;
	v62 =	vadd.f32 v54, v59  }
0x12c: {  	v50 =	vld [tilespmem:s11+$0xFFFFFF30];
	v45 =	vmax.f32 v49, v58;
	v58 =	vmul.f32 $2.000000030e-01, v48;
	v63 =	vmul.f32 v40, v2;
	(xrf2) =	vadd.scan.msk.f32 $0xffff, v1  }
0x12d: {  	v40 =	vld [tilespmem:s17+$0x20];
	v60 =	vmul.f32 $2.000000030e-01, v61;
	v3 =	vmul.f32 $2.000000030e-01, v62  }
0x12e: {  	v53 =	vld [tilespmem:s17+$0xFFFFFF30];
	v48 =	vmax.f32 v48, v58;
	v54 =	vmul.f32 $2.000000030e-01, v52;
	v1 =	vmul.f32 v45, v4  }
0x12f: {  	v46 =	vld [tilespmem:s17+$0xFFFFFFB0];
	v45 =	vmax.f32 v61, v60;
	v61 =	vadd.f32 v42, v41;
	v49 =	vmax.f32 v62, v3  }
0x130: {  	v48 =	vmul.f32 v48, v4;
	v52 =	vmax.f32 v52, v54;
	v62 =	vld [tilespmem:s11+$0xFFFFFFB0];
	v49 =	vmul.f32 v49, v4  }
0x131: {  	v58 =	vpop (erf);
	v42 =	vld [tilespmem:s17+$0x30];
	v1 =	vadd.f32 v63, v1;
	v45 =	vmul.f32 v45, v2;
	v4 =	vmul.f32 $2.000000030e-01, v61  }
0x132: {  	[tilespmem:s13+$0xFFFFFF60] =	vst v58;
	v2 =	vld [tilespmem:s11+$0x30];
	v63 =	vadd.f32 v55, v40;
	v0 =	vadd.f32 v0, v49;
	v49 =	vmul.f32 v52, v5  }
0x133: {  	v3 =	vld [tilespmem:s17+$0xFFFFFF40];
	v60 =	vpop (erf);
	v52 =	vadd.f32 v45, v48;
	v45 =	vadd.f32 v50, v53;
	v61 =	vmax.f32 v61, v4  }
0x134: {  	[tilespmem:s13+$0xFFFFFFF0] =	vst v60;
	v50 =	vmul.f32 $2.000000030e-01, v63;
	v61 =	vmul.f32 v61, v5;
	v0 =	vadd.f32 v49, v0;
	v49 =	vld [tilespmem:s11+$0xFFFFFF40]  }
0x135: {  	v55 =	vpop (erf);
	v48 =	vld [tilespmem:s17+$0xFFFFFFC0];
	v4 =	vmul.f32 $2.000000030e-01, v45;
	v62 =	vadd.f32 v62, v46  }
0x136: {  	v33 =	vmul.f32 v58, v33;
	v50 =	vmax.f32 v63, v50;
	v1 =	vadd.f32 v61, v1;
	v61 =	vld [tilespmem:s11+$0xFFFFFFC0];
	v54, _, _ =	vpop (xrf2)  }
0x137: {  	v6 =	vld [tilespmem:s17+$0xFFFFFF50];
	[tilespmem:s13+$0x80] =	vst v55;
	v4 =	vmax.f32 v45, v4;
	v63 =	vmul.f32 $2.000000030e-01, v62;
	v54 =	vmul.f32 $1.442695020e+00, v54  }
0x138: {  	v2 =	vadd.f32 v2, v42;
	v50 =	vmul.f32 v50, v5;
	v5 =	vld [tilespmem:s11+$0x40];
	v4 =	vmul.f32 v4, v7  }
0x139: {  	v45 =	vld [tilespmem:s17+$0x40];
	v63 =	vmax.f32 v62, v63;
	v49 =	vadd.f32 v49, v3;
	v54 =	vbroadcast v54, $0xF  }
0x13a: {  	v0 =	vadd.f32 v4, v0;
	v4 =	vld [tilespmem:s11+$0xFFFFFF50];
	v62 =	vmul.f32 v63, v7;
	v63 =	vmul.f32 v58, v29  }
0x13b: {  	v61 =	vadd.f32 v61, v48;
	(erf) = vpow2.f32 v54;
	v54 =	vmul.f32 $2.000000030e-01, v2  }
0x13c: {  	v52 =	vadd.f32 v50, v52;
	v50 =	vld [tilespmem:s17+$0xFFFFFFD0];
	v29 =	vmovc v59;
	v59 =	vmul.f32 $2.000000030e-01, v49;
	v1 =	vadd.f32 v62, v1  }
0x13d: {  	v62 =	vld [tilespmem:s11+$0xFFFFFFD0];
	[tilespmem:s13+$0xFFFFFEE0] =	vst v63;
	v63 =	vmul.f32 $2.000000030e-01, v61;
	v2 =	vmax.f32 v2, v54;
	v54 =	vmul.f32 v58, v24  }
0x13e: {  	v5 =	vadd.f32 v5, v45;
	v59 =	vmax.f32 v49, v59;
	v49 =	vld [tilespmem:s17+$0x50];
	v24 =	vmovc v56;
	v2 =	vmul.f32 v2, v7  }
0x13f: {  	v56 =	vmul.f32 v59, v13;
	v59 =	vld [tilespmem:s11+$0x50];
	v4 =	vadd.f32 v4, v6;
	[tilespmem:s13+$0xFFFFFEF0] =	vst v54;
	v54 =	vmax.f32 v61, v63  }
0x140: {  	v63 =	vmul.f32 $2.000000030e-01, v5;
	v2 =	vadd.f32 v2, v52;
	v52 =	vmul.f32 v58, v31;
	v7 =	vld [tilespmem:s17+$0xFFFFFF60]  }
0x141: {  	v0 =	vadd.f32 v56, v0;
	v31 =	vmov v51;
	v51 =	vld [tilespmem:s11+$0xFFFFFF60];
	v56 =	vmul.f32 v54, v13;
	[tilespmem:s13+$0xFFFFFF10] =	vst v33  }
0x142: {  	v62 =	vadd.f32 v62, v50;
	v54 =	vld [tilespmem:s17+$0xFFFFFFE0];
	v5 =	vmax.f32 v5, v63;
	[tilespmem:s13+$0xFFFFFF00] =	vst v52;
	v52 =	vmul.f32 $2.000000030e-01, v4  }
0x143: {  	v33 =	vmovc v53;
	v53 =	vmul.f32 v58, v34;
	v1 =	vadd.f32 v56, v1;
	v56 =	vld [tilespmem:s11+$0xFFFFFFE0];
	v5 =	vmul.f32 v5, v13  }
0x144: {  	v63 =	vmul.f32 $2.000000030e-01, v62;
	v59 =	vadd.f32 v59, v49;
	v61 =	vpop (erf);
	v4 =	vmax.f32 v4, v52;
	v52 =	vld [tilespmem:s17+$0x60]  }
0x145: {  	v2 =	vadd.f32 v5, v2;
	v5 =	vld [tilespmem:s11+$0x60];
	v57 =	vmul.f32 v61, v57;
	v4 =	vmul.f32 v4, v14  }
0x146: {  	s12 =	smov.u32 s13;
	v34 =	vmovc v3;
	v13 =	vmovc v8;
	s13 =	sadd.s32 $0x240, s13;
	v3 =	vld [tilespmem:s11+$0xFFFFFF70];
	v8 =	vadd.f32 v51, v7;
	v51 =	vmax.f32 v62, v63;
	v62 =	vmul.f32 $2.000000030e-01, v59  }
0x147: {  	[tilespmem:s13+$0x100] =	vst v57;
	v57 =	vld [tilespmem:s17+$0xFFFFFF70];
	v0 =	vadd.f32 v4, v0;
	v4 =	vmul.f32 v51, v14  }
0x148: {  	[tilespmem:s12+$0xFFFFFF20] =	vst v53;
	v53 =	vmul.f32 v58, v35;
	v63 =	vmul.f32 $2.000000030e-01, v8;
	v51 =	vld [tilespmem:s17+$0xFFFFFFF0];
	v59 =	vmax.f32 v59, v62  }
0x149: {  	v56 =	vadd.f32 v56, v54;
	v35 =	vmovc v6;
	v6 =	vmul.f32 v59, v14;
	v1 =	vadd.f32 v4, v1;
	v4 =	vld [tilespmem:s11+$0xFFFFFFF0]  }
0x14a: {  	v59 =	vmul.f32 v58, v38;
	v8 =	vmax.f32 v8, v63;
	v5 =	vadd.f32 v5, v52  }
0x14b: {  	v38 =	vmov v7;
	v62 =	vmul.f32 $2.000000030e-01, v56;
	v7 =	vmul.f32 v8, v10  }
0x14c: {  	[tilespmem:s12+$0xFFFFFF40] =	vst v59;
	v8 =	vmul.f32 v58, v39;
	v59 =	vmul.f32 $2.000000030e-01, v5  }
0x14d: {  	v56 =	vmax.f32 v56, v62;
	v3 =	vadd.f32 v3, v57;
	v39 =	vmovc v57;
	v57 =	vadd.f32 v7, v0  }
0x14e: {  	[tilespmem:s12+$0xFFFFFF30] =	vst v53;
	v0 =	vmul.f32 v56, v10;
	v58 =	vadd.f32 v4, v51;
	v4 =	vmax.f32 v5, v59  }
0x14f: {  	v53 =	vld [tilespmem:s17+$0x70];
	v2 =	vadd.f32 v6, v2;
	v7 =	vmul.f32 v60, v23;
	v23 =	vmovc v47;
	v47 =	vmul.f32 v4, v10  }
0x150: {  	s16 =	sadd.s32 $0x4, s16;
	v6 =	vld [tilespmem:s11+$0x70]  }
0x151: {  	p0 =	slt.u32 s16, $0x24;
	v56 =	vadd.f32 v0, v1;
	v1 =	vmul.f32 v60, v22;
	v22 =	vmovc v44;
	v44 =	vadd.f32 v47, v2;
	v47 =	vld [tilespmem:$0x1FE70]  }
.Ltmp0:
0x152: {  	_ = 	snop;
	(pc) =	sbr.rel @p0 .LBB2_3-.Ltmp0, $4  }
0x153: {  	[tilespmem:s13+$0x110] =	vst v61;
	v14 =	vmov v11;
	v11 =	vld [tilespmem:$0x1FE60];
	v62 =	vmul.f32 $2.000000030e-01, v3  }
0x154: {  	[tilespmem:s12+$0xFFFFFF70] =	vst v7;
	v7 =	vld [tilespmem:$0x1FE50]  }
0x155: {  	[tilespmem:s12+$0xFFFFFF50] =	vst v8;
	v8 =	vmov v43;
	v10 =	vld [tilespmem:$0x1FE40];
	v3 =	vmax.f32 v3, v62;
	v63 =	vmul.f32 $2.000000030e-01, v58  }
0x156: {  	s17 =	sadd.s32 $0x200, s17;
	v4 =	vld [tilespmem:$0x1FF80];
	v59 =	vadd.f32 v6, v53;
	[tilespmem:s12+$0xFFFFFF80] =	vst v1;
	v62 =	vmul.f32 v3, v9;
	v47 =	vmul.f32 v60, v47  }
0x157: {  	_ = 	snop  }
0x158: {  	v2 =	vadd.f32 v62, v57;
	_ =	sdelay $0x1  }
0x159: {  	(xrf2) =	vadd.scan.msk.f32 $0xffff, v2  }
0x15a: {  	v3 =	vld [tilespmem:$0x1FF90];
	_ =	sdelay $0x2  }
0x15b: {  	v6 =	vmul.f32 v60, v14;
	v0 =	vmul.f32 $2.000000030e-01, v59  }
0x15c: {  	v1 =	vmax.f32 v58, v63;
	v43 =	vmul.f32 v60, v20;
	[tilespmem:s12+$0xFFFFFF90] =	vst v47  }
0x15d: {  	v58 =	vmul.f32 v55, v13;
	[tilespmem:s12+$0xFFFFFFB0] =	vst v6;
	v0 =	vmax.f32 v59, v0;
	v1 =	vmul.f32 v1, v3  }
0x15e: {  	v5 =	vmul.f32 v60, v11;
	[tilespmem:s12+$0xFFFFFFC0] =	vst v43;
	v0 =	vmul.f32 v0, v3  }
0x15f: {  	v47 =	vmul.f32 v60, v32;
	[tilespmem:s12+$0x20] =	vst v58;
	v1 =	vadd.f32 v1, v56  }
0x160: {  	v6 =	vmul.f32 v55, v26;
	[tilespmem:s12+$0xFFFFFFA0] =	vst v5;
	v0 =	vadd.f32 v0, v44  }
0x161: {  	v58 =	vmul.f32 v61, v15;
	[tilespmem:s12+$0xFFFFFFE0] =	vst v47;
	(xrf2) =	vadd.scan.msk.f32 $0xffff, v1;
	v63, _, _ =	vpop (xrf2)  }
0x162: {  	v57 =	vmul.f32 v55, v10;
	[tilespmem:s12+$0x60] =	vst v6;
	(xrf2) =	vadd.scan.msk.f32 $0xffff, v0;
	v0 =	vmul.f32 $1.442695020e+00, v63  }
0x163: {  	v59 =	vmul.f32 v55, v8;
	[tilespmem:s13+$0xC0] =	vst v58  }
0x164: {  	v5 =	vmul.f32 v55, v18;
	[tilespmem:s12+$0x10] =	vst v57;
	v0 =	vbroadcast v0, $0xF  }
0x165: {  	v47 =	vmul.f32 v55, v30;
	[tilespmem:s12+$0x30] =	vst v59  }
0x166: {  	[tilespmem:s12+$0x50] =	vst v5;
	v57 =	vmul.f32 v61, v19;
	(erf) = vpow2.f32 v0  }
0x167: {  	[tilespmem:s12+$0x70] =	vst v47;
	v59 =	vmul.f32 v61, v25  }
0x168: {  	v44 =	vmul.f32 v60, v28;
	[tilespmem:s13+$0xB0] =	vst v57  }
0x169: {  	v56 =	vmul.f32 v55, v7;
	[tilespmem:s13+$0xD0] =	vst v59  }
0x16a: {  	v60 =	vmul.f32 v55, v12;
	[tilespmem:s12+$0xFFFFFFD0] =	vst v44  }
0x16b: {  	v55 =	vmul.f32 v61, v16;
	[tilespmem:s12+$0x0] =	vst v56;
	v32, _, _ =	vpop (xrf2)  }
0x16c: {  	[tilespmem:s12+$0x40] =	vst v60;
	v56 =	vmul.f32 v61, v17;
	v2 =	vmul.f32 $1.442695020e+00, v32;
	v43, _, _ =	vpop (xrf2)  }
0x16d: {  	[tilespmem:s13+$0x90] =	vst v55;
	v60 =	vmul.f32 v61, v27;
	v44 =	vmul.f32 $1.442695020e+00, v43  }
0x16e: {  	v61 =	vmul.f32 v61, v21;
	[tilespmem:s13+$0xA0] =	vst v56;
	v2 =	vbroadcast v2, $0xF  }
0x16f: {  	[tilespmem:s13+$0xE0] =	vst v60;
	v1 =	vbroadcast v44, $0xF;
	v63 =	vpop (erf)  }
0x170: {  	[tilespmem:s13+$0xF0] =	vst v61;
	(erf) = vpow2.f32 v2;
	v32 =	vmul.f32 v63, v29  }
0x171: {  	(erf) = vpow2.f32 v1;
	[tilespmem:s13+$0xFFFFFF60] =	vst v63;
	v43 =	vmul.f32 v63, v24  }
0x172: {  	v44 =	vmul.f32 v63, v31;
	[tilespmem:s13+$0xFFFFFEE0] =	vst v32  }
0x173: {  	v47 =	vmul.f32 v63, v33;
	[tilespmem:s13+$0xFFFFFEF0] =	vst v43  }
0x174: {  	v55 =	vmul.f32 v63, v34;
	[tilespmem:s13+$0xFFFFFF00] =	vst v44  }
0x175: {  	v56 =	vmul.f32 v63, v35;
	[tilespmem:s13+$0xFFFFFF10] =	vst v47  }
0x176: {  	v57 =	vmul.f32 v63, v38;
	[tilespmem:s13+$0xFFFFFF20] =	vst v55  }
0x177: {  	v0 =	vmul.f32 v63, v39;
	[tilespmem:s13+$0xFFFFFF30] =	vst v56  }
0x178: {  	[tilespmem:s13+$0xFFFFFF40] =	vst v57  }
0x179: {  	[tilespmem:s13+$0xFFFFFF50] =	vst v0;
	v1 =	vpop (erf)  }
0x17a: {  	[tilespmem:s13+$0xFFFFFFF0] =	vst v1;
	v2 =	vpop (erf);
	v58 =	vmul.f32 v1, v23  }
0x17b: {  	v59 =	vmul.f32 v1, v22;
	[tilespmem:s13+$0x80] =	vst v2  }
0x17c: {  	v60 =	vmul.f32 v1, v41;
	[tilespmem:s13+$0xFFFFFF70] =	vst v58  }
0x17d: {  	v61 =	vmul.f32 v1, v46;
	[tilespmem:s13+$0xFFFFFF80] =	vst v59  }
0x17e: {  	v63 =	vmul.f32 v1, v48;
	[tilespmem:s13+$0xFFFFFF90] =	vst v60  }
0x17f: {  	v32 =	vmul.f32 v1, v50;
	[tilespmem:s13+$0xFFFFFFA0] =	vst v61  }
0x180: {  	v33 =	vmul.f32 v1, v54;
	[tilespmem:s13+$0xFFFFFFB0] =	vst v63  }
0x181: {  	v1 =	vmul.f32 v1, v51;
	[tilespmem:s13+$0xFFFFFFC0] =	vst v32  }
0x182: {  	v34 =	vmul.f32 v2, v36;
	[tilespmem:s13+$0xFFFFFFD0] =	vst v33  }
0x183: {  	v35 =	vmul.f32 v2, v37;
	[tilespmem:s13+$0xFFFFFFE0] =	vst v1  }
0x184: {  	v36 =	vmul.f32 v2, v40;
	[tilespmem:s13+$0x0] =	vst v34  }
0x185: {  	v37 =	vmul.f32 v2, v42;
	[tilespmem:s13+$0x10] =	vst v35  }
0x186: {  	v38 =	vmul.f32 v2, v45;
	[tilespmem:s13+$0x20] =	vst v36  }
0x187: {  	v39 =	vmul.f32 v2, v49;
	[tilespmem:s13+$0x30] =	vst v37  }
0x188: {  	v40 =	vmul.f32 v2, v52;
	[tilespmem:s13+$0x40] =	vst v38  }
0x189: {  	s11 =	sshll.u32 s10, $0x1;
	v2 =	vmul.f32 v2, v53;
	[tilespmem:s13+$0x50] =	vst v39  }
0x18a: {  	s20 =	smin.u32 s11, $0xF7;
	[tilespmem:s13+$0x60] =	vst v40  }
0x18b: {  	s12 =	smul.u32 $0x28, s20;
	[tilespmem:s13+$0x70] =	vst v2  }
0x18c: {  	[spmem:s4] =	stream.indirect.scatter.add.f32 [tilespmem:s3], [sflag:$0x5], $0x90, s22, s23, $0xb8;
	[tilespmem:$0x1DDB0] =	vst v63  }
0x18d: {  	s12 =	sadd.s32 s12, s14;
	_ =	swait.ge [sflag:s19], $0x1680  }
0x18e: {  	s12 =	sshrl.u32 s12, $0x3;
	[sflag:s19] =	ssyncset.done $0x0  }
0x18f: {  	s16 =	sadd.s32 s7, s12;
	[sflag:s19] =	ssyncadd.s32 $0xFFFFE980  }
0x190: {  	[tilespmem:s5], [sflag:$0x3] =	stream.linear.gather [hbm4b:s16+s5], $0x28, $0x38;
	[tilespmem:$0x1DDB0] =	vst v63  }
0x191: {  	s12 =	sadd.s32 s8, s12  }
0x192: {  	[tilespmem:s22], [sflag:$0x3] =	stream.linear.gather [hbm4b:s12+s5], $0x28, $0x38;
	[tilespmem:$0x1DDB0] =	vst v63  }
0x193: {  	_ =	swait.ge [sflag:s2], $0x1400  }
0x194: {  	[sflag:s2] =	ssyncset.done $0x0  }
0x195: {  	[sflag:s2] =	ssyncadd.s32 $0xFFFFEC00  }
0x196: {  	_ =	swait.ge [sflag:s2], $0x1400  }
0x197: {  	[sflag:s2] =	ssyncset.done $0x0  }
0x198: {  	[sflag:s2] =	ssyncadd.s32 $0xFFFFEC00  }
0x199: {  	_ =	swait.ge [sflag:s25], $0x28  }
0x19a: {  	[sflag:s25] =	ssyncset.done $0x0  }
0x19b: {  	[sflag:s25] =	ssyncadd.s32 $0xFFFFFFD8  }
0x19c: {  	_ =	swait.ge [sflag:s25], $0x28  }
0x19d: {  	[sflag:s25] =	ssyncset.done $0x0  }
0x19e: {  	[sflag:s25] =	ssyncadd.s32 $0xFFFFFFD8  }
0x19f: {  	[tilespmem:s26], [sflag:$0x1] =	stream.indirect.gather [hbm4b:s1+s23], $0x80, s5, s23, $0xb8;
	[tilespmem:$0x1DDB0] =	vst v63  }
0x1a0: {  	s17 =	simm.s32 $0x1690  }
0x1a1: {  	[tilespmem:s28], [sflag:$0x1] =	stream.indirect.gather [hbm4b:s6+s23], $0x80, s22, s23, $0xb8;
	[tilespmem:$0x1DDB0] =	vst v63  }
0x1a2: {  	v44 =	vld [tilespmem:s17+$0xFFFFFFC0]  }
0x1a3: {  	v45 =	vld [tilespmem:s17+$0xFFFFFF90]  }
0x1a4: {  	v50 =	vld [tilespmem:s17+$0xFFFFFFA0]  }
0x1a5: {  	s20 =	simm.s32 $0x3E90;
	v21 =	vld [tilespmem:s17+$0xFFFFFE20]  }
0x1a6: {  	v41 =	vld [tilespmem:s20+$0xFFFFFF90]  }
0x1a7: {  	v42 =	vld [tilespmem:s20+$0xFFFFFFA0]  }
0x1a8: {  	v54 =	vld [tilespmem:s17+$0xFFFFFFB0]  }
0x1a9: {  	v43 =	vld [tilespmem:s20+$0xFFFFFFB0]  }
0x1aa: {  	v46 =	vld [tilespmem:s20+$0xFFFFFFC0];
	[tilespmem:$0x1FDC0] =	vst v21  }
0x1ab: {  	v55 =	vld [tilespmem:s17+$0xFFFFFFD0]  }
0x1ac: {  	v47 =	vld [tilespmem:s20+$0xFFFFFFD0]  }
0x1ad: {  	v49 =	vld [tilespmem:s17+$0xFFFFFFE0]  }
0x1ae: {  	v56 =	vld [tilespmem:s20+$0xFFFFFFE0]  }
0x1af: {  	v51 =	vld [tilespmem:s17+$0xFFFFFFF0]  }
0x1b0: {  	v12 =	vld [tilespmem:s17+$0xFFFFFE90]  }
0x1b1: {  	v57 =	vld [tilespmem:s20+$0xFFFFFFF0]  }
0x1b2: {  	v48 =	vld [tilespmem:s17+$0x0]  }
0x1b3: {  	v58 =	vld [tilespmem:s20+$0x0]  }
0x1b4: {  	v13 =	vld [tilespmem:s20+$0xFFFFFE10]  }
0x1b5: {  	v17 =	vld [tilespmem:s20+$0xFFFFFE20];
	[tilespmem:$0x1FE10] =	vst v12  }
0x1b6: {  	v11 =	vld [tilespmem:s17+$0xFFFFFEA0];
	_ =	sdelay $0x3  }
0x1b7: {  	v38 =	vld [tilespmem:$0x1FFD0]  }
0x1b8: {  	v10 =	vld [tilespmem:$0x1FFE0];
	[tilespmem:$0x1FE20] =	vst v11  }
0x1b9: {  	v18 =	vld [tilespmem:s20+$0xFFFFFE90]  }
0x1ba: {  	v1 =	vadd.f32 v42, v50;
	v14 =	vld [tilespmem:s20+$0xFFFFFEA0]  }
0x1bb: {  	v26 =	vld [tilespmem:s17+$0xFFFFFE30]  }
0x1bc: {  	v15 =	vmul.f32 $2.000000030e-01, v1;
	v19 =	vld [tilespmem:s17+$0xFFFFFF10]  }
0x1bd: {  	v20 =	vld [tilespmem:s17+$0xFFFFFF20]  }
0x1be: {  	v1 =	vmax.f32 v1, v15;
	v15 =	vld [tilespmem:s20+$0xFFFFFF10]  }
0x1bf: {  	v0 =	vadd.f32 v41, v45;
	v16 =	vld [tilespmem:s20+$0xFFFFFF20]  }
0x1c0: {  	v52 =	vld [tilespmem:s17+$0xFFFFFE10];
	[tilespmem:$0x1FDD0] =	vst v26  }
0x1c1: {  	v2 =	vadd.f32 v43, v54;
	v9 =	vmul.f32 $2.000000030e-01, v0;
	v23 =	vld [tilespmem:s17+$0xFFFFFEB0];
	_ =	sdelay $0x1  }
0x1c2: {  	v8 =	vmovc v4;
	v62 =	vmovc v3;
	v3 =	vadd.f32 v46, v44;
	v0 =	vmax.f32 v0, v9;
	v9 =	vmul.f32 $2.000000030e-01, v2  }
0x1c3: {  	v53 =	vld [tilespmem:$0x1FFA0];
	v0 =	vmul.f32 v0, v8  }
0x1c4: {  	v43 =	vld [tilespmem:$0x1FFF0];
	v1 =	vmul.f32 v1, v38;
	v2 =	vmax.f32 v2, v9;
	v9 =	vmul.f32 $2.000000030e-01, v3  }
0x1c5: {  	v59 =	vmul.f32 v2, v10;
	v2 =	vld [tilespmem:s20+$0xFFFFFE30];
	[tilespmem:$0x1FE30] =	vst v23  }
0x1c6: {  	v0 =	vadd.f32 v1, v0;
	v60 =	vmax.f32 v3, v9;
	v9 =	vadd.f32 v18, v12;
	v12 =	vld [tilespmem:s17+$0xFFFFFE40]  }
0x1c7: {  	v6 =	vadd.f32 v57, v51;
	v57 =	vld [tilespmem:$0x1FFB0]  }
0x1c8: {  	v0 =	vadd.f32 v59, v0;
	v59 =	vld [tilespmem:$0x1FFC0]  }
0x1c9: {  	v4 =	vadd.f32 v47, v55;
	v34 =	vld [tilespmem:s20+$0xFFFFFEB0]  }
0x1ca: {  	v5 =	vadd.f32 v56, v49;
	v24 =	vld [tilespmem:s17+$0xFFFFFF30]  }
0x1cb: {  	v37 =	vadd.f32 v17, v21;
	v61 =	vmul.f32 $2.000000030e-01, v4;
	v17 =	vld [tilespmem:s20+$0xFFFFFF30];
	[tilespmem:$0x1FDE0] =	vst v12  }
0x1cc: {  	v32 =	vmul.f32 $2.000000030e-01, v5;
	v63 =	vmul.f32 v60, v43;
	v18 =	vld [tilespmem:s20+$0xFFFFFE40]  }
0x1cd: {  	v3 =	vmax.f32 v4, v61;
	v42 =	vadd.f32 v14, v11;
	v14 =	vmul.f32 $2.000000030e-01, v9;
	v25 =	vld [tilespmem:s17+$0xFFFFFEC0]  }
0x1ce: {  	v7 =	vadd.f32 v58, v48;
	v0 =	vadd.f32 v63, v0;
	v33 =	vmul.f32 v3, v53;
	v47 =	vld [tilespmem:s20+$0xFFFFFEC0];
	[tilespmem:$0x1FD80] =	vst v19  }
0x1cf: {  	v35 =	vmul.f32 $2.000000030e-01, v6;
	v4 =	vmax.f32 v5, v32;
	v14 =	vmax.f32 v9, v14;
	v9 =	vld [tilespmem:s17+$0xFFFFFF40]  }
0x1d0: {  	v36 =	vmul.f32 v4, v57;
	v0 =	vadd.f32 v33, v0;
	v22 =	vld [tilespmem:s20+$0xFFFFFF40];
	[tilespmem:$0x1FD90] =	vst v20  }
0x1d1: {  	v39 =	vmul.f32 $2.000000030e-01, v7;
	v5 =	vmax.f32 v6, v35;
	v27 =	vld [tilespmem:s17+$0xFFFFFE50]  }
0x1d2: {  	v40 =	vmul.f32 v5, v59;
	v0 =	vadd.f32 v36, v0  }
0x1d3: {  	v41 =	vmul.f32 $2.000000030e-01, v37;
	v6 =	vmax.f32 v7, v39;
	v13 =	vadd.f32 v13, v52  }
0x1d4: {  	v46 =	vmul.f32 v6, v62;
	v0 =	vadd.f32 v40, v0;
	v15 =	vadd.f32 v15, v19  }
0x1d5: {  	v61 =	vadd.f32 v16, v20;
	v60 =	vmul.f32 $2.000000030e-01, v42;
	v32 =	vmul.f32 $2.000000030e-01, v13  }
0x1d6: {  	v19 =	vmul.f32 v14, v8;
	v14 =	vmul.f32 $2.000000030e-01, v15;
	[tilespmem:$0x1FDF0] =	vst v27  }
0x1d7: {  	v21 =	vadd.f32 v46, v0;
	v16 =	vmul.f32 $2.000000030e-01, v61;
	v6 =	vmax.f32 v42, v60;
	v33 =	vld [tilespmem:s20+$0xFFFFFE50]  }
0x1d8: {  	v1 =	vmax.f32 v13, v32;
	v63 =	vmul.f32 v6, v38;
	v15 =	vmax.f32 v15, v14;
	v14 =	vld [tilespmem:s17+$0xFFFFFED0]  }
0x1d9: {  	v7 =	vmax.f32 v61, v16;
	v2 =	vadd.f32 v2, v26;
	v3 =	vadd.f32 v34, v23;
	v23 =	vld [tilespmem:s20+$0xFFFFFED0]  }
0x1da: {  	v7 =	vmul.f32 v7, v38;
	v17 =	vadd.f32 v17, v24;
	v0 =	vadd.f32 v63, v19;
	v13 =	vld [tilespmem:s17+$0xFFFFFF50];
	[tilespmem:$0x1FDA0] =	vst v24  }
0x1db: {  	v19 =	vmul.f32 $2.000000030e-01, v2;
	v15 =	vmul.f32 v15, v8;
	v34 =	vadd.f32 v18, v12;
	v24 =	vld [tilespmem:s20+$0xFFFFFF50]  }
0x1dc: {  	v4 =	vmax.f32 v37, v41;
	v56 =	vld [tilespmem:s17+$0xFFFFFE60]  }
0x1dd: {  	v2 =	vmax.f32 v2, v19;
	v7 =	vadd.f32 v7, v15;
	v15 =	vmul.f32 $2.000000030e-01, v34;
	v19 =	vld [tilespmem:s20+$0xFFFFFE60]  }
0x1de: {  	v4 =	vmul.f32 v4, v38;
	v16 =	vmul.f32 $2.000000030e-01, v3;
	v20 =	vld [tilespmem:s17+$0xFFFFFEE0];
	[tilespmem:$0x1FDB0] =	vst v25  }
0x1df: {  	v1 =	vmul.f32 v1, v8;
	v11 =	vmovc v9;
	v36 =	vmax.f32 v34, v15;
	v15 =	vadd.f32 v22, v9;
	v9 =	vld [tilespmem:s17+$0xFFFFFE70]  }
0x1e0: {  	v3 =	vmax.f32 v3, v16;
	v16 =	vmul.f32 $2.000000030e-01, v17  }
0x1e1: {  	v1 =	vadd.f32 v4, v1;
	v5 =	vadd.f32 v47, v25  }
0x1e2: {  	v3 =	vmul.f32 v3, v10;
	v2 =	vmul.f32 v2, v10;
	v16 =	vmax.f32 v17, v16;
	v17 =	vld [tilespmem:s20+$0xFFFFFEE0]  }
0x1e3: {  	v35 =	vmul.f32 v16, v10;
	v37 =	vmul.f32 $2.000000030e-01, v5;
	v18 =	vld [tilespmem:s17+$0xFFFFFF60]  }
0x1e4: {  	v0 =	vadd.f32 v3, v0;
	v1 =	vadd.f32 v2, v1;
	v16 =	vld [tilespmem:s20+$0xFFFFFF60];
	[tilespmem:$0x1FE00] =	vst v9  }
0x1e5: {  	v2 =	vadd.f32 v35, v7;
	v4 =	vmax.f32 v5, v37;
	v39 =	vmul.f32 $2.000000030e-01, v15;
	v22 =	vld [tilespmem:s20+$0xFFFFFE70]  }
0x1e6: {  	v3 =	vmul.f32 v36, v43;
	v41 =	vmul.f32 v4, v43;
	v6 =	vadd.f32 v33, v27;
	v28 =	vld [tilespmem:s17+$0xFFFFFEF0]  }
0x1e7: {  	v40 =	vadd.f32 v23, v14;
	v5 =	vmax.f32 v15, v39;
	v23 =	vadd.f32 v24, v13;
	v24 =	vld [tilespmem:s20+$0xFFFFFEF0]  }
0x1e8: {  	v1 =	vadd.f32 v3, v1;
	v46 =	vmul.f32 v5, v43;
	v47 =	vadd.f32 v19, v56;
	v26 =	vld [tilespmem:s17+$0xFFFFFF70]  }
0x1e9: {  	v0 =	vadd.f32 v41, v0;
	v42 =	vmul.f32 $2.000000030e-01, v6;
	v15 =	vmul.f32 $2.000000030e-01, v40;
	v19 =	vld [tilespmem:s20+$0xFFFFFF70]  }
0x1ea: {  	v60 =	vmul.f32 $2.000000030e-01, v23;
	v2 =	vadd.f32 v46, v2;
	v63 =	vmul.f32 $2.000000030e-01, v47;
	v32 =	vld [tilespmem:s17+$0xFFFFFF00]  }
0x1eb: {  	v41 =	vld [tilespmem:s20+$0xFFFFFF00];
	v4 =	vmax.f32 v6, v42;
	v58 =	vmax.f32 v40, v15;
	v15 =	vadd.f32 v17, v20  }
0x1ec: {  	v30 =	vld [tilespmem:s17+$0xFFFFFF80];
	v40 =	vadd.f32 v16, v18;
	v4 =	vmul.f32 v4, v53;
	v7 =	vmax.f32 v23, v60  }
0x1ed: {  	v61 =	vmul.f32 v58, v53;
	v58 =	vld [tilespmem:s17+$0xFFFFFE80];
	v37 =	vmax.f32 v47, v63;
	v36 =	vmul.f32 v7, v53  }
0x1ee: {  	s12 =	simm.s32 $0x4090;
	v23 =	vld [tilespmem:s20+$0xFFFFFE80];
	v39 =	vmul.f32 $2.000000030e-01, v15;
	v16 =	vmul.f32 $2.000000030e-01, v40;
	v1 =	vadd.f32 v4, v1  }
0x1ef: {  	v34 =	vld [tilespmem:s12+$0xFFFFFFA0];
	v0 =	vadd.f32 v61, v0;
	v4 =	vmul.f32 v37, v57;
	v2 =	vadd.f32 v36, v2  }
0x1f0: {  	v29 =	vld [tilespmem:s12+$0xFFFFFFC0];
	s17 =	simm.s32 $0x1890;
	v42 =	vadd.f32 v22, v9;
	v5 =	vmax.f32 v15, v39;
	v22 =	vadd.f32 v24, v28  }
0x1f1: {  	v17 =	vld [tilespmem:s17+$0xFFFFFFA0];
	v6 =	vmax.f32 v40, v16;
	v19 =	vadd.f32 v19, v26;
	v7 =	vadd.f32 v41, v32  }
0x1f2: {  	v24 =	vld [tilespmem:s20+$0xFFFFFF80];
	v1 =	vadd.f32 v4, v1;
	v46 =	vmul.f32 v5, v57;
	v25 =	vmul.f32 $2.000000030e-01, v22  }
0x1f3: {  	v15 =	vld [tilespmem:s17+$0xFFFFFFC0];
	v60 =	vmul.f32 v6, v57;
	v47 =	vmul.f32 $2.000000030e-01, v42;
	v61 =	vadd.f32 v23, v58  }
0x1f4: {  	v16 =	vld [tilespmem:s17+$0xFFFFFF90];
	v37 =	vmul.f32 $2.000000030e-01, v7;
	v63 =	vmax.f32 v22, v25;
	v22 =	vmul.f32 $2.000000030e-01, v19  }
0x1f5: {  	v23 =	vld [tilespmem:s12+$0xFFFFFF90];
	v0 =	vadd.f32 v46, v0;
	v2 =	vadd.f32 v60, v2;
	v3 =	vmax.f32 v42, v47  }
0x1f6: {  	v25 =	vmul.f32 $2.000000030e-01, v61;
	v5 =	vmax.f32 v7, v37;
	v22 =	vmax.f32 v19, v22;
	v19 =	vld [tilespmem:s17+$0xFFFFFFB0]  }
0x1f7: {  	v3 =	vmul.f32 v3, v59;
	v35 =	vmul.f32 v22, v59;
	v22 =	vadd.f32 v24, v30;
	v24 =	vld [tilespmem:s12+$0xFFFFFFB0]  }
0x1f8: {  	v6 =	vadd.f32 v34, v17;
	v33 =	vmul.f32 v63, v59;
	v41 =	vmul.f32 v5, v62  }
0x1f9: {  	(xrf2) =	vadd.scan.msk.f32 $0xffff, v21;
	v42 =	vld [tilespmem:s12+$0xFFFFFFD0];
	v46 =	vadd.f32 v29, v15;
	v36 =	vmax.f32 v61, v25;
	v1 =	vadd.f32 v3, v1  }
0x1fa: {  	v25 =	vld [tilespmem:s17+$0xFFFFFFD0];
	v0 =	vadd.f32 v33, v0;
	v40 =	vadd.f32 v23, v16;
	v39 =	vmul.f32 $2.000000030e-01, v22  }
0x1fb: {  	v27 =	vld [tilespmem:s17+$0xFFFFFFE0];
	v4 =	vmul.f32 v36, v62;
	v23 =	vmul.f32 $2.000000030e-01, v6;
	v2 =	vadd.f32 v35, v2  }
0x1fc: {  	v21 =	vld [tilespmem:s17+$0xFFFFFFF0];
	v3 =	vmax.f32 v22, v39;
	v22 =	vmul.f32 $2.000000030e-01, v40;
	v24 =	vadd.f32 v24, v19  }
0x1fd: {  	v29 =	vld [tilespmem:s12+$0xFFFFFFE0];
	v1 =	vadd.f32 v4, v1;
	v0 =	vadd.f32 v41, v0  }
0x1fe: {  	v33 =	vld [tilespmem:s12+$0xFFFFFFF0];
	v6 =	vmax.f32 v6, v23;
	v7 =	vmax.f32 v40, v22;
	v22 =	vmul.f32 $2.000000030e-01, v24  }
0x1ff: {  	v6 =	vmul.f32 v6, v38;
	v5 =	vadd.f32 v42, v25;
	v47 =	vmul.f32 v7, v8  }
0x200: {  	v12 =	vmovc v13;
	v36 =	vld [tilespmem:s12+$0x0];
	v3 =	vmul.f32 v3, v62;
	v34 =	vmax.f32 v24, v22;
	v22 =	vmul.f32 $2.000000030e-01, v46  }
0x201: {  	v13 =	vmovc v62;
	(xrf2) =	vadd.scan.msk.f32 $0xffff, v1;
	v62 =	vld [tilespmem:s17+$0x0];
	v39 =	vmul.f32 $2.000000030e-01, v5;
	v35 =	vadd.f32 v6, v47;
	v1 =	vmul.f32 v34, v10  }
0x202: {  	v31 =	vld [tilespmem:s12+$0xFFFFFEA0];
	v40 =	vadd.f32 v29, v27;
	v2 =	vadd.f32 v3, v2;
	v37 =	vmax.f32 v46, v22  }
0x203: {  	v61, _, _ =	vpop (xrf2);
	(xrf2) =	vadd.scan.msk.f32 $0xffff, v0;
	v29 =	vld [tilespmem:s12+$0xFFFFFE20];
	v7 =	vadd.f32 v33, v21;
	v0 =	vadd.f32 v1, v35;
	v41 =	vmul.f32 v37, v43  }
0x204: {  	v33 =	vmul.f32 $1.442695020e+00, v61;
	v61 =	vld [tilespmem:s12+$0xFFFFFF10];
	v4 =	vmax.f32 v5, v39;
	v42 =	vmul.f32 $2.000000030e-01, v40;
	(xrf2) =	vadd.scan.msk.f32 $0xffff, v2  }
0x205: {  	v24 =	vld [tilespmem:s17+$0xFFFFFE20];
	v46 =	vmul.f32 v4, v53;
	v0 =	vadd.f32 v41, v0  }
0x206: {  	v2 =	vld [tilespmem:s12+$0xFFFFFE10];
	v60 =	vmul.f32 $2.000000030e-01, v7;
	v47 =	vmax.f32 v40, v42;
	v3 =	vadd.f32 v36, v62  }
0x207: {  	v6 =	vld [tilespmem:s12+$0xFFFFFE90];
	v63 =	vmul.f32 v47, v57;
	v0 =	vadd.f32 v46, v0  }
0x208: {  	v36 =	vld [tilespmem:s17+$0xFFFFFF10];
	v5 =	vmax.f32 v7, v60;
	v34 =	vmul.f32 $2.000000030e-01, v3  }
0x209: {  	v22 =	vld [tilespmem:s17+$0xFFFFFE90];
	v35 =	vmul.f32 v5, v59;
	v0 =	vadd.f32 v63, v0  }
0x20a: {  	v3 =	vmax.f32 v3, v34;
	v60 =	vadd.f32 v29, v24;
	v29 =	vld [tilespmem:s17+$0xFFFFFE10]  }
0x20b: {  	v23 =	vld [tilespmem:s17+$0xFFFFFEA0];
	v4 =	vbroadcast v33, $0xF;
	v42 =	vmul.f32 v3, v13;
	v0 =	vadd.f32 v35, v0  }
0x20c: {  	v40, _, _ =	vpop (xrf2)  }
0x20d: {  	v37 =	vld [tilespmem:s17+$0xFFFFFF20];
	(erf) = vpow2.f32 v4;
	v33 =	vadd.f32 v61, v36;
	v41, _, _ =	vpop (xrf2);
	v0 =	vadd.f32 v42, v0  }
0x20e: {  	v46 =	vmul.f32 $1.442695020e+00, v40;
	v39 =	vmul.f32 $2.000000030e-01, v60;
	v6 =	vadd.f32 v6, v22;
	v63 =	vld [tilespmem:s12+$0xFFFFFF20];
	v47, _, _ =	vpop (xrf2)  }
0x20f: {  	v3 =	vld [tilespmem:s12+$0xFFFFFE30];
	v7 =	vmul.f32 $1.442695020e+00, v41;
	v2 =	vadd.f32 v2, v29;
	v4 =	vmul.f32 $1.442695020e+00, v47;
	(xrf2) =	vadd.scan.msk.f32 $0xffff, v0  }
0x210: {  	v35 =	vbroadcast v46, $0xF;
	v47 =	vmul.f32 $2.000000030e-01, v6;
	v42 =	vadd.f32 v31, v23;
	v31 =	vld [tilespmem:s17+$0xFFFFFE30]  }
0x211: {  	v7 =	vbroadcast v7, $0xF;
	v46 =	vmax.f32 v60, v39;
	v39 =	vmul.f32 $2.000000030e-01, v2  }
0x212: {  	v40 =	vld [tilespmem:s17+$0xFFFFFF30];
	v4 =	vbroadcast v4, $0xF;
	(erf) = vpow2.f32 v35;
	v1 =	vmax.f32 v6, v47  }
0x213: {  	v41 =	vld [tilespmem:s17+$0xFFFFFEB0];
	(erf) = vpow2.f32 v7;
	v61 =	vadd.f32 v63, v37;
	v63 =	vmul.f32 $2.000000030e-01, v33  }
0x214: {  	v6 =	vld [tilespmem:s12+$0xFFFFFEB0];
	v1 =	vmul.f32 v1, v8;
	v60 =	vmul.f32 $2.000000030e-01, v42  }
0x215: {  	(erf) = vpow2.f32 v4;
	v4 =	vmax.f32 v33, v63;
	v33 =	vld [tilespmem:s17+$0xFFFFFE40];
	v3 =	vadd.f32 v3, v31  }
0x216: {  	v0 =	vmul.f32 v46, v38;
	v34 =	vmul.f32 $2.000000030e-01, v61;
	v5 =	vmax.f32 v42, v60;
	v42 =	vld [tilespmem:s12+$0xFFFFFF30]  }
0x217: {  	v2 =	vmax.f32 v2, v39;
	v60 =	vld [tilespmem:s12+$0xFFFFFE40];
	v5 =	vmul.f32 v5, v38;
	v63 =	vmul.f32 $2.000000030e-01, v3  }
0x218: {  	v2 =	vmul.f32 v2, v8;
	v4 =	vmul.f32 v4, v8;
	v7 =	vmax.f32 v61, v34  }
0x219: {  	v6 =	vadd.f32 v6, v41;
	v35 =	vadd.f32 v5, v1;
	v3 =	vmax.f32 v3, v63;
	v39, _, _ =	vpop (xrf2)  }
0x21a: {  	v1 =	vadd.f32 v0, v2;
	v0 =	vpop (erf);
	v47 =	vmul.f32 v3, v10;
	v3 =	vmul.f32 $1.442695020e+00, v39  }
0x21b: {  	v38 =	vmul.f32 v7, v38;
	v44 =	vmul.f32 v0, v44;
	v61 =	vadd.f32 v42, v40  }
0x21c: {  	s13 =	simm.s32 $0x6950;
	v9 =	vmul.f32 v0, v49;
	v2 =	vadd.f32 v60, v33;
	v3 =	vbroadcast v3, $0xF  }
0x21d: {  	v46 =	vld [tilespmem:s17+$0xFFFFFEC0];
	[tilespmem:s13+$0x0] =	vst v0;
	v60 =	vmul.f32 v0, v48;
	v39 =	vadd.f32 v38, v4;
	v38 =	vmul.f32 $2.000000030e-01, v61  }
0x21e: {  	v7 =	vld [tilespmem:s12+$0xFFFFFEC0];
	[tilespmem:s13+$0xFFFFFFB0] =	vst v44;
	(erf) = vpow2.f32 v3;
	v3 =	vmul.f32 $2.000000030e-01, v2  }
0x21f: {  	v34 =	vmul.f32 $2.000000030e-01, v6;
	v5 =	vld [tilespmem:s12+$0xFFFFFF40];
	[tilespmem:s13+$0xFFFFFFD0] =	vst v9;
	v4 =	vmul.f32 v0, v45;
	v61 =	vmax.f32 v61, v38  }
0x220: {  	v42 =	vld [tilespmem:s17+$0xFFFFFF40];
	[tilespmem:s13+$0xFFFFFFF0] =	vst v60;
	v38 =	vmul.f32 v0, v50;
	v2 =	vmax.f32 v2, v3;
	v3 =	vmul.f32 v0, v54  }
0x221: {  	v6 =	vmax.f32 v6, v34;
	v34 =	vld [tilespmem:s17+$0xFFFFFE50];
	[tilespmem:s13+$0xFFFFFF80] =	vst v4  }
0x222: {  	v63 =	vld [tilespmem:s12+$0xFFFFFE50];
	[tilespmem:s13+$0xFFFFFF90] =	vst v38;
	v54 =	vmul.f32 v0, v55  }
0x223: {  	v51 =	vmul.f32 v0, v51;
	[tilespmem:s13+$0xFFFFFFA0] =	vst v3  }
0x224: {  	v7 =	vadd.f32 v7, v46;
	v45 =	vld [tilespmem:s17+$0xFFFFFF50];
	[tilespmem:s13+$0xFFFFFFC0] =	vst v54;
	v3 =	vpop (erf)  }
0x225: {  	v5 =	vadd.f32 v5, v42;
	v9 =	vld [tilespmem:$0x1FDC0];
	[tilespmem:s13+$0xFFFFFFE0] =	vst v51;
	v44 =	vmul.f32 v3, v52  }
0x226: {  	v47 =	vadd.f32 v47, v1;
	v1 =	vmul.f32 $2.000000030e-01, v7;
	v55 =	vld [tilespmem:s12+$0xFFFFFF50];
	[tilespmem:s13+$0xFFFFFE50] =	vst v3  }
0x227: {  	v49 =	vmul.f32 v61, v10;
	v61 =	vadd.f32 v63, v34;
	v63 =	vmul.f32 $2.000000030e-01, v5;
	[tilespmem:s13+$0xFFFFFDD0] =	vst v44  }
0x228: {  	v6 =	vmul.f32 v6, v10;
	v10 =	vld [tilespmem:$0x1FDD0]  }
0x229: {  	v48 =	vld [tilespmem:s17+$0xFFFFFED0];
	v7 =	vmax.f32 v7, v1;
	v60 =	vmax.f32 v5, v63;
	v63 =	vmul.f32 $2.000000030e-01, v61  }
0x22a: {  	v50 =	vld [tilespmem:s12+$0xFFFFFED0];
	v7 =	vmul.f32 v7, v43;
	v0 =	vmul.f32 v60, v43  }
0x22b: {  	v2 =	vmul.f32 v2, v43;
	v43 =	vmax.f32 v61, v63;
	v61 =	vadd.f32 v55, v45;
	_ =	sdelay $0x1  }
0x22c: {  	v63 =	vmul.f32 $2.000000030e-01, v61;
	v44 =	vmul.f32 v3, v10;
	v10 =	vld [tilespmem:$0x1FDE0]  }
0x22d: {  	v6 =	vadd.f32 v6, v35;
	v39 =	vadd.f32 v49, v39  }
0x22e: {  	v5 =	vadd.f32 v50, v48;
	v2 =	vadd.f32 v2, v47;
	v47 =	vmax.f32 v61, v63  }
0x22f: {  	v35 =	vld [tilespmem:s17+$0xFFFFFE60];
	v0 =	vadd.f32 v0, v39;
	v9 =	vmul.f32 v3, v9;
	v47 =	vmul.f32 v47, v53  }
0x230: {  	v1 =	vld [tilespmem:s12+$0xFFFFFE60]  }
0x231: {  	v60 =	vmul.f32 $2.000000030e-01, v5;
	v0 =	vadd.f32 v47, v0;
	[tilespmem:s13+$0xFFFFFDE0] =	vst v9;
	v47 =	vmul.f32 v3, v10  }
0x232: {  	[tilespmem:s13+$0xFFFFFDF0] =	vst v44  }
0x233: {  	[tilespmem:s13+$0xFFFFFE00] =	vst v47  }
0x234: {  	v10 =	vld [tilespmem:$0x1FDF0]  }
0x235: {  	v1 =	vadd.f32 v1, v35;
	v5 =	vmax.f32 v5, v60;
	v60 =	vpop (erf)  }
0x236: {  	v55 =	vpop (erf)  }
0x237: {  	v4 =	vadd.f32 v7, v6;
	v7 =	vmul.f32 v43, v53;
	v43 =	vmul.f32 $2.000000030e-01, v1;
	v61 =	vpop (erf)  }
0x238: {  	v38 =	vld [tilespmem:s17+$0xFFFFFE70];
	v9 =	vmul.f32 v61, v62  }
0x239: {  	s16 =	simm.s32 $0x6B90;
	v54 =	vld [tilespmem:s17+$0xFFFFFEF0];
	v1 =	vmax.f32 v1, v43;
	v5 =	vmul.f32 v5, v53;
	v43 =	vmul.f32 v3, v10  }
0x23a: {  	v2 =	vadd.f32 v7, v2;
	v7 =	vld [tilespmem:s12+$0xFFFFFE70];
	[tilespmem:s16+$0xFFFFFFF0] =	vst v9  }
0x23b: {  	v4 =	vadd.f32 v5, v4;
	v5 =	vld [tilespmem:s12+$0xFFFFFEF0];
	[tilespmem:s13+$0xFFFFFE10] =	vst v43  }
0x23c: {  	v10 =	vld [tilespmem:$0x1FE00];
	_ =	sdelay $0x2  }
0x23d: {  	v7 =	vadd.f32 v7, v38  }
0x23e: {  	v56 =	vmul.f32 v3, v56  }
0x23f: {  	v5 =	vadd.f32 v5, v54;
	v9 =	vmul.f32 $2.000000030e-01, v7;
	v62 =	vmul.f32 v3, v10  }
0x240: {  	[tilespmem:s13+$0xFFFFFE20] =	vst v56;
	v3 =	vmul.f32 v3, v58  }
0x241: {  	v7 =	vmax.f32 v7, v9;
	v9 =	vmul.f32 $2.000000030e-01, v5;
	[tilespmem:s13+$0xFFFFFE30] =	vst v62  }
0x242: {  	v6 =	vld [tilespmem:s12+$0xFFFFFEE0];
	[tilespmem:s13+$0xFFFFFE40] =	vst v3  }
0x243: {  	v5 =	vmax.f32 v5, v9;
	v9 =	vld [tilespmem:$0x1FE10]  }
0x244: {  	v50 =	vld [tilespmem:s17+$0xFFFFFEE0]  }
0x245: {  	v49 =	vld [tilespmem:s17+$0xFFFFFF60]  }
0x246: {  	v39 =	vld [tilespmem:s12+$0xFFFFFF60];
	_ =	sdelay $0x1  }
0x247: {  	v9 =	vmul.f32 v60, v9  }
0x248: {  	v52 =	vld [tilespmem:s17+$0xFFFFFF70];
	v6 =	vadd.f32 v6, v50;
	[tilespmem:s13+$0xFFFFFEE0] =	vst v60  }
0x249: {  	v53 =	vld [tilespmem:s12+$0xFFFFFF70];
	[tilespmem:s13+$0xFFFFFE60] =	vst v9  }
0x24a: {  	v51 =	vmul.f32 $2.000000030e-01, v6;
	v63 =	vadd.f32 v39, v49;
	v9 =	vld [tilespmem:$0x1FE20];
	_ =	sdelay $0x1  }
0x24b: {  	v1 =	vmul.f32 v1, v57;
	v39 =	vld [tilespmem:s17+$0xFFFFFE80];
	v6 =	vmax.f32 v6, v51;
	v51 =	vmul.f32 $2.000000030e-01, v63  }
0x24c: {  	v6 =	vmul.f32 v6, v57;
	v44 =	vld [tilespmem:s12+$0xFFFFFE80]  }
0x24d: {  	v1 =	vadd.f32 v1, v2;
	v2 =	vmax.f32 v63, v51;
	v51 =	vld [tilespmem:s17+$0xFFFFFF00]  }
0x24e: {  	v4 =	vadd.f32 v6, v4;
	v6 =	vld [tilespmem:s12+$0xFFFFFF00];
	v63 =	vadd.f32 v53, v52;
	[tilespmem:s13+$0xFFFFFF70] =	vst v55;
	v9 =	vmul.f32 v60, v9  }
0x24f: {  	v2 =	vmul.f32 v2, v57;
	v53 =	vld [tilespmem:s17+$0xFFFFFF80];
	[tilespmem:s16+$0x0] =	vst v61  }
0x250: {  	v58 =	vmul.f32 $2.000000030e-01, v63;
	v3 =	vld [tilespmem:s12+$0xFFFFFF80];
	[tilespmem:s13+$0xFFFFFE70] =	vst v9  }
0x251: {  	v0 =	vadd.f32 v2, v0;
	v2 =	vadd.f32 v44, v39;
	v47 =	vld [tilespmem:$0x1FE30]  }
0x252: {  	v7 =	vmul.f32 v7, v59;
	v5 =	vmul.f32 v5, v59;
	v44 =	vmax.f32 v63, v58  }
0x253: {  	v62 =	vmul.f32 $2.000000030e-01, v2;
	v58 =	vadd.f32 v6, v51;
	v63 =	vmul.f32 v44, v59  }
0x254: {  	v57 =	vadd.f32 v7, v1;
	v56 =	vadd.f32 v5, v4  }
0x255: {  	v7 =	vmax.f32 v2, v62;
	v44 =	vadd.f32 v63, v0;
	v63 =	vmul.f32 $2.000000030e-01, v58  }
0x256: {  	s20 =	simm.s32 $0x1A90;
	s17 =	simm.s32 $0x4;
	v62 =	vmul.f32 v7, v13;
	v59 =	vadd.f32 v3, v53;
	v9 =	vmovc v8;
	v47 =	vmul.f32 v60, v47  }
.LBB2_5:
0x257: {  	v0 =	vld [tilespmem:s20+$0xFFFFFFC0]  }
0x258: {  	v3 =	vld [tilespmem:$0x1FDB0]  }
0x259: {  	v4 =	vmov v46;
	v46 =	vld [tilespmem:s20+$0xFFFFFF90]  }
0x25a: {  	v13 =	vld [tilespmem:$0x1FF90]  }
0x25b: {  	v7 =	vld [tilespmem:s20+$0xFFFFFFA0]  }
0x25c: {  	v8 =	vld [tilespmem:$0x1FD90]  }
0x25d: {  	v43 =	vmov v36;
	v36 =	vld [tilespmem:s20+$0xFFFFFFB0]  }
0x25e: {  	v5 =	vmov v41;
	s12 =	sadd.s32 $0x200, s12;
	v41 =	vmul.f32 v61, v21;
	v21 =	vld [tilespmem:s20+$0xFFFFFFF0]  }
0x25f: {  	v1 =	vmax.f32 v58, v63;
	v58 =	vmul.f32 v60, v20;
	v20 =	vld [tilespmem:s12+$0xFFFFFF90]  }
0x260: {  	v6 =	vmul.f32 v60, v14;
	v14 =	vmul.f32 v60, v28;
	[tilespmem:$0x1FD70] =	vst v5;
	v28 =	vld [tilespmem:s12+$0xFFFFFFA0]  }
0x261: {  	v10 =	vmov v37;
	v18 =	vmul.f32 v55, v18;
	v57 =	vadd.f32 v62, v57;
	[tilespmem:s13+$0xFFFFFE80] =	vst v47;
	v62 =	vld [tilespmem:$0x1FDA0]  }
0x262: {  	[tilespmem:$0x1FD90] =	vst v10;
	v63 =	vld [tilespmem:s12+$0xFFFFFFB0];
	v5 =	vmul.f32 v55, v26  }
0x263: {  	[tilespmem:s13+$0xFFFFFEA0] =	vst v6;
	(xrf2) =	vadd.scan.msk.f32 $0xffff, v57;
	v57 =	vld [tilespmem:s20+$0x0]  }
0x264: {  	v2 =	vmul.f32 $2.000000030e-01, v59;
	[tilespmem:s13+$0xFFFFFF50] =	vst v5;
	v5 =	vld [tilespmem:s12+$0x0]  }
0x265: {  	v37 =	vmul.f32 v55, v11;
	[tilespmem:s13+$0xFFFFFF40] =	vst v18;
	v18 =	vmov v49;
	v49 =	vld [tilespmem:s12+$0xFFFFFE20]  }
0x266: {  	[tilespmem:s13+$0xFFFFFEC0] =	vst v14;
	v2 =	vmax.f32 v59, v2;
	v59 =	vmul.f32 v60, v32;
	v3 =	vmul.f32 v60, v3;
	v60 =	vld [tilespmem:$0x1FD80]  }
0x267: {  	[tilespmem:s13+$0xFFFFFF20] =	vst v37;
	v32 =	vmul.f32 v55, v8;
	v8 =	vmov v40;
	v40 =	vld [tilespmem:s12+$0xFFFFFFC0]  }
0x268: {  	v26 =	vmul.f32 v55, v30;
	v1 =	vmul.f32 v1, v13;
	[tilespmem:s13+$0xFFFFFED0] =	vst v59;
	v59 =	vld [tilespmem:s20+$0xFFFFFFD0]  }
0x269: {  	v30 =	vmul.f32 v61, v16;
	[tilespmem:s13+$0xFFFFFEB0] =	vst v58;
	v16 =	vmovc v46;
	v46 =	vmul.f32 v61, v15;
	v15 =	vmov v0;
	v0 =	vld [tilespmem:s20+$0xFFFFFFE0]  }
0x26a: {  	[tilespmem:s13+$0xFFFFFF60] =	vst v26;
	v2 =	vmul.f32 v2, v13;
	v1 =	vadd.f32 v1, v56;
	v56 =	vld [tilespmem:s20+$0xFFFFFE20]  }
0x26b: {  	v11 =	vmovc v42;
	v42 =	vmul.f32 v61, v17;
	v14 =	vmov v48;
	[tilespmem:s13+$0xFFFFFE90] =	vst v3;
	v3 =	vmul.f32 v55, v62;
	v62 =	vld [tilespmem:s12+$0xFFFFFFD0]  }
0x26c: {  	v48 =	vmul.f32 v61, v25;
	v2 =	vadd.f32 v2, v44;
	v44 =	vmul.f32 v61, v19;
	v19 =	vmovc v36;
	v36 =	vld [tilespmem:s12+$0xFFFFFFE0]  }
0x26d: {  	[tilespmem:$0x1FDA0] =	vst v8;
	v6 =	vmul.f32 v55, v60;
	v60 =	vadd.f32 v20, v16;
	v20 =	vmov v50;
	v50 =	vld [tilespmem:$0x1FFD0]  }
0x26e: {  	[tilespmem:s13+$0xFFFFFF00] =	vst v32;
	v63 =	vadd.f32 v63, v19;
	(xrf2) =	vadd.scan.msk.f32 $0xffff, v1;
	v1 =	vmul.f32 v55, v12;
	v55 =	vld [tilespmem:s12+$0xFFFFFFF0]  }
0x26f: {  	v17 =	vmov v7;
	[tilespmem:s13+$0xFFFFFF10] =	vst v3;
	v3 =	vadd.f32 v40, v15;
	v40 =	vmul.f32 v61, v27;
	v61 =	vld [tilespmem:$0x1FFE0]  }
0x270: {  	v7 =	vadd.f32 v28, v17;
	v27 =	vmul.f32 $2.000000030e-01, v63;
	[tilespmem:s16+$0xFFFFFFA0] =	vst v44;
	v44 =	vld [tilespmem:s20+$0xFFFFFEA0]  }
0x271: {  	v5 =	vadd.f32 v5, v57;
	(xrf2) =	vadd.scan.msk.f32 $0xffff, v2;
	[tilespmem:s16+$0xFFFFFFE0] =	vst v41;
	v41 =	vld [tilespmem:s20+$0xFFFFFEB0];
	v8 =	vmul.f32 $2.000000030e-01, v60  }
0x272: {  	v28 =	vmul.f32 $2.000000030e-01, v7;
	v25 =	vmovc v59;
	[tilespmem:s13+$0xFFFFFF30] =	vst v1;
	v58 =	vmax.f32 v63, v27;
	v36 =	vadd.f32 v36, v0;
	v63 =	vld [tilespmem:$0x1FFF0]  }
0x273: {  	v12 =	vmovc v45;
	[tilespmem:s13+$0xFFFFFEF0] =	vst v6;
	v2 =	vadd.f32 v62, v25;
	v62 =	vld [tilespmem:s12+$0xFFFFFEA0];
	v6 =	vmax.f32 v60, v8;
	v8 =	vmul.f32 $2.000000030e-01, v3  }
0x274: {  	[tilespmem:$0x1FD80] =	vst v43;
	v7 =	vmax.f32 v7, v28;
	v43, _, _ =	vpop (xrf2);
	v37 =	vld [tilespmem:s20+$0xFFFFFF20];
	v10 =	vmul.f32 $2.000000030e-01, v36;
	v45 =	vmul.f32 v6, v9  }
0x275: {  	v47 =	vmul.f32 v7, v50;
	v6 =	vmul.f32 $1.442695020e+00, v43;
	v3 =	vmax.f32 v3, v8;
	v8 =	vld [tilespmem:$0x1FFA0]  }
0x276: {  	v43 =	vmul.f32 $2.000000030e-01, v2;
	v7 =	vadd.f32 v55, v21;
	v36 =	vmax.f32 v36, v10;
	v10 =	vld [tilespmem:$0x1FFC0]  }
0x277: {  	[tilespmem:$0x1FDB0] =	vst v4;
	v26 =	vmovc v52;
	v52 =	vmul.f32 $2.000000030e-01, v5;
	v4 =	vmul.f32 v58, v61;
	v1 =	vadd.f32 v47, v45;
	v45 =	vld [tilespmem:s12+$0xFFFFFE10]  }
0x278: {  	v2 =	vmax.f32 v2, v43;
	v60 =	vmul.f32 $2.000000030e-01, v7;
	v43 =	vld [tilespmem:$0x1FFB0]  }
0x279: {  	v5 =	vmax.f32 v5, v52;
	v3 =	vmul.f32 v3, v63;
	v47 =	vld [tilespmem:s20+$0xFFFFFE90];
	v59, _, _ =	vpop (xrf2);
	v1 =	vadd.f32 v4, v1  }
0x27a: {  	v28 =	vmovc v54;
	v6 =	vbroadcast v6, $0xF;
	v7 =	vmax.f32 v7, v60;
	v54 =	vmul.f32 $1.442695020e+00, v59;
	v59 =	vld [tilespmem:s12+$0xFFFFFE90]  }
0x27b: {  	v60 =	vmul.f32 v5, v13;
	v5 =	vld [tilespmem:s20+$0xFFFFFE10];
	v55, _, _ =	vpop (xrf2);
	v1 =	vadd.f32 v3, v1;
	v2 =	vmul.f32 v2, v8  }
0x27c: {  	v32 =	vmovc v51;
	[tilespmem:s16+$0xFFFFFF80] =	vst v30;
	v27 =	vmovc v0;
	v0 =	vadd.f32 v49, v56;
	(erf) = vpow2.f32 v6;
	v58 =	vmul.f32 $1.442695020e+00, v55;
	v55 =	vld [tilespmem:s12+$0xFFFFFF10]  }
0x27d: {  	v30 =	vmovc v53;
	v53 =	vmul.f32 v7, v10;
	v51 =	vmul.f32 v36, v43;
	v36 =	vld [tilespmem:s20+$0xFFFFFF10];
	v1 =	vadd.f32 v2, v1  }
0x27e: {  	v62 =	vadd.f32 v62, v44;
	v4 =	vbroadcast v54, $0xF;
	v54 =	vmul.f32 $2.000000030e-01, v0;
	v2 =	vld [tilespmem:s12+$0xFFFFFE30]  }
0x27f: {  	v3 =	vbroadcast v58, $0xF;
	v1 =	vadd.f32 v51, v1;
	v58 =	vadd.f32 v59, v47;
	v59 =	vld [tilespmem:s12+$0xFFFFFF20]  }
0x280: {  	[tilespmem:s16+$0xFFFFFFB0] =	vst v46;
	v46 =	vmul.f32 $2.000000030e-01, v62;
	v0 =	vmax.f32 v0, v54;
	v51 =	vld [tilespmem:s20+$0xFFFFFE30]  }
0x281: {  	[tilespmem:s16+$0xFFFFFF90] =	vst v42;
	(erf) = vpow2.f32 v4;
	v4 =	vld [tilespmem:s12+$0xFFFFFEB0];
	v42 =	vadd.f32 v45, v5;
	v1 =	vadd.f32 v53, v1  }
0x282: {  	v0 =	vmul.f32 v0, v50;
	v53 =	vmul.f32 $2.000000030e-01, v58;
	v6 =	vadd.f32 v55, v36  }
0x283: {  	[tilespmem:s16+$0xFFFFFFD0] =	vst v40;
	v40 =	vld [tilespmem:s20+$0xFFFFFF30];
	(erf) = vpow2.f32 v3;
	v55 =	vmax.f32 v62, v46;
	v1 =	vadd.f32 v60, v1  }
0x284: {  	v49 =	vld [tilespmem:s12+$0xFFFFFEC0];
	v54 =	vmax.f32 v58, v53;
	v58 =	vmul.f32 $2.000000030e-01, v6;
	v7 =	vadd.f32 v59, v37  }
0x285: {  	v45 =	vld [tilespmem:s12+$0xFFFFFE40];
	v62 =	vmul.f32 $2.000000030e-01, v42;
	v3 =	vmul.f32 v55, v50;
	v2 =	vadd.f32 v2, v51;
	(xrf2) =	vadd.scan.msk.f32 $0xffff, v1  }
0x286: {  	v53 =	vld [tilespmem:s20+$0xFFFFFE40];
	v4 =	vadd.f32 v4, v41;
	v1 =	vmul.f32 v54, v9;
	v59 =	vmul.f32 $2.000000030e-01, v7  }
0x287: {  	v60 =	vld [tilespmem:s12+$0xFFFFFF30];
	v6 =	vmax.f32 v6, v58;
	v54 =	vmax.f32 v42, v62;
	v55 =	vmul.f32 $2.000000030e-01, v2  }
0x288: {  	v46 =	vld [tilespmem:s20+$0xFFFFFEC0];
	v1 =	vadd.f32 v3, v1;
	v58 =	vpop (erf);
	v52 =	vmax.f32 v7, v59;
	v7 =	vmul.f32 v54, v9  }
0x289: {  	v42 =	vld [tilespmem:s20+$0xFFFFFF40];
	v3 =	vmul.f32 v6, v9;
	[tilespmem:s16+$0xFFFFFE50] =	vst v58;
	v2 =	vmax.f32 v2, v55;
	v6 =	vmul.f32 v52, v50  }
0x28a: {  	v59 =	vmul.f32 $2.000000030e-01, v4;
	v2 =	vmul.f32 v2, v61;
	v0 =	vadd.f32 v0, v7;
	v7 =	vld [tilespmem:s20+$0xFFFFFE50]  }
0x28b: {  	v45 =	vadd.f32 v45, v53;
	v3 =	vadd.f32 v6, v3;
	v6 =	vld [tilespmem:s12+$0xFFFFFF40]  }
0x28c: {  	v52 =	vadd.f32 v60, v40;
	v60 =	vpop (erf);
	v4 =	vmax.f32 v4, v59;
	v0 =	vadd.f32 v2, v0;
	v2 =	vld [tilespmem:s12+$0xFFFFFE50]  }
0x28d: {  	[tilespmem:s16+$0xFFFFFEE0] =	vst v60;
	v62 =	vmul.f32 $2.000000030e-01, v45;
	v4 =	vmul.f32 v4, v61  }
0x28e: {  	[tilespmem:s16+$0xFFFFFFC0] =	vst v48;
	v49 =	vadd.f32 v49, v46;
	v55 =	vpop (erf);
	v50 =	vmul.f32 $2.000000030e-01, v52;
	v48 =	vld [tilespmem:s20+$0xFFFFFED0]  }
0x28f: {  	[tilespmem:s16+$0xFFFFFF70] =	vst v55;
	v62 =	vmax.f32 v45, v62;
	v1 =	vadd.f32 v4, v1;
	v4 =	vld [tilespmem:s12+$0xFFFFFED0];
	v59, _, _ =	vpop (xrf2)  }
0x290: {  	v45 =	vld [tilespmem:s20+$0xFFFFFF50];
	v50 =	vmax.f32 v52, v50;
	v54 =	vmul.f32 $1.442695020e+00, v59;
	v59 =	vmul.f32 $2.000000030e-01, v49  }
0x291: {  	v50 =	vmul.f32 v50, v61;
	v61 =	vld [tilespmem:s12+$0xFFFFFF50];
	v6 =	vadd.f32 v6, v42;
	v2 =	vadd.f32 v2, v7  }
0x292: {  	v52 =	vbroadcast v54, $0xF;
	v54 =	vmul.f32 v62, v63;
	v49 =	vmax.f32 v49, v59  }
0x293: {  	v3 =	vadd.f32 v50, v3;
	v50 =	vld [tilespmem:s20+$0xFFFFFEE0];
	v59 =	vmul.f32 v58, v29;
	v49 =	vmul.f32 v49, v63  }
0x294: {  	v62 =	vld [tilespmem:s20+$0xFFFFFE60];
	v29 =	vmovc v5;
	v4 =	vadd.f32 v4, v48;
	v5 =	vmul.f32 $2.000000030e-01, v2;
	(erf) = vpow2.f32 v52  }
0x295: {  	v52 =	vmul.f32 $2.000000030e-01, v6;
	v0 =	vadd.f32 v54, v0;
	v54 =	vld [tilespmem:s12+$0xFFFFFE60];
	[tilespmem:s16+$0xFFFFFDD0] =	vst v59;
	v59 =	vmul.f32 v58, v24  }
0x296: {  	v61 =	vadd.f32 v61, v45;
	v1 =	vadd.f32 v49, v1;
	v2 =	vmax.f32 v2, v5;
	v49 =	vld [tilespmem:s20+$0xFFFFFF60]  }
0x297: {  	v5 =	vmul.f32 $2.000000030e-01, v4;
	v6 =	vmax.f32 v6, v52;
	v52 =	vld [tilespmem:s12+$0xFFFFFEE0];
	v2 =	vmul.f32 v2, v8;
	[tilespmem:s16+$0xFFFFFDE0] =	vst v59  }
0x298: {  	v6 =	vmul.f32 v6, v63;
	v59 =	vld [tilespmem:s20+$0xFFFFFE70]  }
0x299: {  	v4 =	vmax.f32 v4, v5;
	v5 =	vmul.f32 $2.000000030e-01, v61;
	v0 =	vadd.f32 v2, v0;
	v2 =	vld [tilespmem:s12+$0xFFFFFE70]  }
0x29a: {  	v33 =	vmul.f32 v58, v33;
	v4 =	vmul.f32 v4, v8;
	v3 =	vadd.f32 v6, v3;
	v6 =	vld [tilespmem:s12+$0xFFFFFF60]  }
0x29b: {  	v24 =	vmovc v56;
	v56 =	vmul.f32 v58, v31;
	v63 =	vadd.f32 v54, v62;
	v54 =	vld [tilespmem:s20+$0xFFFFFEF0];
	v5 =	vmax.f32 v61, v5  }
0x29c: {  	v1 =	vadd.f32 v4, v1;
	v4 =	vld [tilespmem:s12+$0xFFFFFEF0];
	v5 =	vmul.f32 v5, v8  }
0x29d: {  	[tilespmem:s16+$0xFFFFFDF0] =	vst v56;
	v56 =	vadd.f32 v52, v50;
	v52 =	vld [tilespmem:s20+$0xFFFFFF70]  }
0x29e: {  	v31 =	vmov v51;
	v51 =	vmul.f32 $2.000000030e-01, v63;
	v3 =	vadd.f32 v5, v3;
	v5 =	vld [tilespmem:s12+$0xFFFFFF70]  }
0x29f: {  	[tilespmem:s16+$0xFFFFFE00] =	vst v33;
	v33 =	vmov v53;
	v53 =	vmul.f32 v58, v34;
	v2 =	vadd.f32 v2, v59  }
0x2a0: {  	v61 =	vpop (erf);
	v51 =	vmax.f32 v63, v51;
	v63 =	vmul.f32 $2.000000030e-01, v56;
	v6 =	vadd.f32 v6, v49  }
0x2a1: {  	v57 =	vmul.f32 v61, v57;
	v8 =	vmul.f32 $2.000000030e-01, v2;
	v4 =	vadd.f32 v4, v54  }
0x2a2: {  	s13 =	smov.u32 s16;
	s16 =	sadd.s32 $0x240, s16;
	v51 =	vmul.f32 v51, v43;
	v56 =	vmax.f32 v56, v63;
	v63 =	vmul.f32 $2.000000030e-01, v6  }
0x2a3: {  	v34 =	vmovc v7;
	v7 =	vld [tilespmem:s12+$0xFFFFFE80];
	[tilespmem:s16+$0xFFFFFFF0] =	vst v57;
	v2 =	vmax.f32 v2, v8;
	v8 =	vmul.f32 $2.000000030e-01, v4;
	v5 =	vadd.f32 v5, v52  }
0x2a4: {  	v57 =	vld [tilespmem:s20+$0xFFFFFE80];
	v56 =	vmul.f32 v56, v43;
	[tilespmem:s13+$0xFFFFFE10] =	vst v53;
	v53 =	vmul.f32 v58, v35  }
0x2a5: {  	v6 =	vmax.f32 v6, v63;
	v4 =	vmax.f32 v4, v8;
	v8 =	vmul.f32 $2.000000030e-01, v5  }
0x2a6: {  	v0 =	vadd.f32 v51, v0;
	v51 =	vld [tilespmem:s20+$0xFFFFFF00];
	v6 =	vmul.f32 v6, v43  }
0x2a7: {  	v1 =	vadd.f32 v56, v1;
	v56 =	vld [tilespmem:s12+$0xFFFFFF00];
	[tilespmem:s13+$0xFFFFFE20] =	vst v53;
	v5 =	vmax.f32 v5, v8  }
0x2a8: {  	v53 =	vld [tilespmem:s20+$0xFFFFFF80];
	v63 =	vmul.f32 v60, v22;
	v22 =	vmovc v47;
	v3 =	vadd.f32 v6, v3;
	v47 =	vmul.f32 v5, v10  }
0x2a9: {  	s17 =	sadd.s32 $0x4, s17;
	v43 =	vmul.f32 v58, v38;
	v58 =	vmul.f32 v58, v39;
	v6 =	vld [tilespmem:s12+$0xFFFFFF80]  }
0x2aa: {  	p0 =	slt.u32 s17, $0x24;
	v7 =	vadd.f32 v7, v57;
	v5 =	vmul.f32 v60, v23;
	v23 =	vmovc v44;
	v44 =	vadd.f32 v47, v3;
	v47 =	vld [tilespmem:$0x1FD70]  }
.Ltmp1:
0x2ab: {  	v2 =	vmul.f32 v2, v10;
	[tilespmem:s13+$0xFFFFFE30] =	vst v43;
	(pc) =	sbr.rel @p0 .LBB2_5-.Ltmp1, $4  }
0x2ac: {  	v35 =	vmovc v62;
	v62 =	vmul.f32 v4, v10;
	[tilespmem:s13+$0xFFFFFE40] =	vst v58;
	v43 =	vmul.f32 $2.000000030e-01, v7;
	v58 =	vadd.f32 v56, v51  }
0x2ad: {  	[tilespmem:s16+$0x0] =	vst v61;
	v39 =	vmov v57;
	v57 =	vadd.f32 v2, v0  }
0x2ae: {  	v38 =	vmovc v59;
	[tilespmem:s13+$0xFFFFFE60] =	vst v63;
	v56 =	vadd.f32 v62, v1;
	v43 =	vmax.f32 v7, v43;
	v63 =	vmul.f32 $2.000000030e-01, v58  }
0x2af: {  	s20 =	sadd.s32 $0x200, s20;
	[tilespmem:s13+$0xFFFFFE70] =	vst v5;
	v59 =	vadd.f32 v6, v53;
	v62 =	vmul.f32 v43, v13;
	v47 =	vmul.f32 v60, v47  }
0x2b0: {  	v3 =	vld [tilespmem:$0x1FF90];
	_ =	sdelay $0x2  }
0x2b1: {  	v0 =	vmul.f32 $2.000000030e-01, v59  }
0x2b2: {  	v1 =	vmax.f32 v58, v63  }
0x2b3: {  	v0 =	vmax.f32 v59, v0;
	v1 =	vmul.f32 v1, v3  }
0x2b4: {  	v2 =	vadd.f32 v62, v57;
	v0 =	vmul.f32 v0, v3  }
0x2b5: {  	v1 =	vadd.f32 v1, v56  }
0x2b6: {  	(xrf2) =	vadd.scan.msk.f32 $0xffff, v2;
	v0 =	vadd.f32 v0, v44  }
0x2b7: {  	(xrf2) =	vadd.scan.msk.f32 $0xffff, v1  }
0x2b8: {  	(xrf2) =	vadd.scan.msk.f32 $0xffff, v0;
	v0 =	vld [tilespmem:$0x1FDB0];
	_ =	sdelay $0x4  }
0x2b9: {  	v0 =	vmul.f32 v60, v0  }
0x2ba: {  	v1 =	vmul.f32 v60, v14;
	[tilespmem:s13+$0xFFFFFE80] =	vst v47  }
0x2bb: {  	[tilespmem:s13+$0xFFFFFE90] =	vst v0;
	v0 =	vmul.f32 v60, v20  }
0x2bc: {  	v2 =	vmul.f32 v60, v28;
	[tilespmem:s13+$0xFFFFFEA0] =	vst v1  }
0x2bd: {  	[tilespmem:s13+$0xFFFFFEB0] =	vst v0  }
0x2be: {  	v0 =	vld [tilespmem:$0x1FD80];
	[tilespmem:s13+$0xFFFFFEC0] =	vst v2  }
0x2bf: {  	v2 =	vld [tilespmem:$0x1FD90]  }
0x2c0: {  	v3 =	vld [tilespmem:$0x1FDA0];
	_ =	sdelay $0x2  }
0x2c1: {  	v0 =	vmul.f32 v55, v0  }
0x2c2: {  	v1 =	vmul.f32 v60, v32;
	v2 =	vmul.f32 v55, v2  }
0x2c3: {  	v3 =	vmul.f32 v55, v3  }
0x2c4: {  	[tilespmem:s13+$0xFFFFFED0] =	vst v1  }
0x2c5: {  	v4 =	vmul.f32 v55, v12;
	v5 =	vmul.f32 v55, v18;
	[tilespmem:s13+$0xFFFFFEF0] =	vst v0;
	v0, _, _ =	vpop (xrf2)  }
0x2c6: {  	v1 =	vmul.f32 v55, v11;
	[tilespmem:s13+$0xFFFFFF00] =	vst v2;
	v0 =	vmul.f32 $1.442695020e+00, v0;
	v2, _, _ =	vpop (xrf2)  }
0x2c7: {  	v6 =	vmul.f32 v55, v26;
	[tilespmem:s13+$0xFFFFFF10] =	vst v3;
	v2 =	vmul.f32 $1.442695020e+00, v2;
	v3, _, _ =	vpop (xrf2)  }
0x2c8: {  	[tilespmem:s13+$0xFFFFFF20] =	vst v1;
	v1 =	vmul.f32 $1.442695020e+00, v3;
	v0 =	vbroadcast v0, $0xF  }
0x2c9: {  	[tilespmem:s13+$0xFFFFFF30] =	vst v4;
	v3 =	vmul.f32 v55, v30;
	v2 =	vbroadcast v2, $0xF  }
0x2ca: {  	[tilespmem:s13+$0xFFFFFF40] =	vst v5;
	v1 =	vbroadcast v1, $0xF;
	(erf) = vpow2.f32 v0  }
0x2cb: {  	[tilespmem:s13+$0xFFFFFF50] =	vst v6;
	v0 =	vmul.f32 v61, v16;
	(erf) = vpow2.f32 v2  }
0x2cc: {  	[tilespmem:s13+$0xFFFFFF60] =	vst v3;
	v2 =	vmul.f32 v61, v17;
	(erf) = vpow2.f32 v1  }
0x2cd: {  	[tilespmem:s16+$0xFFFFFF80] =	vst v0;
	v0 =	vmul.f32 v61, v15  }
0x2ce: {  	v1 =	vmul.f32 v61, v19;
	[tilespmem:s16+$0xFFFFFF90] =	vst v2  }
0x2cf: {  	v2 =	vmul.f32 v61, v25;
	[tilespmem:s16+$0xFFFFFFB0] =	vst v0;
	v0 =	vmul.f32 v61, v21  }
0x2d0: {  	[tilespmem:s16+$0xFFFFFFA0] =	vst v1;
	v1 =	vmul.f32 v61, v27  }
0x2d1: {  	[tilespmem:s16+$0xFFFFFFC0] =	vst v2  }
0x2d2: {  	[tilespmem:s16+$0xFFFFFFD0] =	vst v1  }
0x2d3: {  	[tilespmem:s16+$0xFFFFFFE0] =	vst v0;
	v0 =	vpop (erf)  }
0x2d4: {  	[tilespmem:s16+$0xFFFFFE50] =	vst v0;
	v1 =	vpop (erf)  }
0x2d5: {  	v3 =	vmul.f32 v0, v29;
	[tilespmem:s16+$0xFFFFFEE0] =	vst v1;
	v2 =	vpop (erf)  }
0x2d6: {  	v4 =	vmul.f32 v0, v24;
	[tilespmem:s16+$0xFFFFFF70] =	vst v2  }
0x2d7: {  	[tilespmem:s16+$0xFFFFFDD0] =	vst v3;
	v3 =	vmul.f32 v0, v31  }
0x2d8: {  	[tilespmem:s16+$0xFFFFFDE0] =	vst v4;
	v4 =	vmul.f32 v0, v33  }
0x2d9: {  	[tilespmem:s16+$0xFFFFFDF0] =	vst v3;
	v3 =	vmul.f32 v0, v34  }
0x2da: {  	[tilespmem:s16+$0xFFFFFE00] =	vst v4;
	v4 =	vmul.f32 v0, v35  }
0x2db: {  	[tilespmem:s16+$0xFFFFFE10] =	vst v3;
	v3 =	vmul.f32 v0, v38  }
0x2dc: {  	[tilespmem:s16+$0xFFFFFE20] =	vst v4;
	v0 =	vmul.f32 v0, v39  }
0x2dd: {  	v4 =	vmul.f32 v1, v54;
	[tilespmem:s16+$0xFFFFFE30] =	vst v3  }
0x2de: {  	v3 =	vmul.f32 v1, v22;
	[tilespmem:s16+$0xFFFFFE40] =	vst v0  }
0x2df: {  	v0 =	vmul.f32 v1, v23;
	[tilespmem:s16+$0xFFFFFEC0] =	vst v4  }
0x2e0: {  	[tilespmem:s16+$0xFFFFFE60] =	vst v3;
	v3 =	vmul.f32 v1, v41  }
0x2e1: {  	[tilespmem:s16+$0xFFFFFE70] =	vst v0;
	v0 =	vmul.f32 v1, v46  }
0x2e2: {  	[tilespmem:s16+$0xFFFFFE80] =	vst v3;
	v3 =	vmul.f32 v1, v48  }
0x2e3: {  	[tilespmem:s16+$0xFFFFFE90] =	vst v0;
	v0 =	vmul.f32 v1, v50  }
0x2e4: {  	v1 =	vmul.f32 v1, v51;
	[tilespmem:s16+$0xFFFFFEA0] =	vst v3  }
0x2e5: {  	[tilespmem:s16+$0xFFFFFEB0] =	vst v0;
	v0 =	vmul.f32 v2, v36  }
0x2e6: {  	v3 =	vmul.f32 v2, v37;
	[tilespmem:s16+$0xFFFFFED0] =	vst v1  }
0x2e7: {  	v1 =	vmul.f32 v2, v40;
	[tilespmem:s16+$0xFFFFFEF0] =	vst v0  }
0x2e8: {  	v0 =	vmul.f32 v2, v42;
	[tilespmem:s16+$0xFFFFFF00] =	vst v3  }
0x2e9: {  	v3 =	vmul.f32 v2, v45;
	[tilespmem:s16+$0xFFFFFF10] =	vst v1  }
0x2ea: {  	v1 =	vmul.f32 v2, v49;
	[tilespmem:s16+$0xFFFFFF20] =	vst v0  }
0x2eb: {  	v0 =	vmul.f32 v2, v52;
	[tilespmem:s16+$0xFFFFFF30] =	vst v3  }
0x2ec: {  	v2 =	vmul.f32 v2, v53;
	[tilespmem:s16+$0xFFFFFF40] =	vst v1  }
0x2ed: {  	s11 =	smin.u32 s11, $0xF6;
	[tilespmem:s16+$0xFFFFFF50] =	vst v0  }
0x2ee: {  	s11 =	smul.u32 $0x28, s11;
	[tilespmem:s16+$0xFFFFFF60] =	vst v2  }
0x2ef: {  	[spmem:s4] =	stream.indirect.scatter.add.f32 [tilespmem:s18], [sflag:$0x5], $0x90, s24, s23, $0xb8;
	[tilespmem:$0x1DDB0] =	vst v63  }
0x2f0: {  	s10 =	sadd.s32 $0x1, s10;
	_ =	swait.ge [sflag:s19], $0x1680  }
0x2f1: {  	p0 =	sne.s32 s10, $0x7D;
	s11 =	sadd.s32 s11, s15;
	v0 =	vld [tilespmem:$0x1FFD0]  }
.Ltmp2:
0x2f2: {  	s11 =	sshrl.u32 s11, $0x3;
	[sflag:s19] =	ssyncset.done $0x0;
	v1 =	vld [tilespmem:$0x1FFE0];
	(pc) =	sbr.rel @p0 .LBB2_2-.Ltmp2, $4  }
0x2f3: {  	s12 =	sadd.s32 s7, s11;
	v2 =	vld [tilespmem:$0x1FFF0];
	[sflag:s19] =	ssyncadd.s32 $0xFFFFE980  }
0x2f4: {  	v3 =	vld [tilespmem:$0x1FFA0];
	[tilespmem:s23], [sflag:$0x4] =	stream.linear.gather [hbm4b:s12+s5], $0x28, $0x38  }
0x2f5: {  	s11 =	sadd.s32 s8, s11;
	v4 =	vld [tilespmem:$0x1FFB0]  }
0x2f6: {  	v5 =	vld [tilespmem:$0x1FFC0];
	[tilespmem:s24], [sflag:$0x4] =	stream.linear.gather [hbm4b:s11+s5], $0x28, $0x38  }
0x2f7: {  	_ =	swait.ge [sflag:s30], $0x28  }
0x2f8: {  	[sflag:s30] =	ssyncset.done $0x0  }
0x2f9: {  	[sflag:s30] =	ssyncadd.s32 $0xFFFFFFD8  }
0x2fa: {  	_ =	swait.ge [sflag:s30], $0x28  }
0x2fb: {  	[sflag:s30] =	ssyncset.done $0x0  }
0x2fc: {  	[sflag:s30] =	ssyncadd.s32 $0xFFFFFFD8  }
0x2fd: {  	_ =	swait.ge [sflag:s29], $0x1400  }
0x2fe: {  	[sflag:s29] =	ssyncset.done $0x0  }
0x2ff: {  	[sflag:s29] =	ssyncadd.s32 $0xFFFFEC00  }
0x300: {  	_ =	swait.ge [sflag:s29], $0x1400  }
0x301: {  	[sflag:s29] =	ssyncset.done $0x0  }
0x302: {  	[sflag:s29] =	ssyncadd.s32 $0xFFFFEC00  }
0x303: {  	[bflag:$0x0] =	sbarrier.arrive $0xFFFF  }
0x304: {  	s10 =	rddreg [dreg:$0xa]  }
0x305: {  	s13 =	rddreg [dreg:$0xc]  }
0x306: {  	[hbm:s10], [sflag:s21] =	dma.local [spmem:s13], $0x2BF2  }
0x307: {  	_ =	swait.ge [sflag:s19], $0x2BF2  }
0x308: {  	s12 =	smov.u32 s21;
	s9 =	sadd.s32 $0x1, s9;
	s21 =	rddreg [dreg:$0xb]  }
0x309: {  	p0 =	sne.s32 s9, s21  }
.Ltmp3:
0x30a: {  	_ = 	snop;
	(pc) =	sbr.rel @p0 .LBB2_1-.Ltmp3, $3  }
0x30b: {  	_ =	sdelay $0x1  }
0x30c: {  	[sflag:s19] =	ssyncset.done $0x0  }
0x30d: {  	[sflag:s19] =	ssyncadd.s32 $0xFFFFD40E  }
0x30e: {  	_ =	sfence.sel $0x180000  }
0x30f: {  	[bflag:$0x0] =	sbarrier.arrive $0xFFFF  }
0x310: {  	_ =	strace $0x90000047  }
0x311: {  	s0 =	stileid.u32;
	[bflag:$0x2] =	sbarrier.arrive $0xFFFF  }
0x312: {  	p0 =	sne.s32 s0, $0x0;
	s0 =	rddreg [dreg:$0x4]  }
0x313: {  	s0 =	sadd.s32 @!p0 $0x100000, s0  }
0x314: {  	[sflag:s0] =	ssyncadd.tile.s32 @!p0 $0x1;
	_ =	shalt  }
.Lfunc_end2:
_tile_overlayer_lowered:
.L_overlay_start_2:
0x315: {  	(tag) =	ssettag $0x2  }
0x316: {  	s0 =	rddreg [dreg:$0x0];
	s2 =	stileid.u32  }
0x317: {  	s1 =	rddreg [dreg:$0x1];
	p0 =	sne.s32 s2, $0x0  }
0x318: {  	s3 =	rddreg [dreg:$0x2];
	[bflag:$0x3] =	sbarrier.arrive $0xFFFF;
	s2 =	simm.s32 @!p0 $0x1C05  }
0x319: {  	[timem:s3], [sflag:s2] =	dma.local @!p0 [hbm:s0], s1  }
0x31a: {  	s0 =	simm.s32 @!p0 $0x5  }
0x31b: {  	_ =	swait.ge @!p0 [sflag:s0], s1  }
0x31c: {  	s1 =	ssub.s32 @!p0 $0x0, s1;
	[sflag:s0] =	ssyncset.done @!p0 $0x0  }
0x31d: {  	[sflag:s0] =	ssyncadd.s32 @!p0 s1  }
0x31e: {  	[bflag:$0x3] =	sbarrier.arrive $0xFFFF  }
0x31f: {  	_ =	shalt  }

</sc_bundles>
